<compile_context>
chip_gen: v7x
topology: tpu7x:2x2x1
jax: 0.10.2.dev20260603
libtpu: 0.0.44.dev20260713+nightly
codegen_flags: <defaults>
</compile_context>

<pallas_src>
import functools

import jax
import jax.numpy as jnp
from jax import lax
from jax.experimental import pallas as pl
from jax.experimental.pallas import tpu as pltpu
from jax.experimental.pallas import tpu_sc as plsc

N = 10000
E = 320000
D = 128
NC = 2
NS = 16
NW = NC * NS
EW = E // NW
B = 100
NCH = EW // B
TRIPLES = 33
RPT = 624
WB = 80
CW = 2000

_mesh = plsc.VectorSubcoreMesh(core_axis_name="c", subcore_axis_name="s")


@functools.partial(
    pl.kernel,
    out_type=(
        jax.ShapeDtypeStruct((NC, N, D), jnp.float32),
        jax.ShapeDtypeStruct((N,), jnp.float32),
        jax.ShapeDtypeStruct((N,), jnp.float32),
    ),
    mesh=_mesh,
    scratch_types=[
        pltpu.VMEM_SHARED((N, D), jnp.float32),
        pltpu.VMEM_SHARED((N,), jnp.float32),
        pltpu.VMEM((1, B), jnp.int32),
        pltpu.VMEM((1, B), jnp.int32),
        pltpu.VMEM((1, B), jnp.int32),
        pltpu.VMEM((1, B), jnp.int32),
        pltpu.VMEM((1, B), jnp.int32),
        pltpu.VMEM((1, B), jnp.int32),
        pltpu.VMEM((B, D), jnp.float32),
        pltpu.VMEM((B, D), jnp.float32),
        pltpu.VMEM((B, D), jnp.float32),
        pltpu.VMEM((128,), jnp.float32),
        pltpu.VMEM((CW,), jnp.float32),
        pltpu.SemaphoreType.DMA,
        pltpu.SemaphoreType.DMA,
        pltpu.SemaphoreType.DMA,
        pltpu.SemaphoreType.DMA,
        pltpu.SemaphoreType.DMA,
        pltpu.SemaphoreType.DMA,
    ],
)
def _sc_aggregate(e_hbm, x_hbm, agg_hbm, cnt0_hbm, cnt1_hbm,
                  agg_sh, cnt_sh, src0, src1, src2, dst0, dst1, dst2,
                  rows0_v, rows1_v, rows2_v, ones_v, cw_v,
                  isem0, isem1, isem2, sem0, sem1, sem2):
    c = lax.axis_index("c")
    s = lax.axis_index("s")
    wid = c * NS + s

    srcs = (src0, src1, src2)
    dsts = (dst0, dst1, dst2)
    rows = (rows0_v, rows1_v, rows2_v)
    isems = (isem0, isem1, isem2)
    sems = (sem0, sem1, sem2)

    def _idx_load(k, t):
        pltpu.async_copy(e_hbm.at[0, wid, k], srcs[t], isems[t])
        pltpu.async_copy(e_hbm.at[1, wid, k], dsts[t], isems[t])

    def _idx_wait(k, t):
        pltpu.make_async_copy(e_hbm.at[0, wid, k], srcs[t], isems[t]).wait()
        pltpu.make_async_copy(e_hbm.at[1, wid, k], dsts[t], isems[t]).wait()

    def _gather(k, t):
        pltpu.async_copy(x_hbm.at[srcs[t].at[0]], rows[t], sems[t])

    def _gather_wait(k, t):
        pltpu.make_async_copy(x_hbm.at[srcs[t].at[0]], rows[t],
                              sems[t]).wait()

    _idx_load(0, 0)
    _idx_load(1, 1)
    _idx_load(2, 2)

    zero16 = jnp.zeros((16,), jnp.float32)
    one16 = jnp.ones((16,), jnp.float32)

    def _zrow(r, carry):
        for k in range(D // 16):
            rows0_v[r, pl.ds(k * 16, 16)] = zero16
        return carry
    lax.fori_loop(0, WB, _zrow, 0)

    for k in range(8):
        ones_v[pl.ds(k * 16, 16)] = one16

    zrows = rows0_v.at[pl.ds(0, WB)]
    row0 = s * RPT
    for k in range(7):
        pltpu.sync_copy(zrows, agg_sh.at[pl.ds(row0 + k * WB, WB)])
    pltpu.sync_copy(rows0_v.at[pl.ds(0, 64)],
                    agg_sh.at[pl.ds(row0 + 560, 64)])

    @pl.when(s == NS - 1)
    def _zero_tail():
        pltpu.sync_copy(rows0_v.at[pl.ds(0, 16)], agg_sh.at[pl.ds(N - 16, 16)])

    @pl.when(s == 0)
    def _zero_cnt():
        def _zc(r, carry):
            cw_v[pl.ds(r * 16, 16)] = zero16
            return carry
        lax.fori_loop(0, CW // 16, _zc, 0)
        for k in range(N // CW):
            pltpu.sync_copy(cw_v, cnt_sh.at[pl.ds(k * CW, CW)])

    plsc.subcore_barrier()

    ones_b = ones_v.at[pl.ds(0, B)]

    _idx_wait(0, 0)
    _gather(0, 0)
    _idx_wait(1, 1)
    _gather(1, 1)

    def _step(k, t, j, last3, last2):
        _gather_wait(k, t)
        pltpu.sync_copy(rows[t], agg_sh.at[dsts[t].at[0]], add=True)
        pltpu.sync_copy(ones_b, cnt_sh.at[dsts[t].at[0]], add=True)

        if last3 is None:
            _idx_load(k + 3, t)
        else:
            @pl.when(j < last3)
            def _l3():
                _idx_load(k + 3, t)

        u = (t + 2) % 3
        if last2 is None:
            _idx_wait(k + 2, u)
            _gather(k + 2, u)
        else:
            @pl.when(j < last2)
            def _l2():
                _idx_wait(k + 2, u)
                _gather(k + 2, u)

    def _triple(j, carry):
        k = 3 * j
        _step(k, 0, j, None, None)
        _step(k + 1, 1, j, TRIPLES - 1, None)
        _step(k + 2, 2, j, TRIPLES - 1, TRIPLES - 1)
        return carry
    lax.fori_loop(0, TRIPLES, _triple, 0)

    _gather_wait(NCH - 1, 0)
    pltpu.sync_copy(rows[0], agg_sh.at[dsts[0].at[0]], add=True)
    pltpu.sync_copy(ones_b, cnt_sh.at[dsts[0].at[0]], add=True)

    plsc.subcore_barrier()

    for k in range(7):
        r0 = row0 + k * WB
        pltpu.sync_copy(agg_sh.at[pl.ds(r0, WB)], zrows)
        pltpu.sync_copy(zrows, agg_hbm.at[c, pl.ds(r0, WB)])
    r64 = row0 + 560
    b64 = rows0_v.at[pl.ds(0, 64)]
    pltpu.sync_copy(agg_sh.at[pl.ds(r64, 64)], b64)
    pltpu.sync_copy(b64, agg_hbm.at[c, pl.ds(r64, 64)])

    @pl.when(s == NS - 1)
    def _write_tail():
        b16 = rows1_v.at[pl.ds(0, 16)]
        pltpu.sync_copy(agg_sh.at[pl.ds(N - 16, 16)], b16)
        pltpu.sync_copy(b16, agg_hbm.at[c, pl.ds(N - 16, 16)])

    @pl.when(jnp.logical_and(s == 0, c == 0))
    def _write_cnt0():
        for k in range(N // CW):
            pltpu.sync_copy(cnt_sh.at[pl.ds(k * CW, CW)], cw_v)
            pltpu.sync_copy(cw_v, cnt0_hbm.at[pl.ds(k * CW, CW)])

    @pl.when(jnp.logical_and(s == 0, c == 1))
    def _write_cnt1():
        for k in range(N // CW):
            pltpu.sync_copy(cnt_sh.at[pl.ds(k * CW, CW)], cw_v)
            pltpu.sync_copy(cw_v, cnt1_hbm.at[pl.ds(k * CW, CW)])


BLK = 5000


def _tc_body(agg_ref, cnt0_ref, cnt1_ref, x_ref, wl_ref, bl_ref, wr_ref,
             o_ref):
    agg = agg_ref[0] + agg_ref[1]
    cnt = cnt0_ref[...] + cnt1_ref[...]
    mean = agg * (1.0 / jnp.maximum(cnt, 1.0))
    o_ref[...] = (
        jnp.dot(mean, wl_ref[...], preferred_element_type=jnp.float32)
        + jnp.dot(x_ref[...], wr_ref[...], preferred_element_type=jnp.float32)
        + bl_ref[...]
    )


def kernel(x, edge_index, W_l, b_l, W_r):
    edges = edge_index.astype(jnp.int32).reshape(2, NW, NCH, 1, B)

    agg2, cnt0, cnt1 = _sc_aggregate(edges, x)

    cnt0 = cnt0.reshape(N, 1)
    cnt1 = cnt1.reshape(N, 1)
    b2 = b_l.reshape(1, D)

    out = pl.pallas_call(
        _tc_body,
        grid=(N // BLK,),
        in_specs=[
            pl.BlockSpec((NC, BLK, D), lambda i: (0, i, 0)),
            pl.BlockSpec((BLK, 1), lambda i: (i, 0)),
            pl.BlockSpec((BLK, 1), lambda i: (i, 0)),
            pl.BlockSpec((BLK, D), lambda i: (i, 0)),
            pl.BlockSpec((D, D), lambda i: (0, 0)),
            pl.BlockSpec((1, D), lambda i: (0, 0)),
            pl.BlockSpec((D, D), lambda i: (0, 0)),
        ],
        out_specs=pl.BlockSpec((BLK, D), lambda i: (i, 0)),
        out_shape=jax.ShapeDtypeStruct((N, D), jnp.float32),
    )(agg2, cnt0, cnt1, x, W_l, b2, W_r)
    return out

# --- scband reference (transcript-rebuilt; emitter-appended) ---
"""Pipeline reference for scband-umlsgraph-embedding-36206574305712 (READ-ONLY COPY).

The authoritative reference and input builder live on the scoring server;
editing this copy changes nothing except your own understanding.
"""

import jax, jax.numpy as jnp
import numpy as np

N_NODES = 10000
N_EDGES = 320000
DIM = 128

def setup_inputs(seed: int = 0) -> dict:
    key = jax.random.key(seed)
    k1, k2, k3, k4, k5 = jax.random.split(key, 5)
    x = jax.random.normal(k1, (N_NODES, DIM), dtype=jnp.float32)
    edge_index = jax.random.randint(k2, (2, N_EDGES), 0, N_NODES, dtype=jnp.int64)
    # SAGEConv parameters: lin_l (neighbor transform, with bias), lin_r (root transform, no bias)
    scale = 1.0 / np.sqrt(DIM)
    W_l = jax.random.normal(k3, (DIM, DIM), dtype=jnp.float32) * scale
    b_l = jnp.zeros((DIM,), dtype=jnp.float32)
    W_r = jax.random.normal(k4, (DIM, DIM), dtype=jnp.float32) * scale
    return {"x": x, "edge_index": edge_index, "W_l": W_l, "b_l": b_l, "W_r": W_r}

def reference(x, edge_index, W_l, b_l, W_r):
    # Heterogeneous GNN with a single edge type ('cui','umls','cui') and a single
    # SAGEConv (aggr='mean', normalize=False) layer; HeteroConv sum-aggregation over
    # one edge type is identity, and a single filter stack means no max over stacks.
    src = edge_index[0]
    dst = edge_index[1]
    # gather source node features along edges (SparseCore gather)
    msg = jnp.take(x, src, axis=0)
    # mean aggregation at destination nodes (SparseCore scatter-add / segment_sum)
    agg = jax.ops.segment_sum(msg, dst, num_segments=N_NODES)
    cnt = jax.ops.segment_sum(jnp.ones((msg.shape[0],), dtype=jnp.float32), dst, num_segments=N_NODES)
    mean_agg = agg / jnp.clip(cnt, 1.0, None)[:, None]
    # SAGEConv: lin_l(mean_aggr(x_j)) + lin_r(x_i)
    out = mean_agg @ W_l + b_l + x @ W_r
    return out

if __name__ == "__main__":
    import jax
    _d = setup_inputs()
    print(jax.jit(kernel)(*tuple(_d.values())))

</pallas_src>

<mosaic_0001>
#map = affine_map<(d0, d1) -> (0, 0, 0, 0, 0)>
#map1 = affine_map<(d0, d1) -> (0, 0)>
#map2 = affine_map<(d0, d1) -> (0, 0, 0)>
#map3 = affine_map<(d0, d1) -> (0)>
module attributes {stable_mosaic.version = 14 : i64} {
  func.func @_sc_aggregate(%arg0: i32, %arg1: i32, %arg2: memref<2x32x100x1x100xi32, #tpu.memory_space<hbm>>, %arg3: memref<10000x128xf32, #tpu.memory_space<hbm>>, %arg4: memref<2x10000x128xf32, #tpu.memory_space<hbm>>, %arg5: memref<10000xf32, #tpu.memory_space<hbm>>, %arg6: memref<10000xf32, #tpu.memory_space<hbm>>, %arg7: memref<10000x128xf32, #tpu.memory_space<vmem_shared>>, %arg8: memref<10000xf32, #tpu.memory_space<vmem_shared>>, %arg9: memref<1x100xi32, #tpu.memory_space<vmem>>, %arg10: memref<1x100xi32, #tpu.memory_space<vmem>>, %arg11: memref<1x100xi32, #tpu.memory_space<vmem>>, %arg12: memref<1x100xi32, #tpu.memory_space<vmem>>, %arg13: memref<1x100xi32, #tpu.memory_space<vmem>>, %arg14: memref<1x100xi32, #tpu.memory_space<vmem>>, %arg15: memref<100x128xf32, #tpu.memory_space<vmem>>, %arg16: memref<100x128xf32, #tpu.memory_space<vmem>>, %arg17: memref<100x128xf32, #tpu.memory_space<vmem>>, %arg18: memref<128xf32, #tpu.memory_space<vmem>>, %arg19: memref<2000xf32, #tpu.memory_space<vmem>>, %arg20: memref<!tpu.dma_semaphore, #tpu.memory_space<semaphore_mem>>, %arg21: memref<!tpu.dma_semaphore, #tpu.memory_space<semaphore_mem>>, %arg22: memref<!tpu.dma_semaphore, #tpu.memory_space<semaphore_mem>>, %arg23: memref<!tpu.dma_semaphore, #tpu.memory_space<semaphore_mem>>, %arg24: memref<!tpu.dma_semaphore, #tpu.memory_space<semaphore_mem>>, %arg25: memref<!tpu.dma_semaphore, #tpu.memory_space<semaphore_mem>>) attributes {dimension_semantics = [#tpu.dimension_semantics<core_parallel>, #tpu.dimension_semantics<subcore_parallel>], iteration_bounds = array<i64: 2, 16>, scalar_prefetch = 0 : i64, scratch_operands = 19 : i64, tpu.core_type = #tpu.core_type<sc_vector_subcore>, window_params = [{transform_indices = #map}, {transform_indices = #map1}, {transform_indices = #map2}, {transform_indices = #map3}, {transform_indices = #map3}]} {
    %mul3A = arith.constant 16 : i32
    %mul3A_0 = arith.muli %arg0, %mul3A : i32
    %add3A = arith.addi %mul3A_0, %arg1 : i32
    %dma_start3A = arith.constant 0 : i32
    %dma_start3A_1 = arith.constant 0 : i32
    %dma_start3A_2 = arith.constant 0 : i32
    %dma_start3A_3 = arith.constant 0 : i32
    %dma_start3A_4 = tpu.memref_slice %arg2[%dma_start3A, %add3A, %dma_start3A_1, %dma_start3A_2, %dma_start3A_3] : memref<2x32x100x1x100xi32, #tpu.memory_space<hbm>> -> memref<1x1x1x1x100xi32, #tpu.memory_space<hbm>>
    %dma_start3A_5 = tpu.memref_squeeze %dma_start3A_4 : memref<1x1x1x1x100xi32, #tpu.memory_space<hbm>> -> memref<1x100xi32, #tpu.memory_space<hbm>>
    %dma_start3A_6 = arith.constant 0 : i32
    %dma_start3A_7 = arith.constant 0 : i32
    %dma_start3A_8 = tpu.memref_slice %arg2[%dma_start3A, %add3A, %dma_start3A_1, %dma_start3A_6, %dma_start3A_7] : memref<2x32x100x1x100xi32, #tpu.memory_space<hbm>> -> memref<1x1x1x1x100xi32, #tpu.memory_space<hbm>>
    %dma_start3A_9 = tpu.memref_squeeze %dma_start3A_8 : memref<1x1x1x1x100xi32, #tpu.memory_space<hbm>> -> memref<1x100xi32, #tpu.memory_space<hbm>>
    tpu.enqueue_dma source(%dma_start3A_9 : memref<1x100xi32, #tpu.memory_space<hbm>>) target(%arg9 : memref<1x100xi32, #tpu.memory_space<vmem>>) target_semaphore(%arg20 : memref<!tpu.dma_semaphore, #tpu.memory_space<semaphore_mem>>)
    %dma_start3A_10 = arith.constant 1 : i32
    %dma_start3A_11 = arith.constant 0 : i32
    %dma_start3A_12 = arith.constant 0 : i32
    %dma_start3A_13 = arith.constant 0 : i32
    %dma_start3A_14 = tpu.memref_slice %arg2[%dma_start3A_10, %add3A, %dma_start3A_11, %dma_start3A_12, %dma_start3A_13] : memref<2x32x100x1x100xi32, #tpu.memory_space<hbm>> -> memref<1x1x1x1x100xi32, #tpu.memory_space<hbm>>
    %dma_start3A_15 = tpu.memref_squeeze %dma_start3A_14 : memref<1x1x1x1x100xi32, #tpu.memory_space<hbm>> -> memref<1x100xi32, #tpu.memory_space<hbm>>
    %dma_start3A_16 = arith.constant 0 : i32
    %dma_start3A_17 = arith.constant 0 : i32
    %dma_start3A_18 = tpu.memref_slice %arg2[%dma_start3A_10, %add3A, %dma_start3A_11, %dma_start3A_16, %dma_start3A_17] : memref<2x32x100x1x100xi32, #tpu.memory_space<hbm>> -> memref<1x1x1x1x100xi32, #tpu.memory_space<hbm>>
    %dma_start3A_19 = tpu.memref_squeeze %dma_start3A_18 : memref<1x1x1x1x100xi32, #tpu.memory_space<hbm>> -> memref<1x100xi32, #tpu.memory_space<hbm>>
    tpu.enqueue_dma source(%dma_start3A_19 : memref<1x100xi32, #tpu.memory_space<hbm>>) target(%arg12 : memref<1x100xi32, #tpu.memory_space<vmem>>) target_semaphore(%arg20 : memref<!tpu.dma_semaphore, #tpu.memory_space<semaphore_mem>>)
    %dma_start3A_20 = arith.constant 0 : i32
    %dma_start3A_21 = arith.constant 1 : i32
    %dma_start3A_22 = arith.constant 0 : i32
    %dma_start3A_23 = arith.constant 0 : i32
    %dma_start3A_24 = tpu.memref_slice %arg2[%dma_start3A_20, %add3A, %dma_start3A_21, %dma_start3A_22, %dma_start3A_23] : memref<2x32x100x1x100xi32, #tpu.memory_space<hbm>> -> memref<1x1x1x1x100xi32, #tpu.memory_space<hbm>>
    %dma_start3A_25 = tpu.memref_squeeze %dma_start3A_24 : memref<1x1x1x1x100xi32, #tpu.memory_space<hbm>> -> memref<1x100xi32, #tpu.memory_space<hbm>>
    %dma_start3A_26 = arith.constant 0 : i32
    %dma_start3A_27 = arith.constant 0 : i32
    %dma_start3A_28 = tpu.memref_slice %arg2[%dma_start3A_20, %add3A, %dma_start3A_21, %dma_start3A_26, %dma_start3A_27] : memref<2x32x100x1x100xi32, #tpu.memory_space<hbm>> -> memref<1x1x1x1x100xi32, #tpu.memory_space<hbm>>
    %dma_start3A_29 = tpu.memref_squeeze %dma_start3A_28 : memref<1x1x1x1x100xi32, #tpu.memory_space<hbm>> -> memref<1x100xi32, #tpu.memory_space<hbm>>
    tpu.enqueue_dma source(%dma_start3A_29 : memref<1x100xi32, #tpu.memory_space<hbm>>) target(%arg10 : memref<1x100xi32, #tpu.memory_space<vmem>>) target_semaphore(%arg21 : memref<!tpu.dma_semaphore, #tpu.memory_space<semaphore_mem>>)
    %dma_start3A_30 = arith.constant 1 : i32
    %dma_start3A_31 = arith.constant 1 : i32
    %dma_start3A_32 = arith.constant 0 : i32
    %dma_start3A_33 = arith.constant 0 : i32
    %dma_start3A_34 = tpu.memref_slice %arg2[%dma_start3A_30, %add3A, %dma_start3A_31, %dma_start3A_32, %dma_start3A_33] : memref<2x32x100x1x100xi32, #tpu.memory_space<hbm>> -> memref<1x1x1x1x100xi32, #tpu.memory_space<hbm>>
    %dma_start3A_35 = tpu.memref_squeeze %dma_start3A_34 : memref<1x1x1x1x100xi32, #tpu.memory_space<hbm>> -> memref<1x100xi32, #tpu.memory_space<hbm>>
    %dma_start3A_36 = arith.constant 0 : i32
    %dma_start3A_37 = arith.constant 0 : i32
    %dma_start3A_38 = tpu.memref_slice %arg2[%dma_start3A_30, %add3A, %dma_start3A_31, %dma_start3A_36, %dma_start3A_37] : memref<2x32x100x1x100xi32, #tpu.memory_space<hbm>> -> memref<1x1x1x1x100xi32, #tpu.memory_space<hbm>>
    %dma_start3A_39 = tpu.memref_squeeze %dma_start3A_38 : memref<1x1x1x1x100xi32, #tpu.memory_space<hbm>> -> memref<1x100xi32, #tpu.memory_space<hbm>>
    tpu.enqueue_dma source(%dma_start3A_39 : memref<1x100xi32, #tpu.memory_space<hbm>>) target(%arg13 : memref<1x100xi32, #tpu.memory_space<vmem>>) target_semaphore(%arg21 : memref<!tpu.dma_semaphore, #tpu.memory_space<semaphore_mem>>)
    %dma_start3A_40 = arith.constant 0 : i32
    %dma_start3A_41 = arith.constant 2 : i32
    %dma_start3A_42 = arith.constant 0 : i32
    %dma_start3A_43 = arith.constant 0 : i32
    %dma_start3A_44 = tpu.memref_slice %arg2[%dma_start3A_40, %add3A, %dma_start3A_41, %dma_start3A_42, %dma_start3A_43] : memref<2x32x100x1x100xi32, #tpu.memory_space<hbm>> -> memref<1x1x1x1x100xi32, #tpu.memory_space<hbm>>
    %dma_start3A_45 = tpu.memref_squeeze %dma_start3A_44 : memref<1x1x1x1x100xi32, #tpu.memory_space<hbm>> -> memref<1x100xi32, #tpu.memory_space<hbm>>
    %dma_start3A_46 = arith.constant 0 : i32
    %dma_start3A_47 = arith.constant 0 : i32
    %dma_start3A_48 = tpu.memref_slice %arg2[%dma_start3A_40, %add3A, %dma_start3A_41, %dma_start3A_46, %dma_start3A_47] : memref<2x32x100x1x100xi32, #tpu.memory_space<hbm>> -> memref<1x1x1x1x100xi32, #tpu.memory_space<hbm>>
    %dma_start3A_49 = tpu.memref_squeeze %dma_start3A_48 : memref<1x1x1x1x100xi32, #tpu.memory_space<hbm>> -> memref<1x100xi32, #tpu.memory_space<hbm>>
    tpu.enqueue_dma source(%dma_start3A_49 : memref<1x100xi32, #tpu.memory_space<hbm>>) target(%arg11 : memref<1x100xi32, #tpu.memory_space<vmem>>) target_semaphore(%arg22 : memref<!tpu.dma_semaphore, #tpu.memory_space<semaphore_mem>>)
    %dma_start3A_50 = arith.constant 1 : i32
    %dma_start3A_51 = arith.constant 2 : i32
    %dma_start3A_52 = arith.constant 0 : i32
    %dma_start3A_53 = arith.constant 0 : i32
    %dma_start3A_54 = tpu.memref_slice %arg2[%dma_start3A_50, %add3A, %dma_start3A_51, %dma_start3A_52, %dma_start3A_53] : memref<2x32x100x1x100xi32, #tpu.memory_space<hbm>> -> memref<1x1x1x1x100xi32, #tpu.memory_space<hbm>>
    %dma_start3A_55 = tpu.memref_squeeze %dma_start3A_54 : memref<1x1x1x1x100xi32, #tpu.memory_space<hbm>> -> memref<1x100xi32, #tpu.memory_space<hbm>>
    %dma_start3A_56 = arith.constant 0 : i32
    %dma_start3A_57 = arith.constant 0 : i32
    %dma_start3A_58 = tpu.memref_slice %arg2[%dma_start3A_50, %add3A, %dma_start3A_51, %dma_start3A_56, %dma_start3A_57] : memref<2x32x100x1x100xi32, #tpu.memory_space<hbm>> -> memref<1x1x1x1x100xi32, #tpu.memory_space<hbm>>
    %dma_start3A_59 = tpu.memref_squeeze %dma_start3A_58 : memref<1x1x1x1x100xi32, #tpu.memory_space<hbm>> -> memref<1x100xi32, #tpu.memory_space<hbm>>
    tpu.enqueue_dma source(%dma_start3A_59 : memref<1x100xi32, #tpu.memory_space<hbm>>) target(%arg14 : memref<1x100xi32, #tpu.memory_space<vmem>>) target_semaphore(%arg22 : memref<!tpu.dma_semaphore, #tpu.memory_space<semaphore_mem>>)
    %broadcast_in_dim3A = arith.constant 0.000000e+00 : f32
    %broadcast_in_dim3A_60 = vector.broadcast %broadcast_in_dim3A : f32 to vector<16xf32>
    %broadcast_in_dim3A_61 = arith.constant 1.000000e+00 : f32
    %broadcast_in_dim3A_62 = vector.broadcast %broadcast_in_dim3A_61 : f32 to vector<16xf32>
    %scan3A = arith.constant 0 : i32
    %scan3A_63 = arith.constant 0 : i32
    %scan3A_64 = arith.constant 80 : i32
    %scan3A_65 = arith.addi %scan3A_63, %scan3A_64 : i32
    %scan3A_66 = arith.constant 1 : i32
    scf.for %scan3A_228 = %scan3A_63 to %scan3A_65 step %scan3A_66  : i32 {
      %swap3A_229 = arith.index_cast %scan3A_228 : i32 to index
      %swap3A_230 = arith.constant 0 : index
      %swap3A_231 = tpu.vector_load %arg15[%swap3A_229, %swap3A_230] {strides = array<i32>} : memref<100x128xf32, #tpu.memory_space<vmem>>, vector<1x16xf32>,
      %swap3A_232 = vector.shape_cast %swap3A_231 : vector<1x16xf32> to vector<16xf32>
      %swap3A_233 = vector.shape_cast %broadcast_in_dim3A_60 : vector<16xf32> to vector<1x16xf32>
      tpu.vector_store %arg15[%swap3A_229, %swap3A_230], %swap3A_233 {strides = array<i32>} : memref<100x128xf32, #tpu.memory_space<vmem>>, vector<1x16xf32>,
      %swap3A_234 = arith.index_cast %scan3A_228 : i32 to index
      %swap3A_235 = arith.constant 16 : index
      %swap3A_236 = tpu.vector_load %arg15[%swap3A_234, %swap3A_235] {strides = array<i32>} : memref<100x128xf32, #tpu.memory_space<vmem>>, vector<1x16xf32>,
      %swap3A_237 = vector.shape_cast %swap3A_236 : vector<1x16xf32> to vector<16xf32>
      %swap3A_238 = vector.shape_cast %broadcast_in_dim3A_60 : vector<16xf32> to vector<1x16xf32>
      tpu.vector_store %arg15[%swap3A_234, %swap3A_235], %swap3A_238 {strides = array<i32>} : memref<100x128xf32, #tpu.memory_space<vmem>>, vector<1x16xf32>,
      %swap3A_239 = arith.index_cast %scan3A_228 : i32 to index
      %swap3A_240 = arith.constant 32 : index
      %swap3A_241 = tpu.vector_load %arg15[%swap3A_239, %swap3A_240] {strides = array<i32>} : memref<100x128xf32, #tpu.memory_space<vmem>>, vector<1x16xf32>,
      %swap3A_242 = vector.shape_cast %swap3A_241 : vector<1x16xf32> to vector<16xf32>
      %swap3A_243 = vector.shape_cast %broadcast_in_dim3A_60 : vector<16xf32> to vector<1x16xf32>
      tpu.vector_store %arg15[%swap3A_239, %swap3A_240], %swap3A_243 {strides = array<i32>} : memref<100x128xf32, #tpu.memory_space<vmem>>, vector<1x16xf32>,
      %swap3A_244 = arith.index_cast %scan3A_228 : i32 to index
      %swap3A_245 = arith.constant 48 : index
      %swap3A_246 = tpu.vector_load %arg15[%swap3A_244, %swap3A_245] {strides = array<i32>} : memref<100x128xf32, #tpu.memory_space<vmem>>, vector<1x16xf32>,
      %swap3A_247 = vector.shape_cast %swap3A_246 : vector<1x16xf32> to vector<16xf32>
      %swap3A_248 = vector.shape_cast %broadcast_in_dim3A_60 : vector<16xf32> to vector<1x16xf32>
      tpu.vector_store %arg15[%swap3A_244, %swap3A_245], %swap3A_248 {strides = array<i32>} : memref<100x128xf32, #tpu.memory_space<vmem>>, vector<1x16xf32>,
      %swap3A_249 = arith.index_cast %scan3A_228 : i32 to index
      %swap3A_250 = arith.constant 64 : index
      %swap3A_251 = tpu.vector_load %arg15[%swap3A_249, %swap3A_250] {strides = array<i32>} : memref<100x128xf32, #tpu.memory_space<vmem>>, vector<1x16xf32>,
      %swap3A_252 = vector.shape_cast %swap3A_251 : vector<1x16xf32> to vector<16xf32>
      %swap3A_253 = vector.shape_cast %broadcast_in_dim3A_60 : vector<16xf32> to vector<1x16xf32>
      tpu.vector_store %arg15[%swap3A_249, %swap3A_250], %swap3A_253 {strides = array<i32>} : memref<100x128xf32, #tpu.memory_space<vmem>>, vector<1x16xf32>,
      %swap3A_254 = arith.index_cast %scan3A_228 : i32 to index
      %swap3A_255 = arith.constant 80 : index
      %swap3A_256 = tpu.vector_load %arg15[%swap3A_254, %swap3A_255] {strides = array<i32>} : memref<100x128xf32, #tpu.memory_space<vmem>>, vector<1x16xf32>,
      %swap3A_257 = vector.shape_cast %swap3A_256 : vector<1x16xf32> to vector<16xf32>
      %swap3A_258 = vector.shape_cast %broadcast_in_dim3A_60 : vector<16xf32> to vector<1x16xf32>
      tpu.vector_store %arg15[%swap3A_254, %swap3A_255], %swap3A_258 {strides = array<i32>} : memref<100x128xf32, #tpu.memory_space<vmem>>, vector<1x16xf32>,
      %swap3A_259 = arith.index_cast %scan3A_228 : i32 to index
      %swap3A_260 = arith.constant 96 : index
      %swap3A_261 = tpu.vector_load %arg15[%swap3A_259, %swap3A_260] {strides = array<i32>} : memref<100x128xf32, #tpu.memory_space<vmem>>, vector<1x16xf32>,
      %swap3A_262 = vector.shape_cast %swap3A_261 : vector<1x16xf32> to vector<16xf32>
      %swap3A_263 = vector.shape_cast %broadcast_in_dim3A_60 : vector<16xf32> to vector<1x16xf32>
      tpu.vector_store %arg15[%swap3A_259, %swap3A_260], %swap3A_263 {strides = array<i32>} : memref<100x128xf32, #tpu.memory_space<vmem>>, vector<1x16xf32>,
      %swap3A_264 = arith.index_cast %scan3A_228 : i32 to index
      %swap3A_265 = arith.constant 112 : index
      %swap3A_266 = tpu.vector_load %arg15[%swap3A_264, %swap3A_265] {strides = array<i32>} : memref<100x128xf32, #tpu.memory_space<vmem>>, vector<1x16xf32>,
      %swap3A_267 = vector.shape_cast %swap3A_266 : vector<1x16xf32> to vector<16xf32>
      %swap3A_268 = vector.shape_cast %broadcast_in_dim3A_60 : vector<16xf32> to vector<1x16xf32>
      tpu.vector_store %arg15[%swap3A_264, %swap3A_265], %swap3A_268 {strides = array<i32>} : memref<100x128xf32, #tpu.memory_space<vmem>>, vector<1x16xf32>,
    }
    %scan3A_67 = arith.constant 80 : i32
    %swap3A = arith.constant 0 : index
    %swap3A_68 = tpu.vector_load %arg18[%swap3A] {strides = array<i32>} : memref<128xf32, #tpu.memory_space<vmem>>, vector<16xf32>,
    %swap3A_69 = vector.shape_cast %swap3A_68 : vector<16xf32> to vector<16xf32>
    %swap3A_70 = vector.shape_cast %broadcast_in_dim3A_62 : vector<16xf32> to vector<16xf32>
    tpu.vector_store %arg18[%swap3A], %swap3A_70 {strides = array<i32>} : memref<128xf32, #tpu.memory_space<vmem>>, vector<16xf32>,
    %swap3A_71 = arith.constant 16 : index
    %swap3A_72 = tpu.vector_load %arg18[%swap3A_71] {strides = array<i32>} : memref<128xf32, #tpu.memory_space<vmem>>, vector<16xf32>,
    %swap3A_73 = vector.shape_cast %swap3A_72 : vector<16xf32> to vector<16xf32>
    %swap3A_74 = vector.shape_cast %broadcast_in_dim3A_62 : vector<16xf32> to vector<16xf32>
    tpu.vector_store %arg18[%swap3A_71], %swap3A_74 {strides = array<i32>} : memref<128xf32, #tpu.memory_space<vmem>>, vector<16xf32>,
    %swap3A_75 = arith.constant 32 : index
    %swap3A_76 = tpu.vector_load %arg18[%swap3A_75] {strides = array<i32>} : memref<128xf32, #tpu.memory_space<vmem>>, vector<16xf32>,
    %swap3A_77 = vector.shape_cast %swap3A_76 : vector<16xf32> to vector<16xf32>
    %swap3A_78 = vector.shape_cast %broadcast_in_dim3A_62 : vector<16xf32> to vector<16xf32>
    tpu.vector_store %arg18[%swap3A_75], %swap3A_78 {strides = array<i32>} : memref<128xf32, #tpu.memory_space<vmem>>, vector<16xf32>,
    %swap3A_79 = arith.constant 48 : index
    %swap3A_80 = tpu.vector_load %arg18[%swap3A_79] {strides = array<i32>} : memref<128xf32, #tpu.memory_space<vmem>>, vector<16xf32>,
    %swap3A_81 = vector.shape_cast %swap3A_80 : vector<16xf32> to vector<16xf32>
    %swap3A_82 = vector.shape_cast %broadcast_in_dim3A_62 : vector<16xf32> to vector<16xf32>
    tpu.vector_store %arg18[%swap3A_79], %swap3A_82 {strides = array<i32>} : memref<128xf32, #tpu.memory_space<vmem>>, vector<16xf32>,
    %swap3A_83 = arith.constant 64 : index
    %swap3A_84 = tpu.vector_load %arg18[%swap3A_83] {strides = array<i32>} : memref<128xf32, #tpu.memory_space<vmem>>, vector<16xf32>,
    %swap3A_85 = vector.shape_cast %swap3A_84 : vector<16xf32> to vector<16xf32>
    %swap3A_86 = vector.shape_cast %broadcast_in_dim3A_62 : vector<16xf32> to vector<16xf32>
    tpu.vector_store %arg18[%swap3A_83], %swap3A_86 {strides = array<i32>} : memref<128xf32, #tpu.memory_space<vmem>>, vector<16xf32>,
    %swap3A_87 = arith.constant 80 : index
    %swap3A_88 = tpu.vector_load %arg18[%swap3A_87] {strides = array<i32>} : memref<128xf32, #tpu.memory_space<vmem>>, vector<16xf32>,
    %swap3A_89 = vector.shape_cast %swap3A_88 : vector<16xf32> to vector<16xf32>
    %swap3A_90 = vector.shape_cast %broadcast_in_dim3A_62 : vector<16xf32> to vector<16xf32>
    tpu.vector_store %arg18[%swap3A_87], %swap3A_90 {strides = array<i32>} : memref<128xf32, #tpu.memory_space<vmem>>, vector<16xf32>,
    %swap3A_91 = arith.constant 96 : index
    %swap3A_92 = tpu.vector_load %arg18[%swap3A_91] {strides = array<i32>} : memref<128xf32, #tpu.memory_space<vmem>>, vector<16xf32>,
    %swap3A_93 = vector.shape_cast %swap3A_92 : vector<16xf32> to vector<16xf32>
    %swap3A_94 = vector.shape_cast %broadcast_in_dim3A_62 : vector<16xf32> to vector<16xf32>
    tpu.vector_store %arg18[%swap3A_91], %swap3A_94 {strides = array<i32>} : memref<128xf32, #tpu.memory_space<vmem>>, vector<16xf32>,
    %swap3A_95 = arith.constant 112 : index
    %swap3A_96 = tpu.vector_load %arg18[%swap3A_95] {strides = array<i32>} : memref<128xf32, #tpu.memory_space<vmem>>, vector<16xf32>,
    %swap3A_97 = vector.shape_cast %swap3A_96 : vector<16xf32> to vector<16xf32>
    %swap3A_98 = vector.shape_cast %broadcast_in_dim3A_62 : vector<16xf32> to vector<16xf32>
    tpu.vector_store %arg18[%swap3A_95], %swap3A_98 {strides = array<i32>} : memref<128xf32, #tpu.memory_space<vmem>>, vector<16xf32>,
    %mul3A_99 = arith.constant 624 : i32
    %mul3A_100 = arith.muli %arg1, %mul3A_99 : i32
    %add3A_101 = arith.constant 0 : i32
    %add3A_102 = arith.addi %mul3A_100, %add3A_101 : i32
    "tpu.region"() ({
      %run_scoped3A_228 = tpu.sem_alloc : memref<!tpu.dma_semaphore, #tpu.memory_space<semaphore_mem>>
      %dma_start3A_229 = arith.constant 0 : i32
      %dma_start3A_230 = arith.constant 0 : i32
      %dma_start3A_231 = tpu.memref_slice %arg15[%dma_start3A_229, %dma_start3A_230] : memref<100x128xf32, #tpu.memory_space<vmem>> -> memref<80x128xf32, #tpu.memory_space<vmem>>
      %dma_start3A_232 = arith.constant 0 : i32
      %dma_start3A_233 = tpu.memref_slice %arg7[%add3A_102, %dma_start3A_232] : memref<10000x128xf32, #tpu.memory_space<vmem_shared>> -> memref<80x128xf32, #tpu.memory_space<vmem_shared>>
      %dma_start3A_234 = arith.constant 0 : i32
      %dma_start3A_235 = tpu.memref_slice %arg7[%add3A_102, %dma_start3A_234] : memref<10000x128xf32, #tpu.memory_space<vmem_shared>> -> memref<80x128xf32, #tpu.memory_space<vmem_shared>>
      %dma_start3A_236 = arith.constant 0 : i32
      %dma_start3A_237 = arith.constant 0 : i32
      %dma_start3A_238 = tpu.memref_slice %arg15[%dma_start3A_236, %dma_start3A_237] : memref<100x128xf32, #tpu.memory_space<vmem>> -> memref<80x128xf32, #tpu.memory_space<vmem>>
      tpu.enqueue_dma source(%dma_start3A_238 : memref<80x128xf32, #tpu.memory_space<vmem>>) target(%dma_start3A_235 : memref<80x128xf32, #tpu.memory_space<vmem_shared>>) target_semaphore(%run_scoped3A_228 : memref<!tpu.dma_semaphore, #tpu.memory_space<semaphore_mem>>)
      %dma_wait3A_239 = arith.constant 0 : i32
      %dma_wait3A_240 = arith.constant 0 : i32
      %dma_wait3A_241 = tpu.memref_slice %arg15[%dma_wait3A_239, %dma_wait3A_240] : memref<100x128xf32, #tpu.memory_space<vmem>> -> memref<80x128xf32, #tpu.memory_space<vmem>>
      %dma_wait3A_242 = arith.constant 0 : i32
      %dma_wait3A_243 = tpu.memref_slice %arg7[%add3A_102, %dma_wait3A_242] : memref<10000x128xf32, #tpu.memory_space<vmem_shared>> -> memref<80x128xf32, #tpu.memory_space<vmem_shared>>
      %dma_wait3A_244 = arith.constant 0 : i32
      %dma_wait3A_245 = tpu.memref_slice %arg7[%add3A_102, %dma_wait3A_244] : memref<10000x128xf32, #tpu.memory_space<vmem_shared>> -> memref<80x128xf32, #tpu.memory_space<vmem_shared>>
      %dma_wait3A_246 = arith.constant 0 : i32
      %dma_wait3A_247 = arith.constant 0 : i32
      %dma_wait3A_248 = tpu.memref_slice %arg15[%dma_wait3A_246, %dma_wait3A_247] : memref<100x128xf32, #tpu.memory_space<vmem>> -> memref<80x128xf32, #tpu.memory_space<vmem>>
      tpu.wait_dma2 semaphore(%run_scoped3A_228 : memref<!tpu.dma_semaphore, #tpu.memory_space<semaphore_mem>>) src(%dma_wait3A_248 : memref<80x128xf32, #tpu.memory_space<vmem>>) dst(%dma_wait3A_245 : memref<80x128xf32, #tpu.memory_space<vmem_shared>>)
      tpu.yield
    }) : () -> ()
    %add3A_103 = arith.constant 80 : i32
    %add3A_104 = arith.addi %mul3A_100, %add3A_103 : i32
    "tpu.region"() ({
      %run_scoped3A_228 = tpu.sem_alloc : memref<!tpu.dma_semaphore, #tpu.memory_space<semaphore_mem>>
      %dma_start3A_229 = arith.constant 0 : i32
      %dma_start3A_230 = arith.constant 0 : i32
      %dma_start3A_231 = tpu.memref_slice %arg15[%dma_start3A_229, %dma_start3A_230] : memref<100x128xf32, #tpu.memory_space<vmem>> -> memref<80x128xf32, #tpu.memory_space<vmem>>
      %dma_start3A_232 = arith.constant 0 : i32
      %dma_start3A_233 = tpu.memref_slice %arg7[%add3A_104, %dma_start3A_232] : memref<10000x128xf32, #tpu.memory_space<vmem_shared>> -> memref<80x128xf32, #tpu.memory_space<vmem_shared>>
      %dma_start3A_234 = arith.constant 0 : i32
      %dma_start3A_235 = tpu.memref_slice %arg7[%add3A_104, %dma_start3A_234] : memref<10000x128xf32, #tpu.memory_space<vmem_shared>> -> memref<80x128xf32, #tpu.memory_space<vmem_shared>>
      %dma_start3A_236 = arith.constant 0 : i32
      %dma_start3A_237 = arith.constant 0 : i32
      %dma_start3A_238 = tpu.memref_slice %arg15[%dma_start3A_236, %dma_start3A_237] : memref<100x128xf32, #tpu.memory_space<vmem>> -> memref<80x128xf32, #tpu.memory_space<vmem>>
      tpu.enqueue_dma source(%dma_start3A_238 : memref<80x128xf32, #tpu.memory_space<vmem>>) target(%dma_start3A_235 : memref<80x128xf32, #tpu.memory_space<vmem_shared>>) target_semaphore(%run_scoped3A_228 : memref<!tpu.dma_semaphore, #tpu.memory_space<semaphore_mem>>)
      %dma_wait3A_239 = arith.constant 0 : i32
      %dma_wait3A_240 = arith.constant 0 : i32
      %dma_wait3A_241 = tpu.memref_slice %arg15[%dma_wait3A_239, %dma_wait3A_240] : memref<100x128xf32, #tpu.memory_space<vmem>> -> memref<80x128xf32, #tpu.memory_space<vmem>>
      %dma_wait3A_242 = arith.constant 0 : i32
      %dma_wait3A_243 = tpu.memref_slice %arg7[%add3A_104, %dma_wait3A_242] : memref<10000x128xf32, #tpu.memory_space<vmem_shared>> -> memref<80x128xf32, #tpu.memory_space<vmem_shared>>
      %dma_wait3A_244 = arith.constant 0 : i32
      %dma_wait3A_245 = tpu.memref_slice %arg7[%add3A_104, %dma_wait3A_244] : memref<10000x128xf32, #tpu.memory_space<vmem_shared>> -> memref<80x128xf32, #tpu.memory_space<vmem_shared>>
      %dma_wait3A_246 = arith.constant 0 : i32
      %dma_wait3A_247 = arith.constant 0 : i32
      %dma_wait3A_248 = tpu.memref_slice %arg15[%dma_wait3A_246, %dma_wait3A_247] : memref<100x128xf32, #tpu.memory_space<vmem>> -> memref<80x128xf32, #tpu.memory_space<vmem>>
      tpu.wait_dma2 semaphore(%run_scoped3A_228 : memref<!tpu.dma_semaphore, #tpu.memory_space<semaphore_mem>>) src(%dma_wait3A_248 : memref<80x128xf32, #tpu.memory_space<vmem>>) dst(%dma_wait3A_245 : memref<80x128xf32, #tpu.memory_space<vmem_shared>>)
      tpu.yield
    }) : () -> ()
    %add3A_105 = arith.constant 160 : i32
    %add3A_106 = arith.addi %mul3A_100, %add3A_105 : i32
    "tpu.region"() ({
      %run_scoped3A_228 = tpu.sem_alloc : memref<!tpu.dma_semaphore, #tpu.memory_space<semaphore_mem>>
      %dma_start3A_229 = arith.constant 0 : i32
      %dma_start3A_230 = arith.constant 0 : i32
      %dma_start3A_231 = tpu.memref_slice %arg15[%dma_start3A_229, %dma_start3A_230] : memref<100x128xf32, #tpu.memory_space<vmem>> -> memref<80x128xf32, #tpu.memory_space<vmem>>
      %dma_start3A_232 = arith.constant 0 : i32
      %dma_start3A_233 = tpu.memref_slice %arg7[%add3A_106, %dma_start3A_232] : memref<10000x128xf32, #tpu.memory_space<vmem_shared>> -> memref<80x128xf32, #tpu.memory_space<vmem_shared>>
      %dma_start3A_234 = arith.constant 0 : i32
      %dma_start3A_235 = tpu.memref_slice %arg7[%add3A_106, %dma_start3A_234] : memref<10000x128xf32, #tpu.memory_space<vmem_shared>> -> memref<80x128xf32, #tpu.memory_space<vmem_shared>>
      %dma_start3A_236 = arith.constant 0 : i32
      %dma_start3A_237 = arith.constant 0 : i32
      %dma_start3A_238 = tpu.memref_slice %arg15[%dma_start3A_236, %dma_start3A_237] : memref<100x128xf32, #tpu.memory_space<vmem>> -> memref<80x128xf32, #tpu.memory_space<vmem>>
      tpu.enqueue_dma source(%dma_start3A_238 : memref<80x128xf32, #tpu.memory_space<vmem>>) target(%dma_start3A_235 : memref<80x128xf32, #tpu.memory_space<vmem_shared>>) target_semaphore(%run_scoped3A_228 : memref<!tpu.dma_semaphore, #tpu.memory_space<semaphore_mem>>)
      %dma_wait3A_239 = arith.constant 0 : i32
      %dma_wait3A_240 = arith.constant 0 : i32
      %dma_wait3A_241 = tpu.memref_slice %arg15[%dma_wait3A_239, %dma_wait3A_240] : memref<100x128xf32, #tpu.memory_space<vmem>> -> memref<80x128xf32, #tpu.memory_space<vmem>>
      %dma_wait3A_242 = arith.constant 0 : i32
      %dma_wait3A_243 = tpu.memref_slice %arg7[%add3A_106, %dma_wait3A_242] : memref<10000x128xf32, #tpu.memory_space<vmem_shared>> -> memref<80x128xf32, #tpu.memory_space<vmem_shared>>
      %dma_wait3A_244 = arith.constant 0 : i32
      %dma_wait3A_245 = tpu.memref_slice %arg7[%add3A_106, %dma_wait3A_244] : memref<10000x128xf32, #tpu.memory_space<vmem_shared>> -> memref<80x128xf32, #tpu.memory_space<vmem_shared>>
      %dma_wait3A_246 = arith.constant 0 : i32
      %dma_wait3A_247 = arith.constant 0 : i32
      %dma_wait3A_248 = tpu.memref_slice %arg15[%dma_wait3A_246, %dma_wait3A_247] : memref<100x128xf32, #tpu.memory_space<vmem>> -> memref<80x128xf32, #tpu.memory_space<vmem>>
      tpu.wait_dma2 semaphore(%run_scoped3A_228 : memref<!tpu.dma_semaphore, #tpu.memory_space<semaphore_mem>>) src(%dma_wait3A_248 : memref<80x128xf32, #tpu.memory_space<vmem>>) dst(%dma_wait3A_245 : memref<80x128xf32, #tpu.memory_space<vmem_shared>>)
      tpu.yield
    }) : () -> ()
    %add3A_107 = arith.constant 240 : i32
    %add3A_108 = arith.addi %mul3A_100, %add3A_107 : i32
    "tpu.region"() ({
      %run_scoped3A_228 = tpu.sem_alloc : memref<!tpu.dma_semaphore, #tpu.memory_space<semaphore_mem>>
      %dma_start3A_229 = arith.constant 0 : i32
      %dma_start3A_230 = arith.constant 0 : i32
      %dma_start3A_231 = tpu.memref_slice %arg15[%dma_start3A_229, %dma_start3A_230] : memref<100x128xf32, #tpu.memory_space<vmem>> -> memref<80x128xf32, #tpu.memory_space<vmem>>
      %dma_start3A_232 = arith.constant 0 : i32
      %dma_start3A_233 = tpu.memref_slice %arg7[%add3A_108, %dma_start3A_232] : memref<10000x128xf32, #tpu.memory_space<vmem_shared>> -> memref<80x128xf32, #tpu.memory_space<vmem_shared>>
      %dma_start3A_234 = arith.constant 0 : i32
      %dma_start3A_235 = tpu.memref_slice %arg7[%add3A_108, %dma_start3A_234] : memref<10000x128xf32, #tpu.memory_space<vmem_shared>> -> memref<80x128xf32, #tpu.memory_space<vmem_shared>>
      %dma_start3A_236 = arith.constant 0 : i32
      %dma_start3A_237 = arith.constant 0 : i32
      %dma_start3A_238 = tpu.memref_slice %arg15[%dma_start3A_236, %dma_start3A_237] : memref<100x128xf32, #tpu.memory_space<vmem>> -> memref<80x128xf32, #tpu.memory_space<vmem>>
      tpu.enqueue_dma source(%dma_start3A_238 : memref<80x128xf32, #tpu.memory_space<vmem>>) target(%dma_start3A_235 : memref<80x128xf32, #tpu.memory_space<vmem_shared>>) target_semaphore(%run_scoped3A_228 : memref<!tpu.dma_semaphore, #tpu.memory_space<semaphore_mem>>)
      %dma_wait3A_239 = arith.constant 0 : i32
      %dma_wait3A_240 = arith.constant 0 : i32
      %dma_wait3A_241 = tpu.memref_slice %arg15[%dma_wait3A_239, %dma_wait3A_240] : memref<100x128xf32, #tpu.memory_space<vmem>> -> memref<80x128xf32, #tpu.memory_space<vmem>>
      %dma_wait3A_242 = arith.constant 0 : i32
      %dma_wait3A_243 = tpu.memref_slice %arg7[%add3A_108, %dma_wait3A_242] : memref<10000x128xf32, #tpu.memory_space<vmem_shared>> -> memref<80x128xf32, #tpu.memory_space<vmem_shared>>
      %dma_wait3A_244 = arith.constant 0 : i32
      %dma_wait3A_245 = tpu.memref_slice %arg7[%add3A_108, %dma_wait3A_244] : memref<10000x128xf32, #tpu.memory_space<vmem_shared>> -> memref<80x128xf32, #tpu.memory_space<vmem_shared>>
      %dma_wait3A_246 = arith.constant 0 : i32
      %dma_wait3A_247 = arith.constant 0 : i32
      %dma_wait3A_248 = tpu.memref_slice %arg15[%dma_wait3A_246, %dma_wait3A_247] : memref<100x128xf32, #tpu.memory_space<vmem>> -> memref<80x128xf32, #tpu.memory_space<vmem>>
      tpu.wait_dma2 semaphore(%run_scoped3A_228 : memref<!tpu.dma_semaphore, #tpu.memory_space<semaphore_mem>>) src(%dma_wait3A_248 : memref<80x128xf32, #tpu.memory_space<vmem>>) dst(%dma_wait3A_245 : memref<80x128xf32, #tpu.memory_space<vmem_shared>>)
      tpu.yield
    }) : () -> ()
    %add3A_109 = arith.constant 320 : i32
    %add3A_110 = arith.addi %mul3A_100, %add3A_109 : i32
    "tpu.region"() ({
      %run_scoped3A_228 = tpu.sem_alloc : memref<!tpu.dma_semaphore, #tpu.memory_space<semaphore_mem>>
      %dma_start3A_229 = arith.constant 0 : i32
      %dma_start3A_230 = arith.constant 0 : i32
      %dma_start3A_231 = tpu.memref_slice %arg15[%dma_start3A_229, %dma_start3A_230] : memref<100x128xf32, #tpu.memory_space<vmem>> -> memref<80x128xf32, #tpu.memory_space<vmem>>
      %dma_start3A_232 = arith.constant 0 : i32
      %dma_start3A_233 = tpu.memref_slice %arg7[%add3A_110, %dma_start3A_232] : memref<10000x128xf32, #tpu.memory_space<vmem_shared>> -> memref<80x128xf32, #tpu.memory_space<vmem_shared>>
      %dma_start3A_234 = arith.constant 0 : i32
      %dma_start3A_235 = tpu.memref_slice %arg7[%add3A_110, %dma_start3A_234] : memref<10000x128xf32, #tpu.memory_space<vmem_shared>> -> memref<80x128xf32, #tpu.memory_space<vmem_shared>>
      %dma_start3A_236 = arith.constant 0 : i32
      %dma_start3A_237 = arith.constant 0 : i32
      %dma_start3A_238 = tpu.memref_slice %arg15[%dma_start3A_236, %dma_start3A_237] : memref<100x128xf32, #tpu.memory_space<vmem>> -> memref<80x128xf32, #tpu.memory_space<vmem>>
      tpu.enqueue_dma source(%dma_start3A_238 : memref<80x128xf32, #tpu.memory_space<vmem>>) target(%dma_start3A_235 : memref<80x128xf32, #tpu.memory_space<vmem_shared>>) target_semaphore(%run_scoped3A_228 : memref<!tpu.dma_semaphore, #tpu.memory_space<semaphore_mem>>)
      %dma_wait3A_239 = arith.constant 0 : i32
      %dma_wait3A_240 = arith.constant 0 : i32
      %dma_wait3A_241 = tpu.memref_slice %arg15[%dma_wait3A_239, %dma_wait3A_240] : memref<100x128xf32, #tpu.memory_space<vmem>> -> memref<80x128xf32, #tpu.memory_space<vmem>>
      %dma_wait3A_242 = arith.constant 0 : i32
      %dma_wait3A_243 = tpu.memref_slice %arg7[%add3A_110, %dma_wait3A_242] : memref<10000x128xf32, #tpu.memory_space<vmem_shared>> -> memref<80x128xf32, #tpu.memory_space<vmem_shared>>
      %dma_wait3A_244 = arith.constant 0 : i32
      %dma_wait3A_245 = tpu.memref_slice %arg7[%add3A_110, %dma_wait3A_244] : memref<10000x128xf32, #tpu.memory_space<vmem_shared>> -> memref<80x128xf32, #tpu.memory_space<vmem_shared>>
      %dma_wait3A_246 = arith.constant 0 : i32
      %dma_wait3A_247 = arith.constant 0 : i32
      %dma_wait3A_248 = tpu.memref_slice %arg15[%dma_wait3A_246, %dma_wait3A_247] : memref<100x128xf32, #tpu.memory_space<vmem>> -> memref<80x128xf32, #tpu.memory_space<vmem>>
      tpu.wait_dma2 semaphore(%run_scoped3A_228 : memref<!tpu.dma_semaphore, #tpu.memory_space<semaphore_mem>>) src(%dma_wait3A_248 : memref<80x128xf32, #tpu.memory_space<vmem>>) dst(%dma_wait3A_245 : memref<80x128xf32, #tpu.memory_space<vmem_shared>>)
      tpu.yield
    }) : () -> ()
    %add3A_111 = arith.constant 400 : i32
    %add3A_112 = arith.addi %mul3A_100, %add3A_111 : i32
    "tpu.region"() ({
      %run_scoped3A_228 = tpu.sem_alloc : memref<!tpu.dma_semaphore, #tpu.memory_space<semaphore_mem>>
      %dma_start3A_229 = arith.constant 0 : i32
      %dma_start3A_230 = arith.constant 0 : i32
      %dma_start3A_231 = tpu.memref_slice %arg15[%dma_start3A_229, %dma_start3A_230] : memref<100x128xf32, #tpu.memory_space<vmem>> -> memref<80x128xf32, #tpu.memory_space<vmem>>
      %dma_start3A_232 = arith.constant 0 : i32
      %dma_start3A_233 = tpu.memref_slice %arg7[%add3A_112, %dma_start3A_232] : memref<10000x128xf32, #tpu.memory_space<vmem_shared>> -> memref<80x128xf32, #tpu.memory_space<vmem_shared>>
      %dma_start3A_234 = arith.constant 0 : i32
      %dma_start3A_235 = tpu.memref_slice %arg7[%add3A_112, %dma_start3A_234] : memref<10000x128xf32, #tpu.memory_space<vmem_shared>> -> memref<80x128xf32, #tpu.memory_space<vmem_shared>>
      %dma_start3A_236 = arith.constant 0 : i32
      %dma_start3A_237 = arith.constant 0 : i32
      %dma_start3A_238 = tpu.memref_slice %arg15[%dma_start3A_236, %dma_start3A_237] : memref<100x128xf32, #tpu.memory_space<vmem>> -> memref<80x128xf32, #tpu.memory_space<vmem>>
      tpu.enqueue_dma source(%dma_start3A_238 : memref<80x128xf32, #tpu.memory_space<vmem>>) target(%dma_start3A_235 : memref<80x128xf32, #tpu.memory_space<vmem_shared>>) target_semaphore(%run_scoped3A_228 : memref<!tpu.dma_semaphore, #tpu.memory_space<semaphore_mem>>)
      %dma_wait3A_239 = arith.constant 0 : i32
      %dma_wait3A_240 = arith.constant 0 : i32
      %dma_wait3A_241 = tpu.memref_slice %arg15[%dma_wait3A_239, %dma_wait3A_240] : memref<100x128xf32, #tpu.memory_space<vmem>> -> memref<80x128xf32, #tpu.memory_space<vmem>>
      %dma_wait3A_242 = arith.constant 0 : i32
      %dma_wait3A_243 = tpu.memref_slice %arg7[%add3A_112, %dma_wait3A_242] : memref<10000x128xf32, #tpu.memory_space<vmem_shared>> -> memref<80x128xf32, #tpu.memory_space<vmem_shared>>
      %dma_wait3A_244 = arith.constant 0 : i32
      %dma_wait3A_245 = tpu.memref_slice %arg7[%add3A_112, %dma_wait3A_244] : memref<10000x128xf32, #tpu.memory_space<vmem_shared>> -> memref<80x128xf32, #tpu.memory_space<vmem_shared>>
      %dma_wait3A_246 = arith.constant 0 : i32
      %dma_wait3A_247 = arith.constant 0 : i32
      %dma_wait3A_248 = tpu.memref_slice %arg15[%dma_wait3A_246, %dma_wait3A_247] : memref<100x128xf32, #tpu.memory_space<vmem>> -> memref<80x128xf32, #tpu.memory_space<vmem>>
      tpu.wait_dma2 semaphore(%run_scoped3A_228 : memref<!tpu.dma_semaphore, #tpu.memory_space<semaphore_mem>>) src(%dma_wait3A_248 : memref<80x128xf32, #tpu.memory_space<vmem>>) dst(%dma_wait3A_245 : memref<80x128xf32, #tpu.memory_space<vmem_shared>>)
      tpu.yield
    }) : () -> ()
    %add3A_113 = arith.constant 480 : i32
    %add3A_114 = arith.addi %mul3A_100, %add3A_113 : i32
    "tpu.region"() ({
      %run_scoped3A_228 = tpu.sem_alloc : memref<!tpu.dma_semaphore, #tpu.memory_space<semaphore_mem>>
      %dma_start3A_229 = arith.constant 0 : i32
      %dma_start3A_230 = arith.constant 0 : i32
      %dma_start3A_231 = tpu.memref_slice %arg15[%dma_start3A_229, %dma_start3A_230] : memref<100x128xf32, #tpu.memory_space<vmem>> -> memref<80x128xf32, #tpu.memory_space<vmem>>
      %dma_start3A_232 = arith.constant 0 : i32
      %dma_start3A_233 = tpu.memref_slice %arg7[%add3A_114, %dma_start3A_232] : memref<10000x128xf32, #tpu.memory_space<vmem_shared>> -> memref<80x128xf32, #tpu.memory_space<vmem_shared>>
      %dma_start3A_234 = arith.constant 0 : i32
      %dma_start3A_235 = tpu.memref_slice %arg7[%add3A_114, %dma_start3A_234] : memref<10000x128xf32, #tpu.memory_space<vmem_shared>> -> memref<80x128xf32, #tpu.memory_space<vmem_shared>>
      %dma_start3A_236 = arith.constant 0 : i32
      %dma_start3A_237 = arith.constant 0 : i32
      %dma_start3A_238 = tpu.memref_slice %arg15[%dma_start3A_236, %dma_start3A_237] : memref<100x128xf32, #tpu.memory_space<vmem>> -> memref<80x128xf32, #tpu.memory_space<vmem>>
      tpu.enqueue_dma source(%dma_start3A_238 : memref<80x128xf32, #tpu.memory_space<vmem>>) target(%dma_start3A_235 : memref<80x128xf32, #tpu.memory_space<vmem_shared>>) target_semaphore(%run_scoped3A_228 : memref<!tpu.dma_semaphore, #tpu.memory_space<semaphore_mem>>)
      %dma_wait3A_239 = arith.constant 0 : i32
      %dma_wait3A_240 = arith.constant 0 : i32
      %dma_wait3A_241 = tpu.memref_slice %arg15[%dma_wait3A_239, %dma_wait3A_240] : memref<100x128xf32, #tpu.memory_space<vmem>> -> memref<80x128xf32, #tpu.memory_space<vmem>>
      %dma_wait3A_242 = arith.constant 0 : i32
      %dma_wait3A_243 = tpu.memref_slice %arg7[%add3A_114, %dma_wait3A_242] : memref<10000x128xf32, #tpu.memory_space<vmem_shared>> -> memref<80x128xf32, #tpu.memory_space<vmem_shared>>
      %dma_wait3A_244 = arith.constant 0 : i32
      %dma_wait3A_245 = tpu.memref_slice %arg7[%add3A_114, %dma_wait3A_244] : memref<10000x128xf32, #tpu.memory_space<vmem_shared>> -> memref<80x128xf32, #tpu.memory_space<vmem_shared>>
      %dma_wait3A_246 = arith.constant 0 : i32
      %dma_wait3A_247 = arith.constant 0 : i32
      %dma_wait3A_248 = tpu.memref_slice %arg15[%dma_wait3A_246, %dma_wait3A_247] : memref<100x128xf32, #tpu.memory_space<vmem>> -> memref<80x128xf32, #tpu.memory_space<vmem>>
      tpu.wait_dma2 semaphore(%run_scoped3A_228 : memref<!tpu.dma_semaphore, #tpu.memory_space<semaphore_mem>>) src(%dma_wait3A_248 : memref<80x128xf32, #tpu.memory_space<vmem>>) dst(%dma_wait3A_245 : memref<80x128xf32, #tpu.memory_space<vmem_shared>>)
      tpu.yield
    }) : () -> ()
    %add3A_115 = arith.constant 560 : i32
    %add3A_116 = arith.addi %mul3A_100, %add3A_115 : i32
    "tpu.region"() ({
      %run_scoped3A_228 = tpu.sem_alloc : memref<!tpu.dma_semaphore, #tpu.memory_space<semaphore_mem>>
      %dma_start3A_229 = arith.constant 0 : i32
      %dma_start3A_230 = arith.constant 0 : i32
      %dma_start3A_231 = tpu.memref_slice %arg15[%dma_start3A_229, %dma_start3A_230] : memref<100x128xf32, #tpu.memory_space<vmem>> -> memref<64x128xf32, #tpu.memory_space<vmem>>
      %dma_start3A_232 = arith.constant 0 : i32
      %dma_start3A_233 = tpu.memref_slice %arg7[%add3A_116, %dma_start3A_232] : memref<10000x128xf32, #tpu.memory_space<vmem_shared>> -> memref<64x128xf32, #tpu.memory_space<vmem_shared>>
      %dma_start3A_234 = arith.constant 0 : i32
      %dma_start3A_235 = tpu.memref_slice %arg7[%add3A_116, %dma_start3A_234] : memref<10000x128xf32, #tpu.memory_space<vmem_shared>> -> memref<64x128xf32, #tpu.memory_space<vmem_shared>>
      %dma_start3A_236 = arith.constant 0 : i32
      %dma_start3A_237 = arith.constant 0 : i32
      %dma_start3A_238 = tpu.memref_slice %arg15[%dma_start3A_236, %dma_start3A_237] : memref<100x128xf32, #tpu.memory_space<vmem>> -> memref<64x128xf32, #tpu.memory_space<vmem>>
      tpu.enqueue_dma source(%dma_start3A_238 : memref<64x128xf32, #tpu.memory_space<vmem>>) target(%dma_start3A_235 : memref<64x128xf32, #tpu.memory_space<vmem_shared>>) target_semaphore(%run_scoped3A_228 : memref<!tpu.dma_semaphore, #tpu.memory_space<semaphore_mem>>)
      %dma_wait3A_239 = arith.constant 0 : i32
      %dma_wait3A_240 = arith.constant 0 : i32
      %dma_wait3A_241 = tpu.memref_slice %arg15[%dma_wait3A_239, %dma_wait3A_240] : memref<100x128xf32, #tpu.memory_space<vmem>> -> memref<64x128xf32, #tpu.memory_space<vmem>>
      %dma_wait3A_242 = arith.constant 0 : i32
      %dma_wait3A_243 = tpu.memref_slice %arg7[%add3A_116, %dma_wait3A_242] : memref<10000x128xf32, #tpu.memory_space<vmem_shared>> -> memref<64x128xf32, #tpu.memory_space<vmem_shared>>
      %dma_wait3A_244 = arith.constant 0 : i32
      %dma_wait3A_245 = tpu.memref_slice %arg7[%add3A_116, %dma_wait3A_244] : memref<10000x128xf32, #tpu.memory_space<vmem_shared>> -> memref<64x128xf32, #tpu.memory_space<vmem_shared>>
      %dma_wait3A_246 = arith.constant 0 : i32
      %dma_wait3A_247 = arith.constant 0 : i32
      %dma_wait3A_248 = tpu.memref_slice %arg15[%dma_wait3A_246, %dma_wait3A_247] : memref<100x128xf32, #tpu.memory_space<vmem>> -> memref<64x128xf32, #tpu.memory_space<vmem>>
      tpu.wait_dma2 semaphore(%run_scoped3A_228 : memref<!tpu.dma_semaphore, #tpu.memory_space<semaphore_mem>>) src(%dma_wait3A_248 : memref<64x128xf32, #tpu.memory_space<vmem>>) dst(%dma_wait3A_245 : memref<64x128xf32, #tpu.memory_space<vmem_shared>>)
      tpu.yield
    }) : () -> ()
    %eq3A = arith.constant 15 : i32
    %eq3A_117 = arith.cmpi eq, %arg1, %eq3A : i32
    %convert_element_type3A = arith.extui %eq3A_117 : i1 to i32
    %cond3A = arith.constant 0 : i32
    %cond3A_118 = arith.cmpi ne, %convert_element_type3A, %cond3A : i32
    scf.if %cond3A_118 {
      "tpu.region"() ({
        %run_scoped3A_228 = tpu.sem_alloc : memref<!tpu.dma_semaphore, #tpu.memory_space<semaphore_mem>>
        %dma_start3A_229 = arith.constant 0 : i32
        %dma_start3A_230 = arith.constant 0 : i32
        %dma_start3A_231 = tpu.memref_slice %arg15[%dma_start3A_229, %dma_start3A_230] : memref<100x128xf32, #tpu.memory_space<vmem>> -> memref<16x128xf32, #tpu.memory_space<vmem>>
        %dma_start3A_232 = arith.constant 9984 : i32
        %dma_start3A_233 = arith.constant 0 : i32
        %dma_start3A_234 = tpu.memref_slice %arg7[%dma_start3A_232, %dma_start3A_233] : memref<10000x128xf32, #tpu.memory_space<vmem_shared>> -> memref<16x128xf32, #tpu.memory_space<vmem_shared>>
        %dma_start3A_235 = arith.constant 9984 : i32
        %dma_start3A_236 = arith.constant 0 : i32
        %dma_start3A_237 = tpu.memref_slice %arg7[%dma_start3A_235, %dma_start3A_236] : memref<10000x128xf32, #tpu.memory_space<vmem_shared>> -> memref<16x128xf32, #tpu.memory_space<vmem_shared>>
        %dma_start3A_238 = arith.constant 0 : i32
        %dma_start3A_239 = arith.constant 0 : i32
        %dma_start3A_240 = tpu.memref_slice %arg15[%dma_start3A_238, %dma_start3A_239] : memref<100x128xf32, #tpu.memory_space<vmem>> -> memref<16x128xf32, #tpu.memory_space<vmem>>
        tpu.enqueue_dma source(%dma_start3A_240 : memref<16x128xf32, #tpu.memory_space<vmem>>) target(%dma_start3A_237 : memref<16x128xf32, #tpu.memory_space<vmem_shared>>) target_semaphore(%run_scoped3A_228 : memref<!tpu.dma_semaphore, #tpu.memory_space<semaphore_mem>>)
        %dma_wait3A_241 = arith.constant 0 : i32
        %dma_wait3A_242 = arith.constant 0 : i32
        %dma_wait3A_243 = tpu.memref_slice %arg15[%dma_wait3A_241, %dma_wait3A_242] : memref<100x128xf32, #tpu.memory_space<vmem>> -> memref<16x128xf32, #tpu.memory_space<vmem>>
        %dma_wait3A_244 = arith.constant 9984 : i32
        %dma_wait3A_245 = arith.constant 0 : i32
        %dma_wait3A_246 = tpu.memref_slice %arg7[%dma_wait3A_244, %dma_wait3A_245] : memref<10000x128xf32, #tpu.memory_space<vmem_shared>> -> memref<16x128xf32, #tpu.memory_space<vmem_shared>>
        %dma_wait3A_247 = arith.constant 9984 : i32
        %dma_wait3A_248 = arith.constant 0 : i32
        %dma_wait3A_249 = tpu.memref_slice %arg7[%dma_wait3A_247, %dma_wait3A_248] : memref<10000x128xf32, #tpu.memory_space<vmem_shared>> -> memref<16x128xf32, #tpu.memory_space<vmem_shared>>
        %dma_wait3A_250 = arith.constant 0 : i32
        %dma_wait3A_251 = arith.constant 0 : i32
        %dma_wait3A_252 = tpu.memref_slice %arg15[%dma_wait3A_250, %dma_wait3A_251] : memref<100x128xf32, #tpu.memory_space<vmem>> -> memref<16x128xf32, #tpu.memory_space<vmem>>
        tpu.wait_dma2 semaphore(%run_scoped3A_228 : memref<!tpu.dma_semaphore, #tpu.memory_space<semaphore_mem>>) src(%dma_wait3A_252 : memref<16x128xf32, #tpu.memory_space<vmem>>) dst(%dma_wait3A_249 : memref<16x128xf32, #tpu.memory_space<vmem_shared>>)
        tpu.yield
      }) : () -> ()
    } else {
    }
    %eq3A_119 = arith.constant 0 : i32
    %eq3A_120 = arith.cmpi eq, %arg1, %eq3A_119 : i32
    %convert_element_type3A_121 = arith.extui %eq3A_120 : i1 to i32
    %cond3A_122 = arith.constant 0 : i32
    %cond3A_123 = arith.cmpi ne, %convert_element_type3A_121, %cond3A_122 : i32
    scf.if %cond3A_123 {
      %scan3A_228 = arith.constant 0 : i32
      %scan3A_229 = arith.constant 0 : i32
      %scan3A_230 = arith.constant 125 : i32
      %scan3A_231 = arith.addi %scan3A_229, %scan3A_230 : i32
      %scan3A_232 = arith.constant 1 : i32
      scf.for %scan3A_234 = %scan3A_229 to %scan3A_231 step %scan3A_232  : i32 {
        %mul3A_235 = arith.constant 16 : i32
        %mul3A_236 = arith.muli %scan3A_234, %mul3A_235 : i32
        %swap3A_237 = arith.index_cast %mul3A_236 : i32 to index
        %swap3A_238 = tpu.vector_load %arg19[%swap3A_237] {strides = array<i32>} : memref<2000xf32, #tpu.memory_space<vmem>>, vector<16xf32>,
        %swap3A_239 = vector.shape_cast %swap3A_238 : vector<16xf32> to vector<16xf32>
        %swap3A_240 = vector.shape_cast %broadcast_in_dim3A_60 : vector<16xf32> to vector<16xf32>
        tpu.vector_store %arg19[%swap3A_237], %swap3A_240 {strides = array<i32>} : memref<2000xf32, #tpu.memory_space<vmem>>, vector<16xf32>,
      }
      %scan3A_233 = arith.constant 125 : i32
      "tpu.region"() ({
        %run_scoped3A_234 = tpu.sem_alloc : memref<!tpu.dma_semaphore, #tpu.memory_space<semaphore_mem>>
        %dma_start3A_235 = arith.constant 0 : i32
        %dma_start3A_236 = tpu.memref_slice %arg8[%dma_start3A_235] : memref<10000xf32, #tpu.memory_space<vmem_shared>> -> memref<2000xf32, #tpu.memory_space<vmem_shared>>
        %dma_start3A_237 = arith.constant 0 : i32
        %dma_start3A_238 = tpu.memref_slice %arg8[%dma_start3A_237] : memref<10000xf32, #tpu.memory_space<vmem_shared>> -> memref<2000xf32, #tpu.memory_space<vmem_shared>>
        tpu.enqueue_dma source(%arg19 : memref<2000xf32, #tpu.memory_space<vmem>>) target(%dma_start3A_238 : memref<2000xf32, #tpu.memory_space<vmem_shared>>) target_semaphore(%run_scoped3A_234 : memref<!tpu.dma_semaphore, #tpu.memory_space<semaphore_mem>>)
        %dma_wait3A_239 = arith.constant 0 : i32
        %dma_wait3A_240 = tpu.memref_slice %arg8[%dma_wait3A_239] : memref<10000xf32, #tpu.memory_space<vmem_shared>> -> memref<2000xf32, #tpu.memory_space<vmem_shared>>
        %dma_wait3A_241 = arith.constant 0 : i32
        %dma_wait3A_242 = tpu.memref_slice %arg8[%dma_wait3A_241] : memref<10000xf32, #tpu.memory_space<vmem_shared>> -> memref<2000xf32, #tpu.memory_space<vmem_shared>>
        tpu.wait_dma2 semaphore(%run_scoped3A_234 : memref<!tpu.dma_semaphore, #tpu.memory_space<semaphore_mem>>) src(%arg19 : memref<2000xf32, #tpu.memory_space<vmem>>) dst(%dma_wait3A_242 : memref<2000xf32, #tpu.memory_space<vmem_shared>>)
        tpu.yield
      }) : () -> ()
      "tpu.region"() ({
        %run_scoped3A_234 = tpu.sem_alloc : memref<!tpu.dma_semaphore, #tpu.memory_space<semaphore_mem>>
        %dma_start3A_235 = arith.constant 2000 : i32
        %dma_start3A_236 = tpu.memref_slice %arg8[%dma_start3A_235] : memref<10000xf32, #tpu.memory_space<vmem_shared>> -> memref<2000xf32, #tpu.memory_space<vmem_shared>>
        %dma_start3A_237 = arith.constant 2000 : i32
        %dma_start3A_238 = tpu.memref_slice %arg8[%dma_start3A_237] : memref<10000xf32, #tpu.memory_space<vmem_shared>> -> memref<2000xf32, #tpu.memory_space<vmem_shared>>
        tpu.enqueue_dma source(%arg19 : memref<2000xf32, #tpu.memory_space<vmem>>) target(%dma_start3A_238 : memref<2000xf32, #tpu.memory_space<vmem_shared>>) target_semaphore(%run_scoped3A_234 : memref<!tpu.dma_semaphore, #tpu.memory_space<semaphore_mem>>)
        %dma_wait3A_239 = arith.constant 2000 : i32
        %dma_wait3A_240 = tpu.memref_slice %arg8[%dma_wait3A_239] : memref<10000xf32, #tpu.memory_space<vmem_shared>> -> memref<2000xf32, #tpu.memory_space<vmem_shared>>
        %dma_wait3A_241 = arith.constant 2000 : i32
        %dma_wait3A_242 = tpu.memref_slice %arg8[%dma_wait3A_241] : memref<10000xf32, #tpu.memory_space<vmem_shared>> -> memref<2000xf32, #tpu.memory_space<vmem_shared>>
        tpu.wait_dma2 semaphore(%run_scoped3A_234 : memref<!tpu.dma_semaphore, #tpu.memory_space<semaphore_mem>>) src(%arg19 : memref<2000xf32, #tpu.memory_space<vmem>>) dst(%dma_wait3A_242 : memref<2000xf32, #tpu.memory_space<vmem_shared>>)
        tpu.yield
      }) : () -> ()
      "tpu.region"() ({
        %run_scoped3A_234 = tpu.sem_alloc : memref<!tpu.dma_semaphore, #tpu.memory_space<semaphore_mem>>
        %dma_start3A_235 = arith.constant 4000 : i32
        %dma_start3A_236 = tpu.memref_slice %arg8[%dma_start3A_235] : memref<10000xf32, #tpu.memory_space<vmem_shared>> -> memref<2000xf32, #tpu.memory_space<vmem_shared>>
        %dma_start3A_237 = arith.constant 4000 : i32
        %dma_start3A_238 = tpu.memref_slice %arg8[%dma_start3A_237] : memref<10000xf32, #tpu.memory_space<vmem_shared>> -> memref<2000xf32, #tpu.memory_space<vmem_shared>>
        tpu.enqueue_dma source(%arg19 : memref<2000xf32, #tpu.memory_space<vmem>>) target(%dma_start3A_238 : memref<2000xf32, #tpu.memory_space<vmem_shared>>) target_semaphore(%run_scoped3A_234 : memref<!tpu.dma_semaphore, #tpu.memory_space<semaphore_mem>>)
        %dma_wait3A_239 = arith.constant 4000 : i32
        %dma_wait3A_240 = tpu.memref_slice %arg8[%dma_wait3A_239] : memref<10000xf32, #tpu.memory_space<vmem_shared>> -> memref<2000xf32, #tpu.memory_space<vmem_shared>>
        %dma_wait3A_241 = arith.constant 4000 : i32
        %dma_wait3A_242 = tpu.memref_slice %arg8[%dma_wait3A_241] : memref<10000xf32, #tpu.memory_space<vmem_shared>> -> memref<2000xf32, #tpu.memory_space<vmem_shared>>
        tpu.wait_dma2 semaphore(%run_scoped3A_234 : memref<!tpu.dma_semaphore, #tpu.memory_space<semaphore_mem>>) src(%arg19 : memref<2000xf32, #tpu.memory_space<vmem>>) dst(%dma_wait3A_242 : memref<2000xf32, #tpu.memory_space<vmem_shared>>)
        tpu.yield
      }) : () -> ()
      "tpu.region"() ({
        %run_scoped3A_234 = tpu.sem_alloc : memref<!tpu.dma_semaphore, #tpu.memory_space<semaphore_mem>>
        %dma_start3A_235 = arith.constant 6000 : i32
        %dma_start3A_236 = tpu.memref_slice %arg8[%dma_start3A_235] : memref<10000xf32, #tpu.memory_space<vmem_shared>> -> memref<2000xf32, #tpu.memory_space<vmem_shared>>
        %dma_start3A_237 = arith.constant 6000 : i32
        %dma_start3A_238 = tpu.memref_slice %arg8[%dma_start3A_237] : memref<10000xf32, #tpu.memory_space<vmem_shared>> -> memref<2000xf32, #tpu.memory_space<vmem_shared>>
        tpu.enqueue_dma source(%arg19 : memref<2000xf32, #tpu.memory_space<vmem>>) target(%dma_start3A_238 : memref<2000xf32, #tpu.memory_space<vmem_shared>>) target_semaphore(%run_scoped3A_234 : memref<!tpu.dma_semaphore, #tpu.memory_space<semaphore_mem>>)
        %dma_wait3A_239 = arith.constant 6000 : i32
        %dma_wait3A_240 = tpu.memref_slice %arg8[%dma_wait3A_239] : memref<10000xf32, #tpu.memory_space<vmem_shared>> -> memref<2000xf32, #tpu.memory_space<vmem_shared>>
        %dma_wait3A_241 = arith.constant 6000 : i32
        %dma_wait3A_242 = tpu.memref_slice %arg8[%dma_wait3A_241] : memref<10000xf32, #tpu.memory_space<vmem_shared>> -> memref<2000xf32, #tpu.memory_space<vmem_shared>>
        tpu.wait_dma2 semaphore(%run_scoped3A_234 : memref<!tpu.dma_semaphore, #tpu.memory_space<semaphore_mem>>) src(%arg19 : memref<2000xf32, #tpu.memory_space<vmem>>) dst(%dma_wait3A_242 : memref<2000xf32, #tpu.memory_space<vmem_shared>>)
        tpu.yield
      }) : () -> ()
      "tpu.region"() ({
        %run_scoped3A_234 = tpu.sem_alloc : memref<!tpu.dma_semaphore, #tpu.memory_space<semaphore_mem>>
        %dma_start3A_235 = arith.constant 8000 : i32
        %dma_start3A_236 = tpu.memref_slice %arg8[%dma_start3A_235] : memref<10000xf32, #tpu.memory_space<vmem_shared>> -> memref<2000xf32, #tpu.memory_space<vmem_shared>>
        %dma_start3A_237 = arith.constant 8000 : i32
        %dma_start3A_238 = tpu.memref_slice %arg8[%dma_start3A_237] : memref<10000xf32, #tpu.memory_space<vmem_shared>> -> memref<2000xf32, #tpu.memory_space<vmem_shared>>
        tpu.enqueue_dma source(%arg19 : memref<2000xf32, #tpu.memory_space<vmem>>) target(%dma_start3A_238 : memref<2000xf32, #tpu.memory_space<vmem_shared>>) target_semaphore(%run_scoped3A_234 : memref<!tpu.dma_semaphore, #tpu.memory_space<semaphore_mem>>)
        %dma_wait3A_239 = arith.constant 8000 : i32
        %dma_wait3A_240 = tpu.memref_slice %arg8[%dma_wait3A_239] : memref<10000xf32, #tpu.memory_space<vmem_shared>> -> memref<2000xf32, #tpu.memory_space<vmem_shared>>
        %dma_wait3A_241 = arith.constant 8000 : i32
        %dma_wait3A_242 = tpu.memref_slice %arg8[%dma_wait3A_241] : memref<10000xf32, #tpu.memory_space<vmem_shared>> -> memref<2000xf32, #tpu.memory_space<vmem_shared>>
        tpu.wait_dma2 semaphore(%run_scoped3A_234 : memref<!tpu.dma_semaphore, #tpu.memory_space<semaphore_mem>>) src(%arg19 : memref<2000xf32, #tpu.memory_space<vmem>>) dst(%dma_wait3A_242 : memref<2000xf32, #tpu.memory_space<vmem_shared>>)
        tpu.yield
      }) : () -> ()
    } else {
    }
    %barrier3A = arith.constant 0 : index
    tpu.barrier barrier_id(%barrier3A)
    %dma_wait3A = arith.constant 0 : i32
    %dma_wait3A_124 = arith.constant 0 : i32
    %dma_wait3A_125 = arith.constant 0 : i32
    %dma_wait3A_126 = arith.constant 0 : i32
    %dma_wait3A_127 = tpu.memref_slice %arg2[%dma_wait3A, %add3A, %dma_wait3A_124, %dma_wait3A_125, %dma_wait3A_126] : memref<2x32x100x1x100xi32, #tpu.memory_space<hbm>> -> memref<1x1x1x1x100xi32, #tpu.memory_space<hbm>>
    %dma_wait3A_128 = tpu.memref_squeeze %dma_wait3A_127 : memref<1x1x1x1x100xi32, #tpu.memory_space<hbm>> -> memref<1x100xi32, #tpu.memory_space<hbm>>
    %dma_wait3A_129 = arith.constant 0 : i32
    %dma_wait3A_130 = arith.constant 0 : i32
    %dma_wait3A_131 = tpu.memref_slice %arg2[%dma_wait3A, %add3A, %dma_wait3A_124, %dma_wait3A_129, %dma_wait3A_130] : memref<2x32x100x1x100xi32, #tpu.memory_space<hbm>> -> memref<1x1x1x1x100xi32, #tpu.memory_space<hbm>>
    %dma_wait3A_132 = tpu.memref_squeeze %dma_wait3A_131 : memref<1x1x1x1x100xi32, #tpu.memory_space<hbm>> -> memref<1x100xi32, #tpu.memory_space<hbm>>
    tpu.wait_dma2 semaphore(%arg20 : memref<!tpu.dma_semaphore, #tpu.memory_space<semaphore_mem>>) src(%dma_wait3A_132 : memref<1x100xi32, #tpu.memory_space<hbm>>) dst(%arg9 : memref<1x100xi32, #tpu.memory_space<vmem>>)
    %dma_wait3A_133 = arith.constant 1 : i32
    %dma_wait3A_134 = arith.constant 0 : i32
    %dma_wait3A_135 = arith.constant 0 : i32
    %dma_wait3A_136 = arith.constant 0 : i32
    %dma_wait3A_137 = tpu.memref_slice %arg2[%dma_wait3A_133, %add3A, %dma_wait3A_134, %dma_wait3A_135, %dma_wait3A_136] : memref<2x32x100x1x100xi32, #tpu.memory_space<hbm>> -> memref<1x1x1x1x100xi32, #tpu.memory_space<hbm>>
    %dma_wait3A_138 = tpu.memref_squeeze %dma_wait3A_137 : memref<1x1x1x1x100xi32, #tpu.memory_space<hbm>> -> memref<1x100xi32, #tpu.memory_space<hbm>>
    %dma_wait3A_139 = arith.constant 0 : i32
    %dma_wait3A_140 = arith.constant 0 : i32
    %dma_wait3A_141 = tpu.memref_slice %arg2[%dma_wait3A_133, %add3A, %dma_wait3A_134, %dma_wait3A_139, %dma_wait3A_140] : memref<2x32x100x1x100xi32, #tpu.memory_space<hbm>> -> memref<1x1x1x1x100xi32, #tpu.memory_space<hbm>>
    %dma_wait3A_142 = tpu.memref_squeeze %dma_wait3A_141 : memref<1x1x1x1x100xi32, #tpu.memory_space<hbm>> -> memref<1x100xi32, #tpu.memory_space<hbm>>
    tpu.wait_dma2 semaphore(%arg20 : memref<!tpu.dma_semaphore, #tpu.memory_space<semaphore_mem>>) src(%dma_wait3A_142 : memref<1x100xi32, #tpu.memory_space<hbm>>) dst(%arg12 : memref<1x100xi32, #tpu.memory_space<vmem>>)
    %dma_start3A_143 = arith.constant 0 : i32
    %dma_start3A_144 = arith.constant 0 : i32
    %dma_start3A_145 = tpu.memref_slice %arg9[%dma_start3A_143, %dma_start3A_144] : memref<1x100xi32, #tpu.memory_space<vmem>> -> memref<1x100xi32, #tpu.memory_space<vmem>>
    %dma_start3A_146 = tpu.memref_squeeze %dma_start3A_145 : memref<1x100xi32, #tpu.memory_space<vmem>> -> memref<100xi32, #tpu.memory_space<vmem>>
    %dma_start3A_147 = arith.constant 0 : i32
    %dma_start3A_148 = arith.constant 0 : i32
    %dma_start3A_149 = tpu.memref_slice %arg3[%dma_start3A_147, %dma_start3A_148] : memref<10000x128xf32, #tpu.memory_space<hbm>> -> memref<10000x128xf32, #tpu.memory_space<hbm>>
    tpu.enqueue_indirect_dma source(%dma_start3A_149 : memref<10000x128xf32, #tpu.memory_space<hbm>>) target(%arg15 : memref<100x128xf32, #tpu.memory_space<vmem>>) offsets(%dma_start3A_146 : memref<100xi32, #tpu.memory_space<vmem>>) semaphore(%arg23 : memref<!tpu.dma_semaphore, #tpu.memory_space<semaphore_mem>>)
    %dma_wait3A_150 = arith.constant 0 : i32
    %dma_wait3A_151 = arith.constant 1 : i32
    %dma_wait3A_152 = arith.constant 0 : i32
    %dma_wait3A_153 = arith.constant 0 : i32
    %dma_wait3A_154 = tpu.memref_slice %arg2[%dma_wait3A_150, %add3A, %dma_wait3A_151, %dma_wait3A_152, %dma_wait3A_153] : memref<2x32x100x1x100xi32, #tpu.memory_space<hbm>> -> memref<1x1x1x1x100xi32, #tpu.memory_space<hbm>>
    %dma_wait3A_155 = tpu.memref_squeeze %dma_wait3A_154 : memref<1x1x1x1x100xi32, #tpu.memory_space<hbm>> -> memref<1x100xi32, #tpu.memory_space<hbm>>
    %dma_wait3A_156 = arith.constant 0 : i32
    %dma_wait3A_157 = arith.constant 0 : i32
    %dma_wait3A_158 = tpu.memref_slice %arg2[%dma_wait3A_150, %add3A, %dma_wait3A_151, %dma_wait3A_156, %dma_wait3A_157] : memref<2x32x100x1x100xi32, #tpu.memory_space<hbm>> -> memref<1x1x1x1x100xi32, #tpu.memory_space<hbm>>
    %dma_wait3A_159 = tpu.memref_squeeze %dma_wait3A_158 : memref<1x1x1x1x100xi32, #tpu.memory_space<hbm>> -> memref<1x100xi32, #tpu.memory_space<hbm>>
    tpu.wait_dma2 semaphore(%arg21 : memref<!tpu.dma_semaphore, #tpu.memory_space<semaphore_mem>>) src(%dma_wait3A_159 : memref<1x100xi32, #tpu.memory_space<hbm>>) dst(%arg10 : memref<1x100xi32, #tpu.memory_space<vmem>>)
    %dma_wait3A_160 = arith.constant 1 : i32
    %dma_wait3A_161 = arith.constant 1 : i32
    %dma_wait3A_162 = arith.constant 0 : i32
    %dma_wait3A_163 = arith.constant 0 : i32
    %dma_wait3A_164 = tpu.memref_slice %arg2[%dma_wait3A_160, %add3A, %dma_wait3A_161, %dma_wait3A_162, %dma_wait3A_163] : memref<2x32x100x1x100xi32, #tpu.memory_space<hbm>> -> memref<1x1x1x1x100xi32, #tpu.memory_space<hbm>>
    %dma_wait3A_165 = tpu.memref_squeeze %dma_wait3A_164 : memref<1x1x1x1x100xi32, #tpu.memory_space<hbm>> -> memref<1x100xi32, #tpu.memory_space<hbm>>
    %dma_wait3A_166 = arith.constant 0 : i32
    %dma_wait3A_167 = arith.constant 0 : i32
    %dma_wait3A_168 = tpu.memref_slice %arg2[%dma_wait3A_160, %add3A, %dma_wait3A_161, %dma_wait3A_166, %dma_wait3A_167] : memref<2x32x100x1x100xi32, #tpu.memory_space<hbm>> -> memref<1x1x1x1x100xi32, #tpu.memory_space<hbm>>
    %dma_wait3A_169 = tpu.memref_squeeze %dma_wait3A_168 : memref<1x1x1x1x100xi32, #tpu.memory_space<hbm>> -> memref<1x100xi32, #tpu.memory_space<hbm>>
    tpu.wait_dma2 semaphore(%arg21 : memref<!tpu.dma_semaphore, #tpu.memory_space<semaphore_mem>>) src(%dma_wait3A_169 : memref<1x100xi32, #tpu.memory_space<hbm>>) dst(%arg13 : memref<1x100xi32, #tpu.memory_space<vmem>>)
    %dma_start3A_170 = arith.constant 0 : i32
    %dma_start3A_171 = arith.constant 0 : i32
    %dma_start3A_172 = tpu.memref_slice %arg10[%dma_start3A_170, %dma_start3A_171] : memref<1x100xi32, #tpu.memory_space<vmem>> -> memref<1x100xi32, #tpu.memory_space<vmem>>
    %dma_start3A_173 = tpu.memref_squeeze %dma_start3A_172 : memref<1x100xi32, #tpu.memory_space<vmem>> -> memref<100xi32, #tpu.memory_space<vmem>>
    %dma_start3A_174 = arith.constant 0 : i32
    %dma_start3A_175 = arith.constant 0 : i32
    %dma_start3A_176 = tpu.memref_slice %arg3[%dma_start3A_174, %dma_start3A_175] : memref<10000x128xf32, #tpu.memory_space<hbm>> -> memref<10000x128xf32, #tpu.memory_space<hbm>>
    tpu.enqueue_indirect_dma source(%dma_start3A_176 : memref<10000x128xf32, #tpu.memory_space<hbm>>) target(%arg16 : memref<100x128xf32, #tpu.memory_space<vmem>>) offsets(%dma_start3A_173 : memref<100xi32, #tpu.memory_space<vmem>>) semaphore(%arg24 : memref<!tpu.dma_semaphore, #tpu.memory_space<semaphore_mem>>)
    %scan3A_177 = arith.constant 0 : i32
    %scan3A_178 = arith.constant 0 : i32
    %scan3A_179 = arith.constant 33 : i32
    %scan3A_180 = arith.addi %scan3A_178, %scan3A_179 : i32
    %scan3A_181 = arith.constant 1 : i32
    scf.for %scan3A_228 = %scan3A_178 to %scan3A_180 step %scan3A_181  : i32 {
      %mul3A_229 = arith.constant 3 : i32
      %mul3A_230 = arith.muli %mul3A_229, %scan3A_228 : i32
      %dma_wait3A_231 = arith.constant 0 : i32
      %dma_wait3A_232 = arith.constant 0 : i32
      %dma_wait3A_233 = tpu.memref_slice %arg9[%dma_wait3A_231, %dma_wait3A_232] : memref<1x100xi32, #tpu.memory_space<vmem>> -> memref<1x100xi32, #tpu.memory_space<vmem>>
      %dma_wait3A_234 = tpu.memref_squeeze %dma_wait3A_233 : memref<1x100xi32, #tpu.memory_space<vmem>> -> memref<100xi32, #tpu.memory_space<vmem>>
      %dma_wait3A_235 = arith.constant 0 : i32
      %dma_wait3A_236 = arith.constant 0 : i32
      %dma_wait3A_237 = tpu.memref_slice %arg3[%dma_wait3A_235, %dma_wait3A_236] : memref<10000x128xf32, #tpu.memory_space<hbm>> -> memref<10000x128xf32, #tpu.memory_space<hbm>>
      tpu.wait_indirect_dma semaphore(%arg23 : memref<!tpu.dma_semaphore, #tpu.memory_space<semaphore_mem>>) src(%dma_wait3A_237 : memref<10000x128xf32, #tpu.memory_space<hbm>>) dst(%arg15 : memref<100x128xf32, #tpu.memory_space<vmem>>)
      %run_scoped3A_238 = arith.constant 0 : i32
      "tpu.region"() ({
        %run_scoped3A_354 = tpu.sem_alloc : memref<!tpu.dma_semaphore, #tpu.memory_space<semaphore_mem>>
        %dma_start3A_355 = arith.constant 0 : i32
        %dma_start3A_356 = tpu.memref_slice %arg12[%run_scoped3A_238, %dma_start3A_355] : memref<1x100xi32, #tpu.memory_space<vmem>> -> memref<1x100xi32, #tpu.memory_space<vmem>>
        %dma_start3A_357 = tpu.memref_squeeze %dma_start3A_356 : memref<1x100xi32, #tpu.memory_space<vmem>> -> memref<100xi32, #tpu.memory_space<vmem>>
        %dma_start3A_358 = arith.constant 0 : i32
        %dma_start3A_359 = arith.constant 0 : i32
        %dma_start3A_360 = tpu.memref_slice %arg7[%dma_start3A_358, %dma_start3A_359] : memref<10000x128xf32, #tpu.memory_space<vmem_shared>> -> memref<10000x128xf32, #tpu.memory_space<vmem_shared>>
        tpu.enqueue_indirect_dma source(%arg15 : memref<100x128xf32, #tpu.memory_space<vmem>>) target(%dma_start3A_360 : memref<10000x128xf32, #tpu.memory_space<vmem_shared>>) offsets(%dma_start3A_357 : memref<100xi32, #tpu.memory_space<vmem>>) semaphore(%run_scoped3A_354 : memref<!tpu.dma_semaphore, #tpu.memory_space<semaphore_mem>>) {add = true}
        %dma_wait3A_361 = arith.constant 0 : i32
        %dma_wait3A_362 = tpu.memref_slice %arg12[%run_scoped3A_238, %dma_wait3A_361] : memref<1x100xi32, #tpu.memory_space<vmem>> -> memref<1x100xi32, #tpu.memory_space<vmem>>
        %dma_wait3A_363 = tpu.memref_squeeze %dma_wait3A_362 : memref<1x100xi32, #tpu.memory_space<vmem>> -> memref<100xi32, #tpu.memory_space<vmem>>
        %dma_wait3A_364 = arith.constant 0 : i32
        %dma_wait3A_365 = arith.constant 0 : i32
        %dma_wait3A_366 = tpu.memref_slice %arg7[%dma_wait3A_364, %dma_wait3A_365] : memref<10000x128xf32, #tpu.memory_space<vmem_shared>> -> memref<10000x128xf32, #tpu.memory_space<vmem_shared>>
        tpu.wait_indirect_dma semaphore(%run_scoped3A_354 : memref<!tpu.dma_semaphore, #tpu.memory_space<semaphore_mem>>) src(%arg15 : memref<100x128xf32, #tpu.memory_space<vmem>>) dst(%dma_wait3A_366 : memref<10000x128xf32, #tpu.memory_space<vmem_shared>>)
        tpu.yield
      }) : () -> ()
      %run_scoped3A_239 = arith.constant 0 : i32
      "tpu.region"() ({
        %run_scoped3A_354 = tpu.sem_alloc : memref<!tpu.dma_semaphore, #tpu.memory_space<semaphore_mem>>
        %dma_start3A_355 = arith.constant 0 : i32
        %dma_start3A_356 = tpu.memref_slice %arg18[%dma_start3A_355] : memref<128xf32, #tpu.memory_space<vmem>> -> memref<100xf32, #tpu.memory_space<vmem>>
        %dma_start3A_357 = arith.constant 0 : i32
        %dma_start3A_358 = tpu.memref_slice %arg12[%run_scoped3A_239, %dma_start3A_357] : memref<1x100xi32, #tpu.memory_space<vmem>> -> memref<1x100xi32, #tpu.memory_space<vmem>>
        %dma_start3A_359 = tpu.memref_squeeze %dma_start3A_358 : memref<1x100xi32, #tpu.memory_space<vmem>> -> memref<100xi32, #tpu.memory_space<vmem>>
        %dma_start3A_360 = arith.constant 0 : i32
        %dma_start3A_361 = tpu.memref_slice %arg8[%dma_start3A_360] : memref<10000xf32, #tpu.memory_space<vmem_shared>> -> memref<10000xf32, #tpu.memory_space<vmem_shared>>
        tpu.enqueue_indirect_dma source(%dma_start3A_356 : memref<100xf32, #tpu.memory_space<vmem>>) target(%dma_start3A_361 : memref<10000xf32, #tpu.memory_space<vmem_shared>>) offsets(%dma_start3A_359 : memref<100xi32, #tpu.memory_space<vmem>>) semaphore(%run_scoped3A_354 : memref<!tpu.dma_semaphore, #tpu.memory_space<semaphore_mem>>) {add = true}
        %dma_wait3A_362 = arith.constant 0 : i32
        %dma_wait3A_363 = tpu.memref_slice %arg18[%dma_wait3A_362] : memref<128xf32, #tpu.memory_space<vmem>> -> memref<100xf32, #tpu.memory_space<vmem>>
        %dma_wait3A_364 = arith.constant 0 : i32
        %dma_wait3A_365 = tpu.memref_slice %arg12[%run_scoped3A_239, %dma_wait3A_364] : memref<1x100xi32, #tpu.memory_space<vmem>> -> memref<1x100xi32, #tpu.memory_space<vmem>>
        %dma_wait3A_366 = tpu.memref_squeeze %dma_wait3A_365 : memref<1x100xi32, #tpu.memory_space<vmem>> -> memref<100xi32, #tpu.memory_space<vmem>>
        %dma_wait3A_367 = arith.constant 0 : i32
        %dma_wait3A_368 = tpu.memref_slice %arg8[%dma_wait3A_367] : memref<10000xf32, #tpu.memory_space<vmem_shared>> -> memref<10000xf32, #tpu.memory_space<vmem_shared>>
        tpu.wait_indirect_dma semaphore(%run_scoped3A_354 : memref<!tpu.dma_semaphore, #tpu.memory_space<semaphore_mem>>) src(%dma_wait3A_363 : memref<100xf32, #tpu.memory_space<vmem>>) dst(%dma_wait3A_368 : memref<10000xf32, #tpu.memory_space<vmem_shared>>)
        tpu.yield
      }) : () -> ()
      %add3A_240 = arith.constant 3 : i32
      %add3A_241 = arith.addi %mul3A_230, %add3A_240 : i32
      %dma_start3A_242 = arith.constant 0 : i32
      %dma_start3A_243 = arith.constant 0 : i32
      %dma_start3A_244 = arith.constant 0 : i32
      %dma_start3A_245 = tpu.memref_slice %arg2[%dma_start3A_242, %add3A, %add3A_241, %dma_start3A_243, %dma_start3A_244] : memref<2x32x100x1x100xi32, #tpu.memory_space<hbm>> -> memref<1x1x1x1x100xi32, #tpu.memory_space<hbm>>
      %dma_start3A_246 = tpu.memref_squeeze %dma_start3A_245 : memref<1x1x1x1x100xi32, #tpu.memory_space<hbm>> -> memref<1x100xi32, #tpu.memory_space<hbm>>
      %dma_start3A_247 = arith.constant 0 : i32
      %dma_start3A_248 = arith.constant 0 : i32
      %dma_start3A_249 = tpu.memref_slice %arg2[%dma_start3A_242, %add3A, %add3A_241, %dma_start3A_247, %dma_start3A_248] : memref<2x32x100x1x100xi32, #tpu.memory_space<hbm>> -> memref<1x1x1x1x100xi32, #tpu.memory_space<hbm>>
      %dma_start3A_250 = tpu.memref_squeeze %dma_start3A_249 : memref<1x1x1x1x100xi32, #tpu.memory_space<hbm>> -> memref<1x100xi32, #tpu.memory_space<hbm>>
      tpu.enqueue_dma source(%dma_start3A_250 : memref<1x100xi32, #tpu.memory_space<hbm>>) target(%arg9 : memref<1x100xi32, #tpu.memory_space<vmem>>) target_semaphore(%arg20 : memref<!tpu.dma_semaphore, #tpu.memory_space<semaphore_mem>>)
      %dma_start3A_251 = arith.constant 1 : i32
      %dma_start3A_252 = arith.constant 0 : i32
      %dma_start3A_253 = arith.constant 0 : i32
      %dma_start3A_254 = tpu.memref_slice %arg2[%dma_start3A_251, %add3A, %add3A_241, %dma_start3A_252, %dma_start3A_253] : memref<2x32x100x1x100xi32, #tpu.memory_space<hbm>> -> memref<1x1x1x1x100xi32, #tpu.memory_space<hbm>>
      %dma_start3A_255 = tpu.memref_squeeze %dma_start3A_254 : memref<1x1x1x1x100xi32, #tpu.memory_space<hbm>> -> memref<1x100xi32, #tpu.memory_space<hbm>>
      %dma_start3A_256 = arith.constant 0 : i32
      %dma_start3A_257 = arith.constant 0 : i32
      %dma_start3A_258 = tpu.memref_slice %arg2[%dma_start3A_251, %add3A, %add3A_241, %dma_start3A_256, %dma_start3A_257] : memref<2x32x100x1x100xi32, #tpu.memory_space<hbm>> -> memref<1x1x1x1x100xi32, #tpu.memory_space<hbm>>
      %dma_start3A_259 = tpu.memref_squeeze %dma_start3A_258 : memref<1x1x1x1x100xi32, #tpu.memory_space<hbm>> -> memref<1x100xi32, #tpu.memory_space<hbm>>
      tpu.enqueue_dma source(%dma_start3A_259 : memref<1x100xi32, #tpu.memory_space<hbm>>) target(%arg12 : memref<1x100xi32, #tpu.memory_space<vmem>>) target_semaphore(%arg20 : memref<!tpu.dma_semaphore, #tpu.memory_space<semaphore_mem>>)
      %add3A_260 = arith.constant 2 : i32
      %add3A_261 = arith.addi %mul3A_230, %add3A_260 : i32
      %dma_wait3A_262 = arith.constant 0 : i32
      %dma_wait3A_263 = arith.constant 0 : i32
      %dma_wait3A_264 = arith.constant 0 : i32
      %dma_wait3A_265 = tpu.memref_slice %arg2[%dma_wait3A_262, %add3A, %add3A_261, %dma_wait3A_263, %dma_wait3A_264] : memref<2x32x100x1x100xi32, #tpu.memory_space<hbm>> -> memref<1x1x1x1x100xi32, #tpu.memory_space<hbm>>
      %dma_wait3A_266 = tpu.memref_squeeze %dma_wait3A_265 : memref<1x1x1x1x100xi32, #tpu.memory_space<hbm>> -> memref<1x100xi32, #tpu.memory_space<hbm>>
      %dma_wait3A_267 = arith.constant 0 : i32
      %dma_wait3A_268 = arith.constant 0 : i32
      %dma_wait3A_269 = tpu.memref_slice %arg2[%dma_wait3A_262, %add3A, %add3A_261, %dma_wait3A_267, %dma_wait3A_268] : memref<2x32x100x1x100xi32, #tpu.memory_space<hbm>> -> memref<1x1x1x1x100xi32, #tpu.memory_space<hbm>>
      %dma_wait3A_270 = tpu.memref_squeeze %dma_wait3A_269 : memref<1x1x1x1x100xi32, #tpu.memory_space<hbm>> -> memref<1x100xi32, #tpu.memory_space<hbm>>
      tpu.wait_dma2 semaphore(%arg22 : memref<!tpu.dma_semaphore, #tpu.memory_space<semaphore_mem>>) src(%dma_wait3A_270 : memref<1x100xi32, #tpu.memory_space<hbm>>) dst(%arg11 : memref<1x100xi32, #tpu.memory_space<vmem>>)
      %dma_wait3A_271 = arith.constant 1 : i32
      %dma_wait3A_272 = arith.constant 0 : i32
      %dma_wait3A_273 = arith.constant 0 : i32
      %dma_wait3A_274 = tpu.memref_slice %arg2[%dma_wait3A_271, %add3A, %add3A_261, %dma_wait3A_272, %dma_wait3A_273] : memref<2x32x100x1x100xi32, #tpu.memory_space<hbm>> -> memref<1x1x1x1x100xi32, #tpu.memory_space<hbm>>
      %dma_wait3A_275 = tpu.memref_squeeze %dma_wait3A_274 : memref<1x1x1x1x100xi32, #tpu.memory_space<hbm>> -> memref<1x100xi32, #tpu.memory_space<hbm>>
      %dma_wait3A_276 = arith.constant 0 : i32
      %dma_wait3A_277 = arith.constant 0 : i32
      %dma_wait3A_278 = tpu.memref_slice %arg2[%dma_wait3A_271, %add3A, %add3A_261, %dma_wait3A_276, %dma_wait3A_277] : memref<2x32x100x1x100xi32, #tpu.memory_space<hbm>> -> memref<1x1x1x1x100xi32, #tpu.memory_space<hbm>>
      %dma_wait3A_279 = tpu.memref_squeeze %dma_wait3A_278 : memref<1x1x1x1x100xi32, #tpu.memory_space<hbm>> -> memref<1x100xi32, #tpu.memory_space<hbm>>
      tpu.wait_dma2 semaphore(%arg22 : memref<!tpu.dma_semaphore, #tpu.memory_space<semaphore_mem>>) src(%dma_wait3A_279 : memref<1x100xi32, #tpu.memory_space<hbm>>) dst(%arg14 : memref<1x100xi32, #tpu.memory_space<vmem>>)
      %add3A_280 = arith.constant 2 : i32
      %add3A_281 = arith.addi %mul3A_230, %add3A_280 : i32
      %dma_start3A_282 = arith.constant 0 : i32
      %dma_start3A_283 = arith.constant 0 : i32
      %dma_start3A_284 = tpu.memref_slice %arg11[%dma_start3A_282, %dma_start3A_283] : memref<1x100xi32, #tpu.memory_space<vmem>> -> memref<1x100xi32, #tpu.memory_space<vmem>>
      %dma_start3A_285 = tpu.memref_squeeze %dma_start3A_284 : memref<1x100xi32, #tpu.memory_space<vmem>> -> memref<100xi32, #tpu.memory_space<vmem>>
      %dma_start3A_286 = arith.constant 0 : i32
      %dma_start3A_287 = arith.constant 0 : i32
      %dma_start3A_288 = tpu.memref_slice %arg3[%dma_start3A_286, %dma_start3A_287] : memref<10000x128xf32, #tpu.memory_space<hbm>> -> memref<10000x128xf32, #tpu.memory_space<hbm>>
      tpu.enqueue_indirect_dma source(%dma_start3A_288 : memref<10000x128xf32, #tpu.memory_space<hbm>>) target(%arg17 : memref<100x128xf32, #tpu.memory_space<vmem>>) offsets(%dma_start3A_285 : memref<100xi32, #tpu.memory_space<vmem>>) semaphore(%arg25 : memref<!tpu.dma_semaphore, #tpu.memory_space<semaphore_mem>>)
      %add3A_289 = arith.constant 1 : i32
      %add3A_290 = arith.addi %mul3A_230, %add3A_289 : i32
      %dma_wait3A_291 = arith.constant 0 : i32
      %dma_wait3A_292 = arith.constant 0 : i32
      %dma_wait3A_293 = tpu.memref_slice %arg10[%dma_wait3A_291, %dma_wait3A_292] : memref<1x100xi32, #tpu.memory_space<vmem>> -> memref<1x100xi32, #tpu.memory_space<vmem>>
      %dma_wait3A_294 = tpu.memref_squeeze %dma_wait3A_293 : memref<1x100xi32, #tpu.memory_space<vmem>> -> memref<100xi32, #tpu.memory_space<vmem>>
      %dma_wait3A_295 = arith.constant 0 : i32
      %dma_wait3A_296 = arith.constant 0 : i32
      %dma_wait3A_297 = tpu.memref_slice %arg3[%dma_wait3A_295, %dma_wait3A_296] : memref<10000x128xf32, #tpu.memory_space<hbm>> -> memref<10000x128xf32, #tpu.memory_space<hbm>>
      tpu.wait_indirect_dma semaphore(%arg24 : memref<!tpu.dma_semaphore, #tpu.memory_space<semaphore_mem>>) src(%dma_wait3A_297 : memref<10000x128xf32, #tpu.memory_space<hbm>>) dst(%arg16 : memref<100x128xf32, #tpu.memory_space<vmem>>)
      %run_scoped3A_298 = arith.constant 0 : i32
      "tpu.region"() ({
        %run_scoped3A_354 = tpu.sem_alloc : memref<!tpu.dma_semaphore, #tpu.memory_space<semaphore_mem>>
        %dma_start3A_355 = arith.constant 0 : i32
        %dma_start3A_356 = tpu.memref_slice %arg13[%run_scoped3A_298, %dma_start3A_355] : memref<1x100xi32, #tpu.memory_space<vmem>> -> memref<1x100xi32, #tpu.memory_space<vmem>>
        %dma_start3A_357 = tpu.memref_squeeze %dma_start3A_356 : memref<1x100xi32, #tpu.memory_space<vmem>> -> memref<100xi32, #tpu.memory_space<vmem>>
        %dma_start3A_358 = arith.constant 0 : i32
        %dma_start3A_359 = arith.constant 0 : i32
        %dma_start3A_360 = tpu.memref_slice %arg7[%dma_start3A_358, %dma_start3A_359] : memref<10000x128xf32, #tpu.memory_space<vmem_shared>> -> memref<10000x128xf32, #tpu.memory_space<vmem_shared>>
        tpu.enqueue_indirect_dma source(%arg16 : memref<100x128xf32, #tpu.memory_space<vmem>>) target(%dma_start3A_360 : memref<10000x128xf32, #tpu.memory_space<vmem_shared>>) offsets(%dma_start3A_357 : memref<100xi32, #tpu.memory_space<vmem>>) semaphore(%run_scoped3A_354 : memref<!tpu.dma_semaphore, #tpu.memory_space<semaphore_mem>>) {add = true}
        %dma_wait3A_361 = arith.constant 0 : i32
        %dma_wait3A_362 = tpu.memref_slice %arg13[%run_scoped3A_298, %dma_wait3A_361] : memref<1x100xi32, #tpu.memory_space<vmem>> -> memref<1x100xi32, #tpu.memory_space<vmem>>
        %dma_wait3A_363 = tpu.memref_squeeze %dma_wait3A_362 : memref<1x100xi32, #tpu.memory_space<vmem>> -> memref<100xi32, #tpu.memory_space<vmem>>
        %dma_wait3A_364 = arith.constant 0 : i32
        %dma_wait3A_365 = arith.constant 0 : i32
        %dma_wait3A_366 = tpu.memref_slice %arg7[%dma_wait3A_364, %dma_wait3A_365] : memref<10000x128xf32, #tpu.memory_space<vmem_shared>> -> memref<10000x128xf32, #tpu.memory_space<vmem_shared>>
        tpu.wait_indirect_dma semaphore(%run_scoped3A_354 : memref<!tpu.dma_semaphore, #tpu.memory_space<semaphore_mem>>) src(%arg16 : memref<100x128xf32, #tpu.memory_space<vmem>>) dst(%dma_wait3A_366 : memref<10000x128xf32, #tpu.memory_space<vmem_shared>>)
        tpu.yield
      }) : () -> ()
      %run_scoped3A_299 = arith.constant 0 : i32
      "tpu.region"() ({
        %run_scoped3A_354 = tpu.sem_alloc : memref<!tpu.dma_semaphore, #tpu.memory_space<semaphore_mem>>
        %dma_start3A_355 = arith.constant 0 : i32
        %dma_start3A_356 = tpu.memref_slice %arg18[%dma_start3A_355] : memref<128xf32, #tpu.memory_space<vmem>> -> memref<100xf32, #tpu.memory_space<vmem>>
        %dma_start3A_357 = arith.constant 0 : i32
        %dma_start3A_358 = tpu.memref_slice %arg13[%run_scoped3A_299, %dma_start3A_357] : memref<1x100xi32, #tpu.memory_space<vmem>> -> memref<1x100xi32, #tpu.memory_space<vmem>>
        %dma_start3A_359 = tpu.memref_squeeze %dma_start3A_358 : memref<1x100xi32, #tpu.memory_space<vmem>> -> memref<100xi32, #tpu.memory_space<vmem>>
        %dma_start3A_360 = arith.constant 0 : i32
        %dma_start3A_361 = tpu.memref_slice %arg8[%dma_start3A_360] : memref<10000xf32, #tpu.memory_space<vmem_shared>> -> memref<10000xf32, #tpu.memory_space<vmem_shared>>
        tpu.enqueue_indirect_dma source(%dma_start3A_356 : memref<100xf32, #tpu.memory_space<vmem>>) target(%dma_start3A_361 : memref<10000xf32, #tpu.memory_space<vmem_shared>>) offsets(%dma_start3A_359 : memref<100xi32, #tpu.memory_space<vmem>>) semaphore(%run_scoped3A_354 : memref<!tpu.dma_semaphore, #tpu.memory_space<semaphore_mem>>) {add = true}
        %dma_wait3A_362 = arith.constant 0 : i32
        %dma_wait3A_363 = tpu.memref_slice %arg18[%dma_wait3A_362] : memref<128xf32, #tpu.memory_space<vmem>> -> memref<100xf32, #tpu.memory_space<vmem>>
        %dma_wait3A_364 = arith.constant 0 : i32
        %dma_wait3A_365 = tpu.memref_slice %arg13[%run_scoped3A_299, %dma_wait3A_364] : memref<1x100xi32, #tpu.memory_space<vmem>> -> memref<1x100xi32, #tpu.memory_space<vmem>>
        %dma_wait3A_366 = tpu.memref_squeeze %dma_wait3A_365 : memref<1x100xi32, #tpu.memory_space<vmem>> -> memref<100xi32, #tpu.memory_space<vmem>>
        %dma_wait3A_367 = arith.constant 0 : i32
        %dma_wait3A_368 = tpu.memref_slice %arg8[%dma_wait3A_367] : memref<10000xf32, #tpu.memory_space<vmem_shared>> -> memref<10000xf32, #tpu.memory_space<vmem_shared>>
        tpu.wait_indirect_dma semaphore(%run_scoped3A_354 : memref<!tpu.dma_semaphore, #tpu.memory_space<semaphore_mem>>) src(%dma_wait3A_363 : memref<100xf32, #tpu.memory_space<vmem>>) dst(%dma_wait3A_368 : memref<10000xf32, #tpu.memory_space<vmem_shared>>)
        tpu.yield
      }) : () -> ()
      %lt3A = arith.constant 32 : i32
      %lt3A_300 = arith.cmpi slt, %scan3A_228, %lt3A : i32
      %convert_element_type3A_301 = arith.extui %lt3A_300 : i1 to i32
      %cond3A_302 = arith.constant 0 : i32
      %cond3A_303 = arith.cmpi ne, %convert_element_type3A_301, %cond3A_302 : i32
      scf.if %cond3A_303 {
        %add3A_354 = arith.constant 3 : i32
        %add3A_355 = arith.addi %add3A_290, %add3A_354 : i32
        %dma_start3A_356 = arith.constant 0 : i32
        %dma_start3A_357 = arith.constant 0 : i32
        %dma_start3A_358 = arith.constant 0 : i32
        %dma_start3A_359 = tpu.memref_slice %arg2[%dma_start3A_356, %add3A, %add3A_355, %dma_start3A_357, %dma_start3A_358] : memref<2x32x100x1x100xi32, #tpu.memory_space<hbm>> -> memref<1x1x1x1x100xi32, #tpu.memory_space<hbm>>
        %dma_start3A_360 = tpu.memref_squeeze %dma_start3A_359 : memref<1x1x1x1x100xi32, #tpu.memory_space<hbm>> -> memref<1x100xi32, #tpu.memory_space<hbm>>
        %dma_start3A_361 = arith.constant 0 : i32
        %dma_start3A_362 = arith.constant 0 : i32
        %dma_start3A_363 = tpu.memref_slice %arg2[%dma_start3A_356, %add3A, %add3A_355, %dma_start3A_361, %dma_start3A_362] : memref<2x32x100x1x100xi32, #tpu.memory_space<hbm>> -> memref<1x1x1x1x100xi32, #tpu.memory_space<hbm>>
        %dma_start3A_364 = tpu.memref_squeeze %dma_start3A_363 : memref<1x1x1x1x100xi32, #tpu.memory_space<hbm>> -> memref<1x100xi32, #tpu.memory_space<hbm>>
        tpu.enqueue_dma source(%dma_start3A_364 : memref<1x100xi32, #tpu.memory_space<hbm>>) target(%arg10 : memref<1x100xi32, #tpu.memory_space<vmem>>) target_semaphore(%arg21 : memref<!tpu.dma_semaphore, #tpu.memory_space<semaphore_mem>>)
        %dma_start3A_365 = arith.constant 1 : i32
        %dma_start3A_366 = arith.constant 0 : i32
        %dma_start3A_367 = arith.constant 0 : i32
        %dma_start3A_368 = tpu.memref_slice %arg2[%dma_start3A_365, %add3A, %add3A_355, %dma_start3A_366, %dma_start3A_367] : memref<2x32x100x1x100xi32, #tpu.memory_space<hbm>> -> memref<1x1x1x1x100xi32, #tpu.memory_space<hbm>>
        %dma_start3A_369 = tpu.memref_squeeze %dma_start3A_368 : memref<1x1x1x1x100xi32, #tpu.memory_space<hbm>> -> memref<1x100xi32, #tpu.memory_space<hbm>>
        %dma_start3A_370 = arith.constant 0 : i32
        %dma_start3A_371 = arith.constant 0 : i32
        %dma_start3A_372 = tpu.memref_slice %arg2[%dma_start3A_365, %add3A, %add3A_355, %dma_start3A_370, %dma_start3A_371] : memref<2x32x100x1x100xi32, #tpu.memory_space<hbm>> -> memref<1x1x1x1x100xi32, #tpu.memory_space<hbm>>
        %dma_start3A_373 = tpu.memref_squeeze %dma_start3A_372 : memref<1x1x1x1x100xi32, #tpu.memory_space<hbm>> -> memref<1x100xi32, #tpu.memory_space<hbm>>
        tpu.enqueue_dma source(%dma_start3A_373 : memref<1x100xi32, #tpu.memory_space<hbm>>) target(%arg13 : memref<1x100xi32, #tpu.memory_space<vmem>>) target_semaphore(%arg21 : memref<!tpu.dma_semaphore, #tpu.memory_space<semaphore_mem>>)
      } else {
      }
      %add3A_304 = arith.constant 2 : i32
      %add3A_305 = arith.addi %add3A_290, %add3A_304 : i32
      %dma_wait3A_306 = arith.constant 0 : i32
      %dma_wait3A_307 = arith.constant 0 : i32
      %dma_wait3A_308 = arith.constant 0 : i32
      %dma_wait3A_309 = tpu.memref_slice %arg2[%dma_wait3A_306, %add3A, %add3A_305, %dma_wait3A_307, %dma_wait3A_308] : memref<2x32x100x1x100xi32, #tpu.memory_space<hbm>> -> memref<1x1x1x1x100xi32, #tpu.memory_space<hbm>>
      %dma_wait3A_310 = tpu.memref_squeeze %dma_wait3A_309 : memref<1x1x1x1x100xi32, #tpu.memory_space<hbm>> -> memref<1x100xi32, #tpu.memory_space<hbm>>
      %dma_wait3A_311 = arith.constant 0 : i32
      %dma_wait3A_312 = arith.constant 0 : i32
      %dma_wait3A_313 = tpu.memref_slice %arg2[%dma_wait3A_306, %add3A, %add3A_305, %dma_wait3A_311, %dma_wait3A_312] : memref<2x32x100x1x100xi32, #tpu.memory_space<hbm>> -> memref<1x1x1x1x100xi32, #tpu.memory_space<hbm>>
      %dma_wait3A_314 = tpu.memref_squeeze %dma_wait3A_313 : memref<1x1x1x1x100xi32, #tpu.memory_space<hbm>> -> memref<1x100xi32, #tpu.memory_space<hbm>>
      tpu.wait_dma2 semaphore(%arg20 : memref<!tpu.dma_semaphore, #tpu.memory_space<semaphore_mem>>) src(%dma_wait3A_314 : memref<1x100xi32, #tpu.memory_space<hbm>>) dst(%arg9 : memref<1x100xi32, #tpu.memory_space<vmem>>)
      %dma_wait3A_315 = arith.constant 1 : i32
      %dma_wait3A_316 = arith.constant 0 : i32
      %dma_wait3A_317 = arith.constant 0 : i32
      %dma_wait3A_318 = tpu.memref_slice %arg2[%dma_wait3A_315, %add3A, %add3A_305, %dma_wait3A_316, %dma_wait3A_317] : memref<2x32x100x1x100xi32, #tpu.memory_space<hbm>> -> memref<1x1x1x1x100xi32, #tpu.memory_space<hbm>>
      %dma_wait3A_319 = tpu.memref_squeeze %dma_wait3A_318 : memref<1x1x1x1x100xi32, #tpu.memory_space<hbm>> -> memref<1x100xi32, #tpu.memory_space<hbm>>
      %dma_wait3A_320 = arith.constant 0 : i32
      %dma_wait3A_321 = arith.constant 0 : i32
      %dma_wait3A_322 = tpu.memref_slice %arg2[%dma_wait3A_315, %add3A, %add3A_305, %dma_wait3A_320, %dma_wait3A_321] : memref<2x32x100x1x100xi32, #tpu.memory_space<hbm>> -> memref<1x1x1x1x100xi32, #tpu.memory_space<hbm>>
      %dma_wait3A_323 = tpu.memref_squeeze %dma_wait3A_322 : memref<1x1x1x1x100xi32, #tpu.memory_space<hbm>> -> memref<1x100xi32, #tpu.memory_space<hbm>>
      tpu.wait_dma2 semaphore(%arg20 : memref<!tpu.dma_semaphore, #tpu.memory_space<semaphore_mem>>) src(%dma_wait3A_323 : memref<1x100xi32, #tpu.memory_space<hbm>>) dst(%arg12 : memref<1x100xi32, #tpu.memory_space<vmem>>)
      %add3A_324 = arith.constant 2 : i32
      %add3A_325 = arith.addi %add3A_290, %add3A_324 : i32
      %dma_start3A_326 = arith.constant 0 : i32
      %dma_start3A_327 = arith.constant 0 : i32
      %dma_start3A_328 = tpu.memref_slice %arg9[%dma_start3A_326, %dma_start3A_327] : memref<1x100xi32, #tpu.memory_space<vmem>> -> memref<1x100xi32, #tpu.memory_space<vmem>>
      %dma_start3A_329 = tpu.memref_squeeze %dma_start3A_328 : memref<1x100xi32, #tpu.memory_space<vmem>> -> memref<100xi32, #tpu.memory_space<vmem>>
      %dma_start3A_330 = arith.constant 0 : i32
      %dma_start3A_331 = arith.constant 0 : i32
      %dma_start3A_332 = tpu.memref_slice %arg3[%dma_start3A_330, %dma_start3A_331] : memref<10000x128xf32, #tpu.memory_space<hbm>> -> memref<10000x128xf32, #tpu.memory_space<hbm>>
      tpu.enqueue_indirect_dma source(%dma_start3A_332 : memref<10000x128xf32, #tpu.memory_space<hbm>>) target(%arg15 : memref<100x128xf32, #tpu.memory_space<vmem>>) offsets(%dma_start3A_329 : memref<100xi32, #tpu.memory_space<vmem>>) semaphore(%arg23 : memref<!tpu.dma_semaphore, #tpu.memory_space<semaphore_mem>>)
      %add3A_333 = arith.constant 2 : i32
      %add3A_334 = arith.addi %mul3A_230, %add3A_333 : i32
      %dma_wait3A_335 = arith.constant 0 : i32
      %dma_wait3A_336 = arith.constant 0 : i32
      %dma_wait3A_337 = tpu.memref_slice %arg11[%dma_wait3A_335, %dma_wait3A_336] : memref<1x100xi32, #tpu.memory_space<vmem>> -> memref<1x100xi32, #tpu.memory_space<vmem>>
      %dma_wait3A_338 = tpu.memref_squeeze %dma_wait3A_337 : memref<1x100xi32, #tpu.memory_space<vmem>> -> memref<100xi32, #tpu.memory_space<vmem>>
      %dma_wait3A_339 = arith.constant 0 : i32
      %dma_wait3A_340 = arith.constant 0 : i32
      %dma_wait3A_341 = tpu.memref_slice %arg3[%dma_wait3A_339, %dma_wait3A_340] : memref<10000x128xf32, #tpu.memory_space<hbm>> -> memref<10000x128xf32, #tpu.memory_space<hbm>>
      tpu.wait_indirect_dma semaphore(%arg25 : memref<!tpu.dma_semaphore, #tpu.memory_space<semaphore_mem>>) src(%dma_wait3A_341 : memref<10000x128xf32, #tpu.memory_space<hbm>>) dst(%arg17 : memref<100x128xf32, #tpu.memory_space<vmem>>)
      %run_scoped3A_342 = arith.constant 0 : i32
      "tpu.region"() ({
        %run_scoped3A_354 = tpu.sem_alloc : memref<!tpu.dma_semaphore, #tpu.memory_space<semaphore_mem>>
        %dma_start3A_355 = arith.constant 0 : i32
        %dma_start3A_356 = tpu.memref_slice %arg14[%run_scoped3A_342, %dma_start3A_355] : memref<1x100xi32, #tpu.memory_space<vmem>> -> memref<1x100xi32, #tpu.memory_space<vmem>>
        %dma_start3A_357 = tpu.memref_squeeze %dma_start3A_356 : memref<1x100xi32, #tpu.memory_space<vmem>> -> memref<100xi32, #tpu.memory_space<vmem>>
        %dma_start3A_358 = arith.constant 0 : i32
        %dma_start3A_359 = arith.constant 0 : i32
        %dma_start3A_360 = tpu.memref_slice %arg7[%dma_start3A_358, %dma_start3A_359] : memref<10000x128xf32, #tpu.memory_space<vmem_shared>> -> memref<10000x128xf32, #tpu.memory_space<vmem_shared>>
        tpu.enqueue_indirect_dma source(%arg17 : memref<100x128xf32, #tpu.memory_space<vmem>>) target(%dma_start3A_360 : memref<10000x128xf32, #tpu.memory_space<vmem_shared>>) offsets(%dma_start3A_357 : memref<100xi32, #tpu.memory_space<vmem>>) semaphore(%run_scoped3A_354 : memref<!tpu.dma_semaphore, #tpu.memory_space<semaphore_mem>>) {add = true}
        %dma_wait3A_361 = arith.constant 0 : i32
        %dma_wait3A_362 = tpu.memref_slice %arg14[%run_scoped3A_342, %dma_wait3A_361] : memref<1x100xi32, #tpu.memory_space<vmem>> -> memref<1x100xi32, #tpu.memory_space<vmem>>
        %dma_wait3A_363 = tpu.memref_squeeze %dma_wait3A_362 : memref<1x100xi32, #tpu.memory_space<vmem>> -> memref<100xi32, #tpu.memory_space<vmem>>
        %dma_wait3A_364 = arith.constant 0 : i32
        %dma_wait3A_365 = arith.constant 0 : i32
        %dma_wait3A_366 = tpu.memref_slice %arg7[%dma_wait3A_364, %dma_wait3A_365] : memref<10000x128xf32, #tpu.memory_space<vmem_shared>> -> memref<10000x128xf32, #tpu.memory_space<vmem_shared>>
        tpu.wait_indirect_dma semaphore(%run_scoped3A_354 : memref<!tpu.dma_semaphore, #tpu.memory_space<semaphore_mem>>) src(%arg17 : memref<100x128xf32, #tpu.memory_space<vmem>>) dst(%dma_wait3A_366 : memref<10000x128xf32, #tpu.memory_space<vmem_shared>>)
        tpu.yield
      }) : () -> ()
      %run_scoped3A_343 = arith.constant 0 : i32
      "tpu.region"() ({
        %run_scoped3A_354 = tpu.sem_alloc : memref<!tpu.dma_semaphore, #tpu.memory_space<semaphore_mem>>
        %dma_start3A_355 = arith.constant 0 : i32
        %dma_start3A_356 = tpu.memref_slice %arg18[%dma_start3A_355] : memref<128xf32, #tpu.memory_space<vmem>> -> memref<100xf32, #tpu.memory_space<vmem>>
        %dma_start3A_357 = arith.constant 0 : i32
        %dma_start3A_358 = tpu.memref_slice %arg14[%run_scoped3A_343, %dma_start3A_357] : memref<1x100xi32, #tpu.memory_space<vmem>> -> memref<1x100xi32, #tpu.memory_space<vmem>>
        %dma_start3A_359 = tpu.memref_squeeze %dma_start3A_358 : memref<1x100xi32, #tpu.memory_space<vmem>> -> memref<100xi32, #tpu.memory_space<vmem>>
        %dma_start3A_360 = arith.constant 0 : i32
        %dma_start3A_361 = tpu.memref_slice %arg8[%dma_start3A_360] : memref<10000xf32, #tpu.memory_space<vmem_shared>> -> memref<10000xf32, #tpu.memory_space<vmem_shared>>
        tpu.enqueue_indirect_dma source(%dma_start3A_356 : memref<100xf32, #tpu.memory_space<vmem>>) target(%dma_start3A_361 : memref<10000xf32, #tpu.memory_space<vmem_shared>>) offsets(%dma_start3A_359 : memref<100xi32, #tpu.memory_space<vmem>>) semaphore(%run_scoped3A_354 : memref<!tpu.dma_semaphore, #tpu.memory_space<semaphore_mem>>) {add = true}
        %dma_wait3A_362 = arith.constant 0 : i32
        %dma_wait3A_363 = tpu.memref_slice %arg18[%dma_wait3A_362] : memref<128xf32, #tpu.memory_space<vmem>> -> memref<100xf32, #tpu.memory_space<vmem>>
        %dma_wait3A_364 = arith.constant 0 : i32
        %dma_wait3A_365 = tpu.memref_slice %arg14[%run_scoped3A_343, %dma_wait3A_364] : memref<1x100xi32, #tpu.memory_space<vmem>> -> memref<1x100xi32, #tpu.memory_space<vmem>>
        %dma_wait3A_366 = tpu.memref_squeeze %dma_wait3A_365 : memref<1x100xi32, #tpu.memory_space<vmem>> -> memref<100xi32, #tpu.memory_space<vmem>>
        %dma_wait3A_367 = arith.constant 0 : i32
        %dma_wait3A_368 = tpu.memref_slice %arg8[%dma_wait3A_367] : memref<10000xf32, #tpu.memory_space<vmem_shared>> -> memref<10000xf32, #tpu.memory_space<vmem_shared>>
        tpu.wait_indirect_dma semaphore(%run_scoped3A_354 : memref<!tpu.dma_semaphore, #tpu.memory_space<semaphore_mem>>) src(%dma_wait3A_363 : memref<100xf32, #tpu.memory_space<vmem>>) dst(%dma_wait3A_368 : memref<10000xf32, #tpu.memory_space<vmem_shared>>)
        tpu.yield
      }) : () -> ()
      %lt3A_344 = arith.constant 32 : i32
      %lt3A_345 = arith.cmpi slt, %scan3A_228, %lt3A_344 : i32
      %convert_element_type3A_346 = arith.extui %lt3A_345 : i1 to i32
      %cond3A_347 = arith.constant 0 : i32
      %cond3A_348 = arith.cmpi ne, %convert_element_type3A_346, %cond3A_347 : i32
      scf.if %cond3A_348 {
        %add3A_354 = arith.constant 3 : i32
        %add3A_355 = arith.addi %add3A_334, %add3A_354 : i32
        %dma_start3A_356 = arith.constant 0 : i32
        %dma_start3A_357 = arith.constant 0 : i32
        %dma_start3A_358 = arith.constant 0 : i32
        %dma_start3A_359 = tpu.memref_slice %arg2[%dma_start3A_356, %add3A, %add3A_355, %dma_start3A_357, %dma_start3A_358] : memref<2x32x100x1x100xi32, #tpu.memory_space<hbm>> -> memref<1x1x1x1x100xi32, #tpu.memory_space<hbm>>
        %dma_start3A_360 = tpu.memref_squeeze %dma_start3A_359 : memref<1x1x1x1x100xi32, #tpu.memory_space<hbm>> -> memref<1x100xi32, #tpu.memory_space<hbm>>
        %dma_start3A_361 = arith.constant 0 : i32
        %dma_start3A_362 = arith.constant 0 : i32
        %dma_start3A_363 = tpu.memref_slice %arg2[%dma_start3A_356, %add3A, %add3A_355, %dma_start3A_361, %dma_start3A_362] : memref<2x32x100x1x100xi32, #tpu.memory_space<hbm>> -> memref<1x1x1x1x100xi32, #tpu.memory_space<hbm>>
        %dma_start3A_364 = tpu.memref_squeeze %dma_start3A_363 : memref<1x1x1x1x100xi32, #tpu.memory_space<hbm>> -> memref<1x100xi32, #tpu.memory_space<hbm>>
        tpu.enqueue_dma source(%dma_start3A_364 : memref<1x100xi32, #tpu.memory_space<hbm>>) target(%arg11 : memref<1x100xi32, #tpu.memory_space<vmem>>) target_semaphore(%arg22 : memref<!tpu.dma_semaphore, #tpu.memory_space<semaphore_mem>>)
        %dma_start3A_365 = arith.constant 1 : i32
        %dma_start3A_366 = arith.constant 0 : i32
        %dma_start3A_367 = arith.constant 0 : i32
        %dma_start3A_368 = tpu.memref_slice %arg2[%dma_start3A_365, %add3A, %add3A_355, %dma_start3A_366, %dma_start3A_367] : memref<2x32x100x1x100xi32, #tpu.memory_space<hbm>> -> memref<1x1x1x1x100xi32, #tpu.memory_space<hbm>>
        %dma_start3A_369 = tpu.memref_squeeze %dma_start3A_368 : memref<1x1x1x1x100xi32, #tpu.memory_space<hbm>> -> memref<1x100xi32, #tpu.memory_space<hbm>>
        %dma_start3A_370 = arith.constant 0 : i32
        %dma_start3A_371 = arith.constant 0 : i32
        %dma_start3A_372 = tpu.memref_slice %arg2[%dma_start3A_365, %add3A, %add3A_355, %dma_start3A_370, %dma_start3A_371] : memref<2x32x100x1x100xi32, #tpu.memory_space<hbm>> -> memref<1x1x1x1x100xi32, #tpu.memory_space<hbm>>
        %dma_start3A_373 = tpu.memref_squeeze %dma_start3A_372 : memref<1x1x1x1x100xi32, #tpu.memory_space<hbm>> -> memref<1x100xi32, #tpu.memory_space<hbm>>
        tpu.enqueue_dma source(%dma_start3A_373 : memref<1x100xi32, #tpu.memory_space<hbm>>) target(%arg14 : memref<1x100xi32, #tpu.memory_space<vmem>>) target_semaphore(%arg22 : memref<!tpu.dma_semaphore, #tpu.memory_space<semaphore_mem>>)
      } else {
      }
      %lt3A_349 = arith.constant 32 : i32
      %lt3A_350 = arith.cmpi slt, %scan3A_228, %lt3A_349 : i32
      %convert_element_type3A_351 = arith.extui %lt3A_350 : i1 to i32
      %cond3A_352 = arith.constant 0 : i32
      %cond3A_353 = arith.cmpi ne, %convert_element_type3A_351, %cond3A_352 : i32
      scf.if %cond3A_353 {
        %add3A_354 = arith.constant 2 : i32
        %add3A_355 = arith.addi %add3A_334, %add3A_354 : i32
        %dma_wait3A_356 = arith.constant 0 : i32
        %dma_wait3A_357 = arith.constant 0 : i32
        %dma_wait3A_358 = arith.constant 0 : i32
        %dma_wait3A_359 = tpu.memref_slice %arg2[%dma_wait3A_356, %add3A, %add3A_355, %dma_wait3A_357, %dma_wait3A_358] : memref<2x32x100x1x100xi32, #tpu.memory_space<hbm>> -> memref<1x1x1x1x100xi32, #tpu.memory_space<hbm>>
        %dma_wait3A_360 = tpu.memref_squeeze %dma_wait3A_359 : memref<1x1x1x1x100xi32, #tpu.memory_space<hbm>> -> memref<1x100xi32, #tpu.memory_space<hbm>>
        %dma_wait3A_361 = arith.constant 0 : i32
        %dma_wait3A_362 = arith.constant 0 : i32
        %dma_wait3A_363 = tpu.memref_slice %arg2[%dma_wait3A_356, %add3A, %add3A_355, %dma_wait3A_361, %dma_wait3A_362] : memref<2x32x100x1x100xi32, #tpu.memory_space<hbm>> -> memref<1x1x1x1x100xi32, #tpu.memory_space<hbm>>
        %dma_wait3A_364 = tpu.memref_squeeze %dma_wait3A_363 : memref<1x1x1x1x100xi32, #tpu.memory_space<hbm>> -> memref<1x100xi32, #tpu.memory_space<hbm>>
        tpu.wait_dma2 semaphore(%arg21 : memref<!tpu.dma_semaphore, #tpu.memory_space<semaphore_mem>>) src(%dma_wait3A_364 : memref<1x100xi32, #tpu.memory_space<hbm>>) dst(%arg10 : memref<1x100xi32, #tpu.memory_space<vmem>>)
        %dma_wait3A_365 = arith.constant 1 : i32
        %dma_wait3A_366 = arith.constant 0 : i32
        %dma_wait3A_367 = arith.constant 0 : i32
        %dma_wait3A_368 = tpu.memref_slice %arg2[%dma_wait3A_365, %add3A, %add3A_355, %dma_wait3A_366, %dma_wait3A_367] : memref<2x32x100x1x100xi32, #tpu.memory_space<hbm>> -> memref<1x1x1x1x100xi32, #tpu.memory_space<hbm>>
        %dma_wait3A_369 = tpu.memref_squeeze %dma_wait3A_368 : memref<1x1x1x1x100xi32, #tpu.memory_space<hbm>> -> memref<1x100xi32, #tpu.memory_space<hbm>>
        %dma_wait3A_370 = arith.constant 0 : i32
        %dma_wait3A_371 = arith.constant 0 : i32
        %dma_wait3A_372 = tpu.memref_slice %arg2[%dma_wait3A_365, %add3A, %add3A_355, %dma_wait3A_370, %dma_wait3A_371] : memref<2x32x100x1x100xi32, #tpu.memory_space<hbm>> -> memref<1x1x1x1x100xi32, #tpu.memory_space<hbm>>
        %dma_wait3A_373 = tpu.memref_squeeze %dma_wait3A_372 : memref<1x1x1x1x100xi32, #tpu.memory_space<hbm>> -> memref<1x100xi32, #tpu.memory_space<hbm>>
        tpu.wait_dma2 semaphore(%arg21 : memref<!tpu.dma_semaphore, #tpu.memory_space<semaphore_mem>>) src(%dma_wait3A_373 : memref<1x100xi32, #tpu.memory_space<hbm>>) dst(%arg13 : memref<1x100xi32, #tpu.memory_space<vmem>>)
        %add3A_374 = arith.constant 2 : i32
        %add3A_375 = arith.addi %add3A_334, %add3A_374 : i32
        %dma_start3A_376 = arith.constant 0 : i32
        %dma_start3A_377 = arith.constant 0 : i32
        %dma_start3A_378 = tpu.memref_slice %arg10[%dma_start3A_376, %dma_start3A_377] : memref<1x100xi32, #tpu.memory_space<vmem>> -> memref<1x100xi32, #tpu.memory_space<vmem>>
        %dma_start3A_379 = tpu.memref_squeeze %dma_start3A_378 : memref<1x100xi32, #tpu.memory_space<vmem>> -> memref<100xi32, #tpu.memory_space<vmem>>
        %dma_start3A_380 = arith.constant 0 : i32
        %dma_start3A_381 = arith.constant 0 : i32
        %dma_start3A_382 = tpu.memref_slice %arg3[%dma_start3A_380, %dma_start3A_381] : memref<10000x128xf32, #tpu.memory_space<hbm>> -> memref<10000x128xf32, #tpu.memory_space<hbm>>
        tpu.enqueue_indirect_dma source(%dma_start3A_382 : memref<10000x128xf32, #tpu.memory_space<hbm>>) target(%arg16 : memref<100x128xf32, #tpu.memory_space<vmem>>) offsets(%dma_start3A_379 : memref<100xi32, #tpu.memory_space<vmem>>) semaphore(%arg24 : memref<!tpu.dma_semaphore, #tpu.memory_space<semaphore_mem>>)
      } else {
      }
    }
    %scan3A_182 = arith.constant 33 : i32
    %dma_wait3A_183 = arith.constant 0 : i32
    %dma_wait3A_184 = arith.constant 0 : i32
    %dma_wait3A_185 = tpu.memref_slice %arg9[%dma_wait3A_183, %dma_wait3A_184] : memref<1x100xi32, #tpu.memory_space<vmem>> -> memref<1x100xi32, #tpu.memory_space<vmem>>
    %dma_wait3A_186 = tpu.memref_squeeze %dma_wait3A_185 : memref<1x100xi32, #tpu.memory_space<vmem>> -> memref<100xi32, #tpu.memory_space<vmem>>
    %dma_wait3A_187 = arith.constant 0 : i32
    %dma_wait3A_188 = arith.constant 0 : i32
    %dma_wait3A_189 = tpu.memref_slice %arg3[%dma_wait3A_187, %dma_wait3A_188] : memref<10000x128xf32, #tpu.memory_space<hbm>> -> memref<10000x128xf32, #tpu.memory_space<hbm>>
    tpu.wait_indirect_dma semaphore(%arg23 : memref<!tpu.dma_semaphore, #tpu.memory_space<semaphore_mem>>) src(%dma_wait3A_189 : memref<10000x128xf32, #tpu.memory_space<hbm>>) dst(%arg15 : memref<100x128xf32, #tpu.memory_space<vmem>>)
    %run_scoped3A = arith.constant 0 : i32
    "tpu.region"() ({
      %run_scoped3A_228 = tpu.sem_alloc : memref<!tpu.dma_semaphore, #tpu.memory_space<semaphore_mem>>
      %dma_start3A_229 = arith.constant 0 : i32
      %dma_start3A_230 = tpu.memref_slice %arg12[%run_scoped3A, %dma_start3A_229] : memref<1x100xi32, #tpu.memory_space<vmem>> -> memref<1x100xi32, #tpu.memory_space<vmem>>
      %dma_start3A_231 = tpu.memref_squeeze %dma_start3A_230 : memref<1x100xi32, #tpu.memory_space<vmem>> -> memref<100xi32, #tpu.memory_space<vmem>>
      %dma_start3A_232 = arith.constant 0 : i32
      %dma_start3A_233 = arith.constant 0 : i32
      %dma_start3A_234 = tpu.memref_slice %arg7[%dma_start3A_232, %dma_start3A_233] : memref<10000x128xf32, #tpu.memory_space<vmem_shared>> -> memref<10000x128xf32, #tpu.memory_space<vmem_shared>>
      tpu.enqueue_indirect_dma source(%arg15 : memref<100x128xf32, #tpu.memory_space<vmem>>) target(%dma_start3A_234 : memref<10000x128xf32, #tpu.memory_space<vmem_shared>>) offsets(%dma_start3A_231 : memref<100xi32, #tpu.memory_space<vmem>>) semaphore(%run_scoped3A_228 : memref<!tpu.dma_semaphore, #tpu.memory_space<semaphore_mem>>) {add = true}
      %dma_wait3A_235 = arith.constant 0 : i32
      %dma_wait3A_236 = tpu.memref_slice %arg12[%run_scoped3A, %dma_wait3A_235] : memref<1x100xi32, #tpu.memory_space<vmem>> -> memref<1x100xi32, #tpu.memory_space<vmem>>
      %dma_wait3A_237 = tpu.memref_squeeze %dma_wait3A_236 : memref<1x100xi32, #tpu.memory_space<vmem>> -> memref<100xi32, #tpu.memory_space<vmem>>
      %dma_wait3A_238 = arith.constant 0 : i32
      %dma_wait3A_239 = arith.constant 0 : i32
      %dma_wait3A_240 = tpu.memref_slice %arg7[%dma_wait3A_238, %dma_wait3A_239] : memref<10000x128xf32, #tpu.memory_space<vmem_shared>> -> memref<10000x128xf32, #tpu.memory_space<vmem_shared>>
      tpu.wait_indirect_dma semaphore(%run_scoped3A_228 : memref<!tpu.dma_semaphore, #tpu.memory_space<semaphore_mem>>) src(%arg15 : memref<100x128xf32, #tpu.memory_space<vmem>>) dst(%dma_wait3A_240 : memref<10000x128xf32, #tpu.memory_space<vmem_shared>>)
      tpu.yield
    }) : () -> ()
    %run_scoped3A_190 = arith.constant 0 : i32
    "tpu.region"() ({
      %run_scoped3A_228 = tpu.sem_alloc : memref<!tpu.dma_semaphore, #tpu.memory_space<semaphore_mem>>
      %dma_start3A_229 = arith.constant 0 : i32
      %dma_start3A_230 = tpu.memref_slice %arg18[%dma_start3A_229] : memref<128xf32, #tpu.memory_space<vmem>> -> memref<100xf32, #tpu.memory_space<vmem>>
      %dma_start3A_231 = arith.constant 0 : i32
      %dma_start3A_232 = tpu.memref_slice %arg12[%run_scoped3A_190, %dma_start3A_231] : memref<1x100xi32, #tpu.memory_space<vmem>> -> memref<1x100xi32, #tpu.memory_space<vmem>>
      %dma_start3A_233 = tpu.memref_squeeze %dma_start3A_232 : memref<1x100xi32, #tpu.memory_space<vmem>> -> memref<100xi32, #tpu.memory_space<vmem>>
      %dma_start3A_234 = arith.constant 0 : i32
      %dma_start3A_235 = tpu.memref_slice %arg8[%dma_start3A_234] : memref<10000xf32, #tpu.memory_space<vmem_shared>> -> memref<10000xf32, #tpu.memory_space<vmem_shared>>
      tpu.enqueue_indirect_dma source(%dma_start3A_230 : memref<100xf32, #tpu.memory_space<vmem>>) target(%dma_start3A_235 : memref<10000xf32, #tpu.memory_space<vmem_shared>>) offsets(%dma_start3A_233 : memref<100xi32, #tpu.memory_space<vmem>>) semaphore(%run_scoped3A_228 : memref<!tpu.dma_semaphore, #tpu.memory_space<semaphore_mem>>) {add = true}
      %dma_wait3A_236 = arith.constant 0 : i32
      %dma_wait3A_237 = tpu.memref_slice %arg18[%dma_wait3A_236] : memref<128xf32, #tpu.memory_space<vmem>> -> memref<100xf32, #tpu.memory_space<vmem>>
      %dma_wait3A_238 = arith.constant 0 : i32
      %dma_wait3A_239 = tpu.memref_slice %arg12[%run_scoped3A_190, %dma_wait3A_238] : memref<1x100xi32, #tpu.memory_space<vmem>> -> memref<1x100xi32, #tpu.memory_space<vmem>>
      %dma_wait3A_240 = tpu.memref_squeeze %dma_wait3A_239 : memref<1x100xi32, #tpu.memory_space<vmem>> -> memref<100xi32, #tpu.memory_space<vmem>>
      %dma_wait3A_241 = arith.constant 0 : i32
      %dma_wait3A_242 = tpu.memref_slice %arg8[%dma_wait3A_241] : memref<10000xf32, #tpu.memory_space<vmem_shared>> -> memref<10000xf32, #tpu.memory_space<vmem_shared>>
      tpu.wait_indirect_dma semaphore(%run_scoped3A_228 : memref<!tpu.dma_semaphore, #tpu.memory_space<semaphore_mem>>) src(%dma_wait3A_237 : memref<100xf32, #tpu.memory_space<vmem>>) dst(%dma_wait3A_242 : memref<10000xf32, #tpu.memory_space<vmem_shared>>)
      tpu.yield
    }) : () -> ()
    %barrier3A_191 = arith.constant 0 : index
    tpu.barrier barrier_id(%barrier3A_191)
    %add3A_192 = arith.constant 0 : i32
    %add3A_193 = arith.addi %mul3A_100, %add3A_192 : i32
    "tpu.region"() ({
      %run_scoped3A_228 = tpu.sem_alloc : memref<!tpu.dma_semaphore, #tpu.memory_space<semaphore_mem>>
      %dma_start3A_229 = arith.constant 0 : i32
      %dma_start3A_230 = arith.constant 0 : i32
      %dma_start3A_231 = tpu.memref_slice %arg15[%dma_start3A_229, %dma_start3A_230] : memref<100x128xf32, #tpu.memory_space<vmem>> -> memref<80x128xf32, #tpu.memory_space<vmem>>
      %dma_start3A_232 = arith.constant 0 : i32
      %dma_start3A_233 = tpu.memref_slice %arg7[%add3A_193, %dma_start3A_232] : memref<10000x128xf32, #tpu.memory_space<vmem_shared>> -> memref<80x128xf32, #tpu.memory_space<vmem_shared>>
      %dma_start3A_234 = arith.constant 0 : i32
      %dma_start3A_235 = arith.constant 0 : i32
      %dma_start3A_236 = tpu.memref_slice %arg15[%dma_start3A_234, %dma_start3A_235] : memref<100x128xf32, #tpu.memory_space<vmem>> -> memref<80x128xf32, #tpu.memory_space<vmem>>
      %dma_start3A_237 = arith.constant 0 : i32
      %dma_start3A_238 = tpu.memref_slice %arg7[%add3A_193, %dma_start3A_237] : memref<10000x128xf32, #tpu.memory_space<vmem_shared>> -> memref<80x128xf32, #tpu.memory_space<vmem_shared>>
      tpu.enqueue_dma source(%dma_start3A_238 : memref<80x128xf32, #tpu.memory_space<vmem_shared>>) target(%dma_start3A_236 : memref<80x128xf32, #tpu.memory_space<vmem>>) target_semaphore(%run_scoped3A_228 : memref<!tpu.dma_semaphore, #tpu.memory_space<semaphore_mem>>)
      %dma_wait3A_239 = arith.constant 0 : i32
      %dma_wait3A_240 = arith.constant 0 : i32
      %dma_wait3A_241 = tpu.memref_slice %arg15[%dma_wait3A_239, %dma_wait3A_240] : memref<100x128xf32, #tpu.memory_space<vmem>> -> memref<80x128xf32, #tpu.memory_space<vmem>>
      %dma_wait3A_242 = arith.constant 0 : i32
      %dma_wait3A_243 = tpu.memref_slice %arg7[%add3A_193, %dma_wait3A_242] : memref<10000x128xf32, #tpu.memory_space<vmem_shared>> -> memref<80x128xf32, #tpu.memory_space<vmem_shared>>
      %dma_wait3A_244 = arith.constant 0 : i32
      %dma_wait3A_245 = arith.constant 0 : i32
      %dma_wait3A_246 = tpu.memref_slice %arg15[%dma_wait3A_244, %dma_wait3A_245] : memref<100x128xf32, #tpu.memory_space<vmem>> -> memref<80x128xf32, #tpu.memory_space<vmem>>
      %dma_wait3A_247 = arith.constant 0 : i32
      %dma_wait3A_248 = tpu.memref_slice %arg7[%add3A_193, %dma_wait3A_247] : memref<10000x128xf32, #tpu.memory_space<vmem_shared>> -> memref<80x128xf32, #tpu.memory_space<vmem_shared>>
      tpu.wait_dma2 semaphore(%run_scoped3A_228 : memref<!tpu.dma_semaphore, #tpu.memory_space<semaphore_mem>>) src(%dma_wait3A_248 : memref<80x128xf32, #tpu.memory_space<vmem_shared>>) dst(%dma_wait3A_246 : memref<80x128xf32, #tpu.memory_space<vmem>>)
      tpu.yield
    }) : () -> ()
    "tpu.region"() ({
      %run_scoped3A_228 = tpu.sem_alloc : memref<!tpu.dma_semaphore, #tpu.memory_space<semaphore_mem>>
      %dma_start3A_229 = arith.constant 0 : i32
      %dma_start3A_230 = arith.constant 0 : i32
      %dma_start3A_231 = tpu.memref_slice %arg15[%dma_start3A_229, %dma_start3A_230] : memref<100x128xf32, #tpu.memory_space<vmem>> -> memref<80x128xf32, #tpu.memory_space<vmem>>
      %dma_start3A_232 = arith.constant 0 : i32
      %dma_start3A_233 = tpu.memref_slice %arg4[%arg0, %add3A_193, %dma_start3A_232] : memref<2x10000x128xf32, #tpu.memory_space<hbm>> -> memref<1x80x128xf32, #tpu.memory_space<hbm>>
      %dma_start3A_234 = tpu.memref_squeeze %dma_start3A_233 : memref<1x80x128xf32, #tpu.memory_space<hbm>> -> memref<80x128xf32, #tpu.memory_space<hbm>>
      %dma_start3A_235 = arith.constant 0 : i32
      %dma_start3A_236 = tpu.memref_slice %arg4[%arg0, %add3A_193, %dma_start3A_235] : memref<2x10000x128xf32, #tpu.memory_space<hbm>> -> memref<1x80x128xf32, #tpu.memory_space<hbm>>
      %dma_start3A_237 = tpu.memref_squeeze %dma_start3A_236 : memref<1x80x128xf32, #tpu.memory_space<hbm>> -> memref<80x128xf32, #tpu.memory_space<hbm>>
      %dma_start3A_238 = arith.constant 0 : i32
      %dma_start3A_239 = arith.constant 0 : i32
      %dma_start3A_240 = tpu.memref_slice %arg15[%dma_start3A_238, %dma_start3A_239] : memref<100x128xf32, #tpu.memory_space<vmem>> -> memref<80x128xf32, #tpu.memory_space<vmem>>
      tpu.enqueue_dma source(%dma_start3A_240 : memref<80x128xf32, #tpu.memory_space<vmem>>) target(%dma_start3A_237 : memref<80x128xf32, #tpu.memory_space<hbm>>) target_semaphore(%run_scoped3A_228 : memref<!tpu.dma_semaphore, #tpu.memory_space<semaphore_mem>>)
      %dma_wait3A_241 = arith.constant 0 : i32
      %dma_wait3A_242 = arith.constant 0 : i32
      %dma_wait3A_243 = tpu.memref_slice %arg15[%dma_wait3A_241, %dma_wait3A_242] : memref<100x128xf32, #tpu.memory_space<vmem>> -> memref<80x128xf32, #tpu.memory_space<vmem>>
      %dma_wait3A_244 = arith.constant 0 : i32
      %dma_wait3A_245 = tpu.memref_slice %arg4[%arg0, %add3A_193, %dma_wait3A_244] : memref<2x10000x128xf32, #tpu.memory_space<hbm>> -> memref<1x80x128xf32, #tpu.memory_space<hbm>>
      %dma_wait3A_246 = tpu.memref_squeeze %dma_wait3A_245 : memref<1x80x128xf32, #tpu.memory_space<hbm>> -> memref<80x128xf32, #tpu.memory_space<hbm>>
      %dma_wait3A_247 = arith.constant 0 : i32
      %dma_wait3A_248 = tpu.memref_slice %arg4[%arg0, %add3A_193, %dma_wait3A_247] : memref<2x10000x128xf32, #tpu.memory_space<hbm>> -> memref<1x80x128xf32, #tpu.memory_space<hbm>>
      %dma_wait3A_249 = tpu.memref_squeeze %dma_wait3A_248 : memref<1x80x128xf32, #tpu.memory_space<hbm>> -> memref<80x128xf32, #tpu.memory_space<hbm>>
      %dma_wait3A_250 = arith.constant 0 : i32
      %dma_wait3A_251 = arith.constant 0 : i32
      %dma_wait3A_252 = tpu.memref_slice %arg15[%dma_wait3A_250, %dma_wait3A_251] : memref<100x128xf32, #tpu.memory_space<vmem>> -> memref<80x128xf32, #tpu.memory_space<vmem>>
      tpu.wait_dma2 semaphore(%run_scoped3A_228 : memref<!tpu.dma_semaphore, #tpu.memory_space<semaphore_mem>>) src(%dma_wait3A_252 : memref<80x128xf32, #tpu.memory_space<vmem>>) dst(%dma_wait3A_249 : memref<80x128xf32, #tpu.memory_space<hbm>>)
      tpu.yield
    }) : () -> ()
    %add3A_194 = arith.constant 80 : i32
    %add3A_195 = arith.addi %mul3A_100, %add3A_194 : i32
    "tpu.region"() ({
      %run_scoped3A_228 = tpu.sem_alloc : memref<!tpu.dma_semaphore, #tpu.memory_space<semaphore_mem>>
      %dma_start3A_229 = arith.constant 0 : i32
      %dma_start3A_230 = arith.constant 0 : i32
      %dma_start3A_231 = tpu.memref_slice %arg15[%dma_start3A_229, %dma_start3A_230] : memref<100x128xf32, #tpu.memory_space<vmem>> -> memref<80x128xf32, #tpu.memory_space<vmem>>
      %dma_start3A_232 = arith.constant 0 : i32
      %dma_start3A_233 = tpu.memref_slice %arg7[%add3A_195, %dma_start3A_232] : memref<10000x128xf32, #tpu.memory_space<vmem_shared>> -> memref<80x128xf32, #tpu.memory_space<vmem_shared>>
      %dma_start3A_234 = arith.constant 0 : i32
      %dma_start3A_235 = arith.constant 0 : i32
      %dma_start3A_236 = tpu.memref_slice %arg15[%dma_start3A_234, %dma_start3A_235] : memref<100x128xf32, #tpu.memory_space<vmem>> -> memref<80x128xf32, #tpu.memory_space<vmem>>
      %dma_start3A_237 = arith.constant 0 : i32
      %dma_start3A_238 = tpu.memref_slice %arg7[%add3A_195, %dma_start3A_237] : memref<10000x128xf32, #tpu.memory_space<vmem_shared>> -> memref<80x128xf32, #tpu.memory_space<vmem_shared>>
      tpu.enqueue_dma source(%dma_start3A_238 : memref<80x128xf32, #tpu.memory_space<vmem_shared>>) target(%dma_start3A_236 : memref<80x128xf32, #tpu.memory_space<vmem>>) target_semaphore(%run_scoped3A_228 : memref<!tpu.dma_semaphore, #tpu.memory_space<semaphore_mem>>)
      %dma_wait3A_239 = arith.constant 0 : i32
      %dma_wait3A_240 = arith.constant 0 : i32
      %dma_wait3A_241 = tpu.memref_slice %arg15[%dma_wait3A_239, %dma_wait3A_240] : memref<100x128xf32, #tpu.memory_space<vmem>> -> memref<80x128xf32, #tpu.memory_space<vmem>>
      %dma_wait3A_242 = arith.constant 0 : i32
      %dma_wait3A_243 = tpu.memref_slice %arg7[%add3A_195, %dma_wait3A_242] : memref<10000x128xf32, #tpu.memory_space<vmem_shared>> -> memref<80x128xf32, #tpu.memory_space<vmem_shared>>
      %dma_wait3A_244 = arith.constant 0 : i32
      %dma_wait3A_245 = arith.constant 0 : i32
      %dma_wait3A_246 = tpu.memref_slice %arg15[%dma_wait3A_244, %dma_wait3A_245] : memref<100x128xf32, #tpu.memory_space<vmem>> -> memref<80x128xf32, #tpu.memory_space<vmem>>
      %dma_wait3A_247 = arith.constant 0 : i32
      %dma_wait3A_248 = tpu.memref_slice %arg7[%add3A_195, %dma_wait3A_247] : memref<10000x128xf32, #tpu.memory_space<vmem_shared>> -> memref<80x128xf32, #tpu.memory_space<vmem_shared>>
      tpu.wait_dma2 semaphore(%run_scoped3A_228 : memref<!tpu.dma_semaphore, #tpu.memory_space<semaphore_mem>>) src(%dma_wait3A_248 : memref<80x128xf32, #tpu.memory_space<vmem_shared>>) dst(%dma_wait3A_246 : memref<80x128xf32, #tpu.memory_space<vmem>>)
      tpu.yield
    }) : () -> ()
    "tpu.region"() ({
      %run_scoped3A_228 = tpu.sem_alloc : memref<!tpu.dma_semaphore, #tpu.memory_space<semaphore_mem>>
      %dma_start3A_229 = arith.constant 0 : i32
      %dma_start3A_230 = arith.constant 0 : i32
      %dma_start3A_231 = tpu.memref_slice %arg15[%dma_start3A_229, %dma_start3A_230] : memref<100x128xf32, #tpu.memory_space<vmem>> -> memref<80x128xf32, #tpu.memory_space<vmem>>
      %dma_start3A_232 = arith.constant 0 : i32
      %dma_start3A_233 = tpu.memref_slice %arg4[%arg0, %add3A_195, %dma_start3A_232] : memref<2x10000x128xf32, #tpu.memory_space<hbm>> -> memref<1x80x128xf32, #tpu.memory_space<hbm>>
      %dma_start3A_234 = tpu.memref_squeeze %dma_start3A_233 : memref<1x80x128xf32, #tpu.memory_space<hbm>> -> memref<80x128xf32, #tpu.memory_space<hbm>>
      %dma_start3A_235 = arith.constant 0 : i32
      %dma_start3A_236 = tpu.memref_slice %arg4[%arg0, %add3A_195, %dma_start3A_235] : memref<2x10000x128xf32, #tpu.memory_space<hbm>> -> memref<1x80x128xf32, #tpu.memory_space<hbm>>
      %dma_start3A_237 = tpu.memref_squeeze %dma_start3A_236 : memref<1x80x128xf32, #tpu.memory_space<hbm>> -> memref<80x128xf32, #tpu.memory_space<hbm>>
      %dma_start3A_238 = arith.constant 0 : i32
      %dma_start3A_239 = arith.constant 0 : i32
      %dma_start3A_240 = tpu.memref_slice %arg15[%dma_start3A_238, %dma_start3A_239] : memref<100x128xf32, #tpu.memory_space<vmem>> -> memref<80x128xf32, #tpu.memory_space<vmem>>
      tpu.enqueue_dma source(%dma_start3A_240 : memref<80x128xf32, #tpu.memory_space<vmem>>) target(%dma_start3A_237 : memref<80x128xf32, #tpu.memory_space<hbm>>) target_semaphore(%run_scoped3A_228 : memref<!tpu.dma_semaphore, #tpu.memory_space<semaphore_mem>>)
      %dma_wait3A_241 = arith.constant 0 : i32
      %dma_wait3A_242 = arith.constant 0 : i32
      %dma_wait3A_243 = tpu.memref_slice %arg15[%dma_wait3A_241, %dma_wait3A_242] : memref<100x128xf32, #tpu.memory_space<vmem>> -> memref<80x128xf32, #tpu.memory_space<vmem>>
      %dma_wait3A_244 = arith.constant 0 : i32
      %dma_wait3A_245 = tpu.memref_slice %arg4[%arg0, %add3A_195, %dma_wait3A_244] : memref<2x10000x128xf32, #tpu.memory_space<hbm>> -> memref<1x80x128xf32, #tpu.memory_space<hbm>>
      %dma_wait3A_246 = tpu.memref_squeeze %dma_wait3A_245 : memref<1x80x128xf32, #tpu.memory_space<hbm>> -> memref<80x128xf32, #tpu.memory_space<hbm>>
      %dma_wait3A_247 = arith.constant 0 : i32
      %dma_wait3A_248 = tpu.memref_slice %arg4[%arg0, %add3A_195, %dma_wait3A_247] : memref<2x10000x128xf32, #tpu.memory_space<hbm>> -> memref<1x80x128xf32, #tpu.memory_space<hbm>>
      %dma_wait3A_249 = tpu.memref_squeeze %dma_wait3A_248 : memref<1x80x128xf32, #tpu.memory_space<hbm>> -> memref<80x128xf32, #tpu.memory_space<hbm>>
      %dma_wait3A_250 = arith.constant 0 : i32
      %dma_wait3A_251 = arith.constant 0 : i32
      %dma_wait3A_252 = tpu.memref_slice %arg15[%dma_wait3A_250, %dma_wait3A_251] : memref<100x128xf32, #tpu.memory_space<vmem>> -> memref<80x128xf32, #tpu.memory_space<vmem>>
      tpu.wait_dma2 semaphore(%run_scoped3A_228 : memref<!tpu.dma_semaphore, #tpu.memory_space<semaphore_mem>>) src(%dma_wait3A_252 : memref<80x128xf32, #tpu.memory_space<vmem>>) dst(%dma_wait3A_249 : memref<80x128xf32, #tpu.memory_space<hbm>>)
      tpu.yield
    }) : () -> ()
    %add3A_196 = arith.constant 160 : i32
    %add3A_197 = arith.addi %mul3A_100, %add3A_196 : i32
    "tpu.region"() ({
      %run_scoped3A_228 = tpu.sem_alloc : memref<!tpu.dma_semaphore, #tpu.memory_space<semaphore_mem>>
      %dma_start3A_229 = arith.constant 0 : i32
      %dma_start3A_230 = arith.constant 0 : i32
      %dma_start3A_231 = tpu.memref_slice %arg15[%dma_start3A_229, %dma_start3A_230] : memref<100x128xf32, #tpu.memory_space<vmem>> -> memref<80x128xf32, #tpu.memory_space<vmem>>
      %dma_start3A_232 = arith.constant 0 : i32
      %dma_start3A_233 = tpu.memref_slice %arg7[%add3A_197, %dma_start3A_232] : memref<10000x128xf32, #tpu.memory_space<vmem_shared>> -> memref<80x128xf32, #tpu.memory_space<vmem_shared>>
      %dma_start3A_234 = arith.constant 0 : i32
      %dma_start3A_235 = arith.constant 0 : i32
      %dma_start3A_236 = tpu.memref_slice %arg15[%dma_start3A_234, %dma_start3A_235] : memref<100x128xf32, #tpu.memory_space<vmem>> -> memref<80x128xf32, #tpu.memory_space<vmem>>
      %dma_start3A_237 = arith.constant 0 : i32
      %dma_start3A_238 = tpu.memref_slice %arg7[%add3A_197, %dma_start3A_237] : memref<10000x128xf32, #tpu.memory_space<vmem_shared>> -> memref<80x128xf32, #tpu.memory_space<vmem_shared>>
      tpu.enqueue_dma source(%dma_start3A_238 : memref<80x128xf32, #tpu.memory_space<vmem_shared>>) target(%dma_start3A_236 : memref<80x128xf32, #tpu.memory_space<vmem>>) target_semaphore(%run_scoped3A_228 : memref<!tpu.dma_semaphore, #tpu.memory_space<semaphore_mem>>)
      %dma_wait3A_239 = arith.constant 0 : i32
      %dma_wait3A_240 = arith.constant 0 : i32
      %dma_wait3A_241 = tpu.memref_slice %arg15[%dma_wait3A_239, %dma_wait3A_240] : memref<100x128xf32, #tpu.memory_space<vmem>> -> memref<80x128xf32, #tpu.memory_space<vmem>>
      %dma_wait3A_242 = arith.constant 0 : i32
      %dma_wait3A_243 = tpu.memref_slice %arg7[%add3A_197, %dma_wait3A_242] : memref<10000x128xf32, #tpu.memory_space<vmem_shared>> -> memref<80x128xf32, #tpu.memory_space<vmem_shared>>
      %dma_wait3A_244 = arith.constant 0 : i32
      %dma_wait3A_245 = arith.constant 0 : i32
      %dma_wait3A_246 = tpu.memref_slice %arg15[%dma_wait3A_244, %dma_wait3A_245] : memref<100x128xf32, #tpu.memory_space<vmem>> -> memref<80x128xf32, #tpu.memory_space<vmem>>
      %dma_wait3A_247 = arith.constant 0 : i32
      %dma_wait3A_248 = tpu.memref_slice %arg7[%add3A_197, %dma_wait3A_247] : memref<10000x128xf32, #tpu.memory_space<vmem_shared>> -> memref<80x128xf32, #tpu.memory_space<vmem_shared>>
      tpu.wait_dma2 semaphore(%run_scoped3A_228 : memref<!tpu.dma_semaphore, #tpu.memory_space<semaphore_mem>>) src(%dma_wait3A_248 : memref<80x128xf32, #tpu.memory_space<vmem_shared>>) dst(%dma_wait3A_246 : memref<80x128xf32, #tpu.memory_space<vmem>>)
      tpu.yield
    }) : () -> ()
    "tpu.region"() ({
      %run_scoped3A_228 = tpu.sem_alloc : memref<!tpu.dma_semaphore, #tpu.memory_space<semaphore_mem>>
      %dma_start3A_229 = arith.constant 0 : i32
      %dma_start3A_230 = arith.constant 0 : i32
      %dma_start3A_231 = tpu.memref_slice %arg15[%dma_start3A_229, %dma_start3A_230] : memref<100x128xf32, #tpu.memory_space<vmem>> -> memref<80x128xf32, #tpu.memory_space<vmem>>
      %dma_start3A_232 = arith.constant 0 : i32
      %dma_start3A_233 = tpu.memref_slice %arg4[%arg0, %add3A_197, %dma_start3A_232] : memref<2x10000x128xf32, #tpu.memory_space<hbm>> -> memref<1x80x128xf32, #tpu.memory_space<hbm>>
      %dma_start3A_234 = tpu.memref_squeeze %dma_start3A_233 : memref<1x80x128xf32, #tpu.memory_space<hbm>> -> memref<80x128xf32, #tpu.memory_space<hbm>>
      %dma_start3A_235 = arith.constant 0 : i32
      %dma_start3A_236 = tpu.memref_slice %arg4[%arg0, %add3A_197, %dma_start3A_235] : memref<2x10000x128xf32, #tpu.memory_space<hbm>> -> memref<1x80x128xf32, #tpu.memory_space<hbm>>
      %dma_start3A_237 = tpu.memref_squeeze %dma_start3A_236 : memref<1x80x128xf32, #tpu.memory_space<hbm>> -> memref<80x128xf32, #tpu.memory_space<hbm>>
      %dma_start3A_238 = arith.constant 0 : i32
      %dma_start3A_239 = arith.constant 0 : i32
      %dma_start3A_240 = tpu.memref_slice %arg15[%dma_start3A_238, %dma_start3A_239] : memref<100x128xf32, #tpu.memory_space<vmem>> -> memref<80x128xf32, #tpu.memory_space<vmem>>
      tpu.enqueue_dma source(%dma_start3A_240 : memref<80x128xf32, #tpu.memory_space<vmem>>) target(%dma_start3A_237 : memref<80x128xf32, #tpu.memory_space<hbm>>) target_semaphore(%run_scoped3A_228 : memref<!tpu.dma_semaphore, #tpu.memory_space<semaphore_mem>>)
      %dma_wait3A_241 = arith.constant 0 : i32
      %dma_wait3A_242 = arith.constant 0 : i32
      %dma_wait3A_243 = tpu.memref_slice %arg15[%dma_wait3A_241, %dma_wait3A_242] : memref<100x128xf32, #tpu.memory_space<vmem>> -> memref<80x128xf32, #tpu.memory_space<vmem>>
      %dma_wait3A_244 = arith.constant 0 : i32
      %dma_wait3A_245 = tpu.memref_slice %arg4[%arg0, %add3A_197, %dma_wait3A_244] : memref<2x10000x128xf32, #tpu.memory_space<hbm>> -> memref<1x80x128xf32, #tpu.memory_space<hbm>>
      %dma_wait3A_246 = tpu.memref_squeeze %dma_wait3A_245 : memref<1x80x128xf32, #tpu.memory_space<hbm>> -> memref<80x128xf32, #tpu.memory_space<hbm>>
      %dma_wait3A_247 = arith.constant 0 : i32
      %dma_wait3A_248 = tpu.memref_slice %arg4[%arg0, %add3A_197, %dma_wait3A_247] : memref<2x10000x128xf32, #tpu.memory_space<hbm>> -> memref<1x80x128xf32, #tpu.memory_space<hbm>>
      %dma_wait3A_249 = tpu.memref_squeeze %dma_wait3A_248 : memref<1x80x128xf32, #tpu.memory_space<hbm>> -> memref<80x128xf32, #tpu.memory_space<hbm>>
      %dma_wait3A_250 = arith.constant 0 : i32
      %dma_wait3A_251 = arith.constant 0 : i32
      %dma_wait3A_252 = tpu.memref_slice %arg15[%dma_wait3A_250, %dma_wait3A_251] : memref<100x128xf32, #tpu.memory_space<vmem>> -> memref<80x128xf32, #tpu.memory_space<vmem>>
      tpu.wait_dma2 semaphore(%run_scoped3A_228 : memref<!tpu.dma_semaphore, #tpu.memory_space<semaphore_mem>>) src(%dma_wait3A_252 : memref<80x128xf32, #tpu.memory_space<vmem>>) dst(%dma_wait3A_249 : memref<80x128xf32, #tpu.memory_space<hbm>>)
      tpu.yield
    }) : () -> ()
    %add3A_198 = arith.constant 240 : i32
    %add3A_199 = arith.addi %mul3A_100, %add3A_198 : i32
    "tpu.region"() ({
      %run_scoped3A_228 = tpu.sem_alloc : memref<!tpu.dma_semaphore, #tpu.memory_space<semaphore_mem>>
      %dma_start3A_229 = arith.constant 0 : i32
      %dma_start3A_230 = arith.constant 0 : i32
      %dma_start3A_231 = tpu.memref_slice %arg15[%dma_start3A_229, %dma_start3A_230] : memref<100x128xf32, #tpu.memory_space<vmem>> -> memref<80x128xf32, #tpu.memory_space<vmem>>
      %dma_start3A_232 = arith.constant 0 : i32
      %dma_start3A_233 = tpu.memref_slice %arg7[%add3A_199, %dma_start3A_232] : memref<10000x128xf32, #tpu.memory_space<vmem_shared>> -> memref<80x128xf32, #tpu.memory_space<vmem_shared>>
      %dma_start3A_234 = arith.constant 0 : i32
      %dma_start3A_235 = arith.constant 0 : i32
      %dma_start3A_236 = tpu.memref_slice %arg15[%dma_start3A_234, %dma_start3A_235] : memref<100x128xf32, #tpu.memory_space<vmem>> -> memref<80x128xf32, #tpu.memory_space<vmem>>
      %dma_start3A_237 = arith.constant 0 : i32
      %dma_start3A_238 = tpu.memref_slice %arg7[%add3A_199, %dma_start3A_237] : memref<10000x128xf32, #tpu.memory_space<vmem_shared>> -> memref<80x128xf32, #tpu.memory_space<vmem_shared>>
      tpu.enqueue_dma source(%dma_start3A_238 : memref<80x128xf32, #tpu.memory_space<vmem_shared>>) target(%dma_start3A_236 : memref<80x128xf32, #tpu.memory_space<vmem>>) target_semaphore(%run_scoped3A_228 : memref<!tpu.dma_semaphore, #tpu.memory_space<semaphore_mem>>)
      %dma_wait3A_239 = arith.constant 0 : i32
      %dma_wait3A_240 = arith.constant 0 : i32
      %dma_wait3A_241 = tpu.memref_slice %arg15[%dma_wait3A_239, %dma_wait3A_240] : memref<100x128xf32, #tpu.memory_space<vmem>> -> memref<80x128xf32, #tpu.memory_space<vmem>>
      %dma_wait3A_242 = arith.constant 0 : i32
      %dma_wait3A_243 = tpu.memref_slice %arg7[%add3A_199, %dma_wait3A_242] : memref<10000x128xf32, #tpu.memory_space<vmem_shared>> -> memref<80x128xf32, #tpu.memory_space<vmem_shared>>
      %dma_wait3A_244 = arith.constant 0 : i32
      %dma_wait3A_245 = arith.constant 0 : i32
      %dma_wait3A_246 = tpu.memref_slice %arg15[%dma_wait3A_244, %dma_wait3A_245] : memref<100x128xf32, #tpu.memory_space<vmem>> -> memref<80x128xf32, #tpu.memory_space<vmem>>
      %dma_wait3A_247 = arith.constant 0 : i32
      %dma_wait3A_248 = tpu.memref_slice %arg7[%add3A_199, %dma_wait3A_247] : memref<10000x128xf32, #tpu.memory_space<vmem_shared>> -> memref<80x128xf32, #tpu.memory_space<vmem_shared>>
      tpu.wait_dma2 semaphore(%run_scoped3A_228 : memref<!tpu.dma_semaphore, #tpu.memory_space<semaphore_mem>>) src(%dma_wait3A_248 : memref<80x128xf32, #tpu.memory_space<vmem_shared>>) dst(%dma_wait3A_246 : memref<80x128xf32, #tpu.memory_space<vmem>>)
      tpu.yield
    }) : () -> ()
    "tpu.region"() ({
      %run_scoped3A_228 = tpu.sem_alloc : memref<!tpu.dma_semaphore, #tpu.memory_space<semaphore_mem>>
      %dma_start3A_229 = arith.constant 0 : i32
      %dma_start3A_230 = arith.constant 0 : i32
      %dma_start3A_231 = tpu.memref_slice %arg15[%dma_start3A_229, %dma_start3A_230] : memref<100x128xf32, #tpu.memory_space<vmem>> -> memref<80x128xf32, #tpu.memory_space<vmem>>
      %dma_start3A_232 = arith.constant 0 : i32
      %dma_start3A_233 = tpu.memref_slice %arg4[%arg0, %add3A_199, %dma_start3A_232] : memref<2x10000x128xf32, #tpu.memory_space<hbm>> -> memref<1x80x128xf32, #tpu.memory_space<hbm>>
      %dma_start3A_234 = tpu.memref_squeeze %dma_start3A_233 : memref<1x80x128xf32, #tpu.memory_space<hbm>> -> memref<80x128xf32, #tpu.memory_space<hbm>>
      %dma_start3A_235 = arith.constant 0 : i32
      %dma_start3A_236 = tpu.memref_slice %arg4[%arg0, %add3A_199, %dma_start3A_235] : memref<2x10000x128xf32, #tpu.memory_space<hbm>> -> memref<1x80x128xf32, #tpu.memory_space<hbm>>
      %dma_start3A_237 = tpu.memref_squeeze %dma_start3A_236 : memref<1x80x128xf32, #tpu.memory_space<hbm>> -> memref<80x128xf32, #tpu.memory_space<hbm>>
      %dma_start3A_238 = arith.constant 0 : i32
      %dma_start3A_239 = arith.constant 0 : i32
      %dma_start3A_240 = tpu.memref_slice %arg15[%dma_start3A_238, %dma_start3A_239] : memref<100x128xf32, #tpu.memory_space<vmem>> -> memref<80x128xf32, #tpu.memory_space<vmem>>
      tpu.enqueue_dma source(%dma_start3A_240 : memref<80x128xf32, #tpu.memory_space<vmem>>) target(%dma_start3A_237 : memref<80x128xf32, #tpu.memory_space<hbm>>) target_semaphore(%run_scoped3A_228 : memref<!tpu.dma_semaphore, #tpu.memory_space<semaphore_mem>>)
      %dma_wait3A_241 = arith.constant 0 : i32
      %dma_wait3A_242 = arith.constant 0 : i32
      %dma_wait3A_243 = tpu.memref_slice %arg15[%dma_wait3A_241, %dma_wait3A_242] : memref<100x128xf32, #tpu.memory_space<vmem>> -> memref<80x128xf32, #tpu.memory_space<vmem>>
      %dma_wait3A_244 = arith.constant 0 : i32
      %dma_wait3A_245 = tpu.memref_slice %arg4[%arg0, %add3A_199, %dma_wait3A_244] : memref<2x10000x128xf32, #tpu.memory_space<hbm>> -> memref<1x80x128xf32, #tpu.memory_space<hbm>>
      %dma_wait3A_246 = tpu.memref_squeeze %dma_wait3A_245 : memref<1x80x128xf32, #tpu.memory_space<hbm>> -> memref<80x128xf32, #tpu.memory_space<hbm>>
      %dma_wait3A_247 = arith.constant 0 : i32
      %dma_wait3A_248 = tpu.memref_slice %arg4[%arg0, %add3A_199, %dma_wait3A_247] : memref<2x10000x128xf32, #tpu.memory_space<hbm>> -> memref<1x80x128xf32, #tpu.memory_space<hbm>>
      %dma_wait3A_249 = tpu.memref_squeeze %dma_wait3A_248 : memref<1x80x128xf32, #tpu.memory_space<hbm>> -> memref<80x128xf32, #tpu.memory_space<hbm>>
      %dma_wait3A_250 = arith.constant 0 : i32
      %dma_wait3A_251 = arith.constant 0 : i32
      %dma_wait3A_252 = tpu.memref_slice %arg15[%dma_wait3A_250, %dma_wait3A_251] : memref<100x128xf32, #tpu.memory_space<vmem>> -> memref<80x128xf32, #tpu.memory_space<vmem>>
      tpu.wait_dma2 semaphore(%run_scoped3A_228 : memref<!tpu.dma_semaphore, #tpu.memory_space<semaphore_mem>>) src(%dma_wait3A_252 : memref<80x128xf32, #tpu.memory_space<vmem>>) dst(%dma_wait3A_249 : memref<80x128xf32, #tpu.memory_space<hbm>>)
      tpu.yield
    }) : () -> ()
    %add3A_200 = arith.constant 320 : i32
    %add3A_201 = arith.addi %mul3A_100, %add3A_200 : i32
    "tpu.region"() ({
      %run_scoped3A_228 = tpu.sem_alloc : memref<!tpu.dma_semaphore, #tpu.memory_space<semaphore_mem>>
      %dma_start3A_229 = arith.constant 0 : i32
      %dma_start3A_230 = arith.constant 0 : i32
      %dma_start3A_231 = tpu.memref_slice %arg15[%dma_start3A_229, %dma_start3A_230] : memref<100x128xf32, #tpu.memory_space<vmem>> -> memref<80x128xf32, #tpu.memory_space<vmem>>
      %dma_start3A_232 = arith.constant 0 : i32
      %dma_start3A_233 = tpu.memref_slice %arg7[%add3A_201, %dma_start3A_232] : memref<10000x128xf32, #tpu.memory_space<vmem_shared>> -> memref<80x128xf32, #tpu.memory_space<vmem_shared>>
      %dma_start3A_234 = arith.constant 0 : i32
      %dma_start3A_235 = arith.constant 0 : i32
      %dma_start3A_236 = tpu.memref_slice %arg15[%dma_start3A_234, %dma_start3A_235] : memref<100x128xf32, #tpu.memory_space<vmem>> -> memref<80x128xf32, #tpu.memory_space<vmem>>
      %dma_start3A_237 = arith.constant 0 : i32
      %dma_start3A_238 = tpu.memref_slice %arg7[%add3A_201, %dma_start3A_237] : memref<10000x128xf32, #tpu.memory_space<vmem_shared>> -> memref<80x128xf32, #tpu.memory_space<vmem_shared>>
      tpu.enqueue_dma source(%dma_start3A_238 : memref<80x128xf32, #tpu.memory_space<vmem_shared>>) target(%dma_start3A_236 : memref<80x128xf32, #tpu.memory_space<vmem>>) target_semaphore(%run_scoped3A_228 : memref<!tpu.dma_semaphore, #tpu.memory_space<semaphore_mem>>)
      %dma_wait3A_239 = arith.constant 0 : i32
      %dma_wait3A_240 = arith.constant 0 : i32
      %dma_wait3A_241 = tpu.memref_slice %arg15[%dma_wait3A_239, %dma_wait3A_240] : memref<100x128xf32, #tpu.memory_space<vmem>> -> memref<80x128xf32, #tpu.memory_space<vmem>>
      %dma_wait3A_242 = arith.constant 0 : i32
      %dma_wait3A_243 = tpu.memref_slice %arg7[%add3A_201, %dma_wait3A_242] : memref<10000x128xf32, #tpu.memory_space<vmem_shared>> -> memref<80x128xf32, #tpu.memory_space<vmem_shared>>
      %dma_wait3A_244 = arith.constant 0 : i32
      %dma_wait3A_245 = arith.constant 0 : i32
      %dma_wait3A_246 = tpu.memref_slice %arg15[%dma_wait3A_244, %dma_wait3A_245] : memref<100x128xf32, #tpu.memory_space<vmem>> -> memref<80x128xf32, #tpu.memory_space<vmem>>
      %dma_wait3A_247 = arith.constant 0 : i32
      %dma_wait3A_248 = tpu.memref_slice %arg7[%add3A_201, %dma_wait3A_247] : memref<10000x128xf32, #tpu.memory_space<vmem_shared>> -> memref<80x128xf32, #tpu.memory_space<vmem_shared>>
      tpu.wait_dma2 semaphore(%run_scoped3A_228 : memref<!tpu.dma_semaphore, #tpu.memory_space<semaphore_mem>>) src(%dma_wait3A_248 : memref<80x128xf32, #tpu.memory_space<vmem_shared>>) dst(%dma_wait3A_246 : memref<80x128xf32, #tpu.memory_space<vmem>>)
      tpu.yield
    }) : () -> ()
    "tpu.region"() ({
      %run_scoped3A_228 = tpu.sem_alloc : memref<!tpu.dma_semaphore, #tpu.memory_space<semaphore_mem>>
      %dma_start3A_229 = arith.constant 0 : i32
      %dma_start3A_230 = arith.constant 0 : i32
      %dma_start3A_231 = tpu.memref_slice %arg15[%dma_start3A_229, %dma_start3A_230] : memref<100x128xf32, #tpu.memory_space<vmem>> -> memref<80x128xf32, #tpu.memory_space<vmem>>
      %dma_start3A_232 = arith.constant 0 : i32
      %dma_start3A_233 = tpu.memref_slice %arg4[%arg0, %add3A_201, %dma_start3A_232] : memref<2x10000x128xf32, #tpu.memory_space<hbm>> -> memref<1x80x128xf32, #tpu.memory_space<hbm>>
      %dma_start3A_234 = tpu.memref_squeeze %dma_start3A_233 : memref<1x80x128xf32, #tpu.memory_space<hbm>> -> memref<80x128xf32, #tpu.memory_space<hbm>>
      %dma_start3A_235 = arith.constant 0 : i32
      %dma_start3A_236 = tpu.memref_slice %arg4[%arg0, %add3A_201, %dma_start3A_235] : memref<2x10000x128xf32, #tpu.memory_space<hbm>> -> memref<1x80x128xf32, #tpu.memory_space<hbm>>
      %dma_start3A_237 = tpu.memref_squeeze %dma_start3A_236 : memref<1x80x128xf32, #tpu.memory_space<hbm>> -> memref<80x128xf32, #tpu.memory_space<hbm>>
      %dma_start3A_238 = arith.constant 0 : i32
      %dma_start3A_239 = arith.constant 0 : i32
      %dma_start3A_240 = tpu.memref_slice %arg15[%dma_start3A_238, %dma_start3A_239] : memref<100x128xf32, #tpu.memory_space<vmem>> -> memref<80x128xf32, #tpu.memory_space<vmem>>
      tpu.enqueue_dma source(%dma_start3A_240 : memref<80x128xf32, #tpu.memory_space<vmem>>) target(%dma_start3A_237 : memref<80x128xf32, #tpu.memory_space<hbm>>) target_semaphore(%run_scoped3A_228 : memref<!tpu.dma_semaphore, #tpu.memory_space<semaphore_mem>>)
      %dma_wait3A_241 = arith.constant 0 : i32
      %dma_wait3A_242 = arith.constant 0 : i32
      %dma_wait3A_243 = tpu.memref_slice %arg15[%dma_wait3A_241, %dma_wait3A_242] : memref<100x128xf32, #tpu.memory_space<vmem>> -> memref<80x128xf32, #tpu.memory_space<vmem>>
      %dma_wait3A_244 = arith.constant 0 : i32
      %dma_wait3A_245 = tpu.memref_slice %arg4[%arg0, %add3A_201, %dma_wait3A_244] : memref<2x10000x128xf32, #tpu.memory_space<hbm>> -> memref<1x80x128xf32, #tpu.memory_space<hbm>>
      %dma_wait3A_246 = tpu.memref_squeeze %dma_wait3A_245 : memref<1x80x128xf32, #tpu.memory_space<hbm>> -> memref<80x128xf32, #tpu.memory_space<hbm>>
      %dma_wait3A_247 = arith.constant 0 : i32
      %dma_wait3A_248 = tpu.memref_slice %arg4[%arg0, %add3A_201, %dma_wait3A_247] : memref<2x10000x128xf32, #tpu.memory_space<hbm>> -> memref<1x80x128xf32, #tpu.memory_space<hbm>>
      %dma_wait3A_249 = tpu.memref_squeeze %dma_wait3A_248 : memref<1x80x128xf32, #tpu.memory_space<hbm>> -> memref<80x128xf32, #tpu.memory_space<hbm>>
      %dma_wait3A_250 = arith.constant 0 : i32
      %dma_wait3A_251 = arith.constant 0 : i32
      %dma_wait3A_252 = tpu.memref_slice %arg15[%dma_wait3A_250, %dma_wait3A_251] : memref<100x128xf32, #tpu.memory_space<vmem>> -> memref<80x128xf32, #tpu.memory_space<vmem>>
      tpu.wait_dma2 semaphore(%run_scoped3A_228 : memref<!tpu.dma_semaphore, #tpu.memory_space<semaphore_mem>>) src(%dma_wait3A_252 : memref<80x128xf32, #tpu.memory_space<vmem>>) dst(%dma_wait3A_249 : memref<80x128xf32, #tpu.memory_space<hbm>>)
      tpu.yield
    }) : () -> ()
    %add3A_202 = arith.constant 400 : i32
    %add3A_203 = arith.addi %mul3A_100, %add3A_202 : i32
    "tpu.region"() ({
      %run_scoped3A_228 = tpu.sem_alloc : memref<!tpu.dma_semaphore, #tpu.memory_space<semaphore_mem>>
      %dma_start3A_229 = arith.constant 0 : i32
      %dma_start3A_230 = arith.constant 0 : i32
      %dma_start3A_231 = tpu.memref_slice %arg15[%dma_start3A_229, %dma_start3A_230] : memref<100x128xf32, #tpu.memory_space<vmem>> -> memref<80x128xf32, #tpu.memory_space<vmem>>
      %dma_start3A_232 = arith.constant 0 : i32
      %dma_start3A_233 = tpu.memref_slice %arg7[%add3A_203, %dma_start3A_232] : memref<10000x128xf32, #tpu.memory_space<vmem_shared>> -> memref<80x128xf32, #tpu.memory_space<vmem_shared>>
      %dma_start3A_234 = arith.constant 0 : i32
      %dma_start3A_235 = arith.constant 0 : i32
      %dma_start3A_236 = tpu.memref_slice %arg15[%dma_start3A_234, %dma_start3A_235] : memref<100x128xf32, #tpu.memory_space<vmem>> -> memref<80x128xf32, #tpu.memory_space<vmem>>
      %dma_start3A_237 = arith.constant 0 : i32
      %dma_start3A_238 = tpu.memref_slice %arg7[%add3A_203, %dma_start3A_237] : memref<10000x128xf32, #tpu.memory_space<vmem_shared>> -> memref<80x128xf32, #tpu.memory_space<vmem_shared>>
      tpu.enqueue_dma source(%dma_start3A_238 : memref<80x128xf32, #tpu.memory_space<vmem_shared>>) target(%dma_start3A_236 : memref<80x128xf32, #tpu.memory_space<vmem>>) target_semaphore(%run_scoped3A_228 : memref<!tpu.dma_semaphore, #tpu.memory_space<semaphore_mem>>)
      %dma_wait3A_239 = arith.constant 0 : i32
      %dma_wait3A_240 = arith.constant 0 : i32
      %dma_wait3A_241 = tpu.memref_slice %arg15[%dma_wait3A_239, %dma_wait3A_240] : memref<100x128xf32, #tpu.memory_space<vmem>> -> memref<80x128xf32, #tpu.memory_space<vmem>>
      %dma_wait3A_242 = arith.constant 0 : i32
      %dma_wait3A_243 = tpu.memref_slice %arg7[%add3A_203, %dma_wait3A_242] : memref<10000x128xf32, #tpu.memory_space<vmem_shared>> -> memref<80x128xf32, #tpu.memory_space<vmem_shared>>
      %dma_wait3A_244 = arith.constant 0 : i32
      %dma_wait3A_245 = arith.constant 0 : i32
      %dma_wait3A_246 = tpu.memref_slice %arg15[%dma_wait3A_244, %dma_wait3A_245] : memref<100x128xf32, #tpu.memory_space<vmem>> -> memref<80x128xf32, #tpu.memory_space<vmem>>
      %dma_wait3A_247 = arith.constant 0 : i32
      %dma_wait3A_248 = tpu.memref_slice %arg7[%add3A_203, %dma_wait3A_247] : memref<10000x128xf32, #tpu.memory_space<vmem_shared>> -> memref<80x128xf32, #tpu.memory_space<vmem_shared>>
      tpu.wait_dma2 semaphore(%run_scoped3A_228 : memref<!tpu.dma_semaphore, #tpu.memory_space<semaphore_mem>>) src(%dma_wait3A_248 : memref<80x128xf32, #tpu.memory_space<vmem_shared>>) dst(%dma_wait3A_246 : memref<80x128xf32, #tpu.memory_space<vmem>>)
      tpu.yield
    }) : () -> ()
    "tpu.region"() ({
      %run_scoped3A_228 = tpu.sem_alloc : memref<!tpu.dma_semaphore, #tpu.memory_space<semaphore_mem>>
      %dma_start3A_229 = arith.constant 0 : i32
      %dma_start3A_230 = arith.constant 0 : i32
      %dma_start3A_231 = tpu.memref_slice %arg15[%dma_start3A_229, %dma_start3A_230] : memref<100x128xf32, #tpu.memory_space<vmem>> -> memref<80x128xf32, #tpu.memory_space<vmem>>
      %dma_start3A_232 = arith.constant 0 : i32
      %dma_start3A_233 = tpu.memref_slice %arg4[%arg0, %add3A_203, %dma_start3A_232] : memref<2x10000x128xf32, #tpu.memory_space<hbm>> -> memref<1x80x128xf32, #tpu.memory_space<hbm>>
      %dma_start3A_234 = tpu.memref_squeeze %dma_start3A_233 : memref<1x80x128xf32, #tpu.memory_space<hbm>> -> memref<80x128xf32, #tpu.memory_space<hbm>>
      %dma_start3A_235 = arith.constant 0 : i32
      %dma_start3A_236 = tpu.memref_slice %arg4[%arg0, %add3A_203, %dma_start3A_235] : memref<2x10000x128xf32, #tpu.memory_space<hbm>> -> memref<1x80x128xf32, #tpu.memory_space<hbm>>
      %dma_start3A_237 = tpu.memref_squeeze %dma_start3A_236 : memref<1x80x128xf32, #tpu.memory_space<hbm>> -> memref<80x128xf32, #tpu.memory_space<hbm>>
      %dma_start3A_238 = arith.constant 0 : i32
      %dma_start3A_239 = arith.constant 0 : i32
      %dma_start3A_240 = tpu.memref_slice %arg15[%dma_start3A_238, %dma_start3A_239] : memref<100x128xf32, #tpu.memory_space<vmem>> -> memref<80x128xf32, #tpu.memory_space<vmem>>
      tpu.enqueue_dma source(%dma_start3A_240 : memref<80x128xf32, #tpu.memory_space<vmem>>) target(%dma_start3A_237 : memref<80x128xf32, #tpu.memory_space<hbm>>) target_semaphore(%run_scoped3A_228 : memref<!tpu.dma_semaphore, #tpu.memory_space<semaphore_mem>>)
      %dma_wait3A_241 = arith.constant 0 : i32
      %dma_wait3A_242 = arith.constant 0 : i32
      %dma_wait3A_243 = tpu.memref_slice %arg15[%dma_wait3A_241, %dma_wait3A_242] : memref<100x128xf32, #tpu.memory_space<vmem>> -> memref<80x128xf32, #tpu.memory_space<vmem>>
      %dma_wait3A_244 = arith.constant 0 : i32
      %dma_wait3A_245 = tpu.memref_slice %arg4[%arg0, %add3A_203, %dma_wait3A_244] : memref<2x10000x128xf32, #tpu.memory_space<hbm>> -> memref<1x80x128xf32, #tpu.memory_space<hbm>>
      %dma_wait3A_246 = tpu.memref_squeeze %dma_wait3A_245 : memref<1x80x128xf32, #tpu.memory_space<hbm>> -> memref<80x128xf32, #tpu.memory_space<hbm>>
      %dma_wait3A_247 = arith.constant 0 : i32
      %dma_wait3A_248 = tpu.memref_slice %arg4[%arg0, %add3A_203, %dma_wait3A_247] : memref<2x10000x128xf32, #tpu.memory_space<hbm>> -> memref<1x80x128xf32, #tpu.memory_space<hbm>>
      %dma_wait3A_249 = tpu.memref_squeeze %dma_wait3A_248 : memref<1x80x128xf32, #tpu.memory_space<hbm>> -> memref<80x128xf32, #tpu.memory_space<hbm>>
      %dma_wait3A_250 = arith.constant 0 : i32
      %dma_wait3A_251 = arith.constant 0 : i32
      %dma_wait3A_252 = tpu.memref_slice %arg15[%dma_wait3A_250, %dma_wait3A_251] : memref<100x128xf32, #tpu.memory_space<vmem>> -> memref<80x128xf32, #tpu.memory_space<vmem>>
      tpu.wait_dma2 semaphore(%run_scoped3A_228 : memref<!tpu.dma_semaphore, #tpu.memory_space<semaphore_mem>>) src(%dma_wait3A_252 : memref<80x128xf32, #tpu.memory_space<vmem>>) dst(%dma_wait3A_249 : memref<80x128xf32, #tpu.memory_space<hbm>>)
      tpu.yield
    }) : () -> ()
    %add3A_204 = arith.constant 480 : i32
    %add3A_205 = arith.addi %mul3A_100, %add3A_204 : i32
    "tpu.region"() ({
      %run_scoped3A_228 = tpu.sem_alloc : memref<!tpu.dma_semaphore, #tpu.memory_space<semaphore_mem>>
      %dma_start3A_229 = arith.constant 0 : i32
      %dma_start3A_230 = arith.constant 0 : i32
      %dma_start3A_231 = tpu.memref_slice %arg15[%dma_start3A_229, %dma_start3A_230] : memref<100x128xf32, #tpu.memory_space<vmem>> -> memref<80x128xf32, #tpu.memory_space<vmem>>
      %dma_start3A_232 = arith.constant 0 : i32
      %dma_start3A_233 = tpu.memref_slice %arg7[%add3A_205, %dma_start3A_232] : memref<10000x128xf32, #tpu.memory_space<vmem_shared>> -> memref<80x128xf32, #tpu.memory_space<vmem_shared>>
      %dma_start3A_234 = arith.constant 0 : i32
      %dma_start3A_235 = arith.constant 0 : i32
      %dma_start3A_236 = tpu.memref_slice %arg15[%dma_start3A_234, %dma_start3A_235] : memref<100x128xf32, #tpu.memory_space<vmem>> -> memref<80x128xf32, #tpu.memory_space<vmem>>
      %dma_start3A_237 = arith.constant 0 : i32
      %dma_start3A_238 = tpu.memref_slice %arg7[%add3A_205, %dma_start3A_237] : memref<10000x128xf32, #tpu.memory_space<vmem_shared>> -> memref<80x128xf32, #tpu.memory_space<vmem_shared>>
      tpu.enqueue_dma source(%dma_start3A_238 : memref<80x128xf32, #tpu.memory_space<vmem_shared>>) target(%dma_start3A_236 : memref<80x128xf32, #tpu.memory_space<vmem>>) target_semaphore(%run_scoped3A_228 : memref<!tpu.dma_semaphore, #tpu.memory_space<semaphore_mem>>)
      %dma_wait3A_239 = arith.constant 0 : i32
      %dma_wait3A_240 = arith.constant 0 : i32
      %dma_wait3A_241 = tpu.memref_slice %arg15[%dma_wait3A_239, %dma_wait3A_240] : memref<100x128xf32, #tpu.memory_space<vmem>> -> memref<80x128xf32, #tpu.memory_space<vmem>>
      %dma_wait3A_242 = arith.constant 0 : i32
      %dma_wait3A_243 = tpu.memref_slice %arg7[%add3A_205, %dma_wait3A_242] : memref<10000x128xf32, #tpu.memory_space<vmem_shared>> -> memref<80x128xf32, #tpu.memory_space<vmem_shared>>
      %dma_wait3A_244 = arith.constant 0 : i32
      %dma_wait3A_245 = arith.constant 0 : i32
      %dma_wait3A_246 = tpu.memref_slice %arg15[%dma_wait3A_244, %dma_wait3A_245] : memref<100x128xf32, #tpu.memory_space<vmem>> -> memref<80x128xf32, #tpu.memory_space<vmem>>
      %dma_wait3A_247 = arith.constant 0 : i32
      %dma_wait3A_248 = tpu.memref_slice %arg7[%add3A_205, %dma_wait3A_247] : memref<10000x128xf32, #tpu.memory_space<vmem_shared>> -> memref<80x128xf32, #tpu.memory_space<vmem_shared>>
      tpu.wait_dma2 semaphore(%run_scoped3A_228 : memref<!tpu.dma_semaphore, #tpu.memory_space<semaphore_mem>>) src(%dma_wait3A_248 : memref<80x128xf32, #tpu.memory_space<vmem_shared>>) dst(%dma_wait3A_246 : memref<80x128xf32, #tpu.memory_space<vmem>>)
      tpu.yield
    }) : () -> ()
    "tpu.region"() ({
      %run_scoped3A_228 = tpu.sem_alloc : memref<!tpu.dma_semaphore, #tpu.memory_space<semaphore_mem>>
      %dma_start3A_229 = arith.constant 0 : i32
      %dma_start3A_230 = arith.constant 0 : i32
      %dma_start3A_231 = tpu.memref_slice %arg15[%dma_start3A_229, %dma_start3A_230] : memref<100x128xf32, #tpu.memory_space<vmem>> -> memref<80x128xf32, #tpu.memory_space<vmem>>
      %dma_start3A_232 = arith.constant 0 : i32
      %dma_start3A_233 = tpu.memref_slice %arg4[%arg0, %add3A_205, %dma_start3A_232] : memref<2x10000x128xf32, #tpu.memory_space<hbm>> -> memref<1x80x128xf32, #tpu.memory_space<hbm>>
      %dma_start3A_234 = tpu.memref_squeeze %dma_start3A_233 : memref<1x80x128xf32, #tpu.memory_space<hbm>> -> memref<80x128xf32, #tpu.memory_space<hbm>>
      %dma_start3A_235 = arith.constant 0 : i32
      %dma_start3A_236 = tpu.memref_slice %arg4[%arg0, %add3A_205, %dma_start3A_235] : memref<2x10000x128xf32, #tpu.memory_space<hbm>> -> memref<1x80x128xf32, #tpu.memory_space<hbm>>
      %dma_start3A_237 = tpu.memref_squeeze %dma_start3A_236 : memref<1x80x128xf32, #tpu.memory_space<hbm>> -> memref<80x128xf32, #tpu.memory_space<hbm>>
      %dma_start3A_238 = arith.constant 0 : i32
      %dma_start3A_239 = arith.constant 0 : i32
      %dma_start3A_240 = tpu.memref_slice %arg15[%dma_start3A_238, %dma_start3A_239] : memref<100x128xf32, #tpu.memory_space<vmem>> -> memref<80x128xf32, #tpu.memory_space<vmem>>
      tpu.enqueue_dma source(%dma_start3A_240 : memref<80x128xf32, #tpu.memory_space<vmem>>) target(%dma_start3A_237 : memref<80x128xf32, #tpu.memory_space<hbm>>) target_semaphore(%run_scoped3A_228 : memref<!tpu.dma_semaphore, #tpu.memory_space<semaphore_mem>>)
      %dma_wait3A_241 = arith.constant 0 : i32
      %dma_wait3A_242 = arith.constant 0 : i32
      %dma_wait3A_243 = tpu.memref_slice %arg15[%dma_wait3A_241, %dma_wait3A_242] : memref<100x128xf32, #tpu.memory_space<vmem>> -> memref<80x128xf32, #tpu.memory_space<vmem>>
      %dma_wait3A_244 = arith.constant 0 : i32
      %dma_wait3A_245 = tpu.memref_slice %arg4[%arg0, %add3A_205, %dma_wait3A_244] : memref<2x10000x128xf32, #tpu.memory_space<hbm>> -> memref<1x80x128xf32, #tpu.memory_space<hbm>>
      %dma_wait3A_246 = tpu.memref_squeeze %dma_wait3A_245 : memref<1x80x128xf32, #tpu.memory_space<hbm>> -> memref<80x128xf32, #tpu.memory_space<hbm>>
      %dma_wait3A_247 = arith.constant 0 : i32
      %dma_wait3A_248 = tpu.memref_slice %arg4[%arg0, %add3A_205, %dma_wait3A_247] : memref<2x10000x128xf32, #tpu.memory_space<hbm>> -> memref<1x80x128xf32, #tpu.memory_space<hbm>>
      %dma_wait3A_249 = tpu.memref_squeeze %dma_wait3A_248 : memref<1x80x128xf32, #tpu.memory_space<hbm>> -> memref<80x128xf32, #tpu.memory_space<hbm>>
      %dma_wait3A_250 = arith.constant 0 : i32
      %dma_wait3A_251 = arith.constant 0 : i32
      %dma_wait3A_252 = tpu.memref_slice %arg15[%dma_wait3A_250, %dma_wait3A_251] : memref<100x128xf32, #tpu.memory_space<vmem>> -> memref<80x128xf32, #tpu.memory_space<vmem>>
      tpu.wait_dma2 semaphore(%run_scoped3A_228 : memref<!tpu.dma_semaphore, #tpu.memory_space<semaphore_mem>>) src(%dma_wait3A_252 : memref<80x128xf32, #tpu.memory_space<vmem>>) dst(%dma_wait3A_249 : memref<80x128xf32, #tpu.memory_space<hbm>>)
      tpu.yield
    }) : () -> ()
    %add3A_206 = arith.constant 560 : i32
    %add3A_207 = arith.addi %mul3A_100, %add3A_206 : i32
    "tpu.region"() ({
      %run_scoped3A_228 = tpu.sem_alloc : memref<!tpu.dma_semaphore, #tpu.memory_space<semaphore_mem>>
      %dma_start3A_229 = arith.constant 0 : i32
      %dma_start3A_230 = arith.constant 0 : i32
      %dma_start3A_231 = tpu.memref_slice %arg15[%dma_start3A_229, %dma_start3A_230] : memref<100x128xf32, #tpu.memory_space<vmem>> -> memref<64x128xf32, #tpu.memory_space<vmem>>
      %dma_start3A_232 = arith.constant 0 : i32
      %dma_start3A_233 = tpu.memref_slice %arg7[%add3A_207, %dma_start3A_232] : memref<10000x128xf32, #tpu.memory_space<vmem_shared>> -> memref<64x128xf32, #tpu.memory_space<vmem_shared>>
      %dma_start3A_234 = arith.constant 0 : i32
      %dma_start3A_235 = arith.constant 0 : i32
      %dma_start3A_236 = tpu.memref_slice %arg15[%dma_start3A_234, %dma_start3A_235] : memref<100x128xf32, #tpu.memory_space<vmem>> -> memref<64x128xf32, #tpu.memory_space<vmem>>
      %dma_start3A_237 = arith.constant 0 : i32
      %dma_start3A_238 = tpu.memref_slice %arg7[%add3A_207, %dma_start3A_237] : memref<10000x128xf32, #tpu.memory_space<vmem_shared>> -> memref<64x128xf32, #tpu.memory_space<vmem_shared>>
      tpu.enqueue_dma source(%dma_start3A_238 : memref<64x128xf32, #tpu.memory_space<vmem_shared>>) target(%dma_start3A_236 : memref<64x128xf32, #tpu.memory_space<vmem>>) target_semaphore(%run_scoped3A_228 : memref<!tpu.dma_semaphore, #tpu.memory_space<semaphore_mem>>)
      %dma_wait3A_239 = arith.constant 0 : i32
      %dma_wait3A_240 = arith.constant 0 : i32
      %dma_wait3A_241 = tpu.memref_slice %arg15[%dma_wait3A_239, %dma_wait3A_240] : memref<100x128xf32, #tpu.memory_space<vmem>> -> memref<64x128xf32, #tpu.memory_space<vmem>>
      %dma_wait3A_242 = arith.constant 0 : i32
      %dma_wait3A_243 = tpu.memref_slice %arg7[%add3A_207, %dma_wait3A_242] : memref<10000x128xf32, #tpu.memory_space<vmem_shared>> -> memref<64x128xf32, #tpu.memory_space<vmem_shared>>
      %dma_wait3A_244 = arith.constant 0 : i32
      %dma_wait3A_245 = arith.constant 0 : i32
      %dma_wait3A_246 = tpu.memref_slice %arg15[%dma_wait3A_244, %dma_wait3A_245] : memref<100x128xf32, #tpu.memory_space<vmem>> -> memref<64x128xf32, #tpu.memory_space<vmem>>
      %dma_wait3A_247 = arith.constant 0 : i32
      %dma_wait3A_248 = tpu.memref_slice %arg7[%add3A_207, %dma_wait3A_247] : memref<10000x128xf32, #tpu.memory_space<vmem_shared>> -> memref<64x128xf32, #tpu.memory_space<vmem_shared>>
      tpu.wait_dma2 semaphore(%run_scoped3A_228 : memref<!tpu.dma_semaphore, #tpu.memory_space<semaphore_mem>>) src(%dma_wait3A_248 : memref<64x128xf32, #tpu.memory_space<vmem_shared>>) dst(%dma_wait3A_246 : memref<64x128xf32, #tpu.memory_space<vmem>>)
      tpu.yield
    }) : () -> ()
    "tpu.region"() ({
      %run_scoped3A_228 = tpu.sem_alloc : memref<!tpu.dma_semaphore, #tpu.memory_space<semaphore_mem>>
      %dma_start3A_229 = arith.constant 0 : i32
      %dma_start3A_230 = arith.constant 0 : i32
      %dma_start3A_231 = tpu.memref_slice %arg15[%dma_start3A_229, %dma_start3A_230] : memref<100x128xf32, #tpu.memory_space<vmem>> -> memref<64x128xf32, #tpu.memory_space<vmem>>
      %dma_start3A_232 = arith.constant 0 : i32
      %dma_start3A_233 = tpu.memref_slice %arg4[%arg0, %add3A_207, %dma_start3A_232] : memref<2x10000x128xf32, #tpu.memory_space<hbm>> -> memref<1x64x128xf32, #tpu.memory_space<hbm>>
      %dma_start3A_234 = tpu.memref_squeeze %dma_start3A_233 : memref<1x64x128xf32, #tpu.memory_space<hbm>> -> memref<64x128xf32, #tpu.memory_space<hbm>>
      %dma_start3A_235 = arith.constant 0 : i32
      %dma_start3A_236 = tpu.memref_slice %arg4[%arg0, %add3A_207, %dma_start3A_235] : memref<2x10000x128xf32, #tpu.memory_space<hbm>> -> memref<1x64x128xf32, #tpu.memory_space<hbm>>
      %dma_start3A_237 = tpu.memref_squeeze %dma_start3A_236 : memref<1x64x128xf32, #tpu.memory_space<hbm>> -> memref<64x128xf32, #tpu.memory_space<hbm>>
      %dma_start3A_238 = arith.constant 0 : i32
      %dma_start3A_239 = arith.constant 0 : i32
      %dma_start3A_240 = tpu.memref_slice %arg15[%dma_start3A_238, %dma_start3A_239] : memref<100x128xf32, #tpu.memory_space<vmem>> -> memref<64x128xf32, #tpu.memory_space<vmem>>
      tpu.enqueue_dma source(%dma_start3A_240 : memref<64x128xf32, #tpu.memory_space<vmem>>) target(%dma_start3A_237 : memref<64x128xf32, #tpu.memory_space<hbm>>) target_semaphore(%run_scoped3A_228 : memref<!tpu.dma_semaphore, #tpu.memory_space<semaphore_mem>>)
      %dma_wait3A_241 = arith.constant 0 : i32
      %dma_wait3A_242 = arith.constant 0 : i32
      %dma_wait3A_243 = tpu.memref_slice %arg15[%dma_wait3A_241, %dma_wait3A_242] : memref<100x128xf32, #tpu.memory_space<vmem>> -> memref<64x128xf32, #tpu.memory_space<vmem>>
      %dma_wait3A_244 = arith.constant 0 : i32
      %dma_wait3A_245 = tpu.memref_slice %arg4[%arg0, %add3A_207, %dma_wait3A_244] : memref<2x10000x128xf32, #tpu.memory_space<hbm>> -> memref<1x64x128xf32, #tpu.memory_space<hbm>>
      %dma_wait3A_246 = tpu.memref_squeeze %dma_wait3A_245 : memref<1x64x128xf32, #tpu.memory_space<hbm>> -> memref<64x128xf32, #tpu.memory_space<hbm>>
      %dma_wait3A_247 = arith.constant 0 : i32
      %dma_wait3A_248 = tpu.memref_slice %arg4[%arg0, %add3A_207, %dma_wait3A_247] : memref<2x10000x128xf32, #tpu.memory_space<hbm>> -> memref<1x64x128xf32, #tpu.memory_space<hbm>>
      %dma_wait3A_249 = tpu.memref_squeeze %dma_wait3A_248 : memref<1x64x128xf32, #tpu.memory_space<hbm>> -> memref<64x128xf32, #tpu.memory_space<hbm>>
      %dma_wait3A_250 = arith.constant 0 : i32
      %dma_wait3A_251 = arith.constant 0 : i32
      %dma_wait3A_252 = tpu.memref_slice %arg15[%dma_wait3A_250, %dma_wait3A_251] : memref<100x128xf32, #tpu.memory_space<vmem>> -> memref<64x128xf32, #tpu.memory_space<vmem>>
      tpu.wait_dma2 semaphore(%run_scoped3A_228 : memref<!tpu.dma_semaphore, #tpu.memory_space<semaphore_mem>>) src(%dma_wait3A_252 : memref<64x128xf32, #tpu.memory_space<vmem>>) dst(%dma_wait3A_249 : memref<64x128xf32, #tpu.memory_space<hbm>>)
      tpu.yield
    }) : () -> ()
    %eq3A_208 = arith.constant 15 : i32
    %eq3A_209 = arith.cmpi eq, %arg1, %eq3A_208 : i32
    %convert_element_type3A_210 = arith.extui %eq3A_209 : i1 to i32
    %cond3A_211 = arith.constant 0 : i32
    %cond3A_212 = arith.cmpi ne, %convert_element_type3A_210, %cond3A_211 : i32
    scf.if %cond3A_212 {
      "tpu.region"() ({
        %run_scoped3A_228 = tpu.sem_alloc : memref<!tpu.dma_semaphore, #tpu.memory_space<semaphore_mem>>
        %dma_start3A_229 = arith.constant 0 : i32
        %dma_start3A_230 = arith.constant 0 : i32
        %dma_start3A_231 = tpu.memref_slice %arg16[%dma_start3A_229, %dma_start3A_230] : memref<100x128xf32, #tpu.memory_space<vmem>> -> memref<16x128xf32, #tpu.memory_space<vmem>>
        %dma_start3A_232 = arith.constant 9984 : i32
        %dma_start3A_233 = arith.constant 0 : i32
        %dma_start3A_234 = tpu.memref_slice %arg7[%dma_start3A_232, %dma_start3A_233] : memref<10000x128xf32, #tpu.memory_space<vmem_shared>> -> memref<16x128xf32, #tpu.memory_space<vmem_shared>>
        %dma_start3A_235 = arith.constant 0 : i32
        %dma_start3A_236 = arith.constant 0 : i32
        %dma_start3A_237 = tpu.memref_slice %arg16[%dma_start3A_235, %dma_start3A_236] : memref<100x128xf32, #tpu.memory_space<vmem>> -> memref<16x128xf32, #tpu.memory_space<vmem>>
        %dma_start3A_238 = arith.constant 9984 : i32
        %dma_start3A_239 = arith.constant 0 : i32
        %dma_start3A_240 = tpu.memref_slice %arg7[%dma_start3A_238, %dma_start3A_239] : memref<10000x128xf32, #tpu.memory_space<vmem_shared>> -> memref<16x128xf32, #tpu.memory_space<vmem_shared>>
        tpu.enqueue_dma source(%dma_start3A_240 : memref<16x128xf32, #tpu.memory_space<vmem_shared>>) target(%dma_start3A_237 : memref<16x128xf32, #tpu.memory_space<vmem>>) target_semaphore(%run_scoped3A_228 : memref<!tpu.dma_semaphore, #tpu.memory_space<semaphore_mem>>)
        %dma_wait3A_241 = arith.constant 0 : i32
        %dma_wait3A_242 = arith.constant 0 : i32
        %dma_wait3A_243 = tpu.memref_slice %arg16[%dma_wait3A_241, %dma_wait3A_242] : memref<100x128xf32, #tpu.memory_space<vmem>> -> memref<16x128xf32, #tpu.memory_space<vmem>>
        %dma_wait3A_244 = arith.constant 9984 : i32
        %dma_wait3A_245 = arith.constant 0 : i32
        %dma_wait3A_246 = tpu.memref_slice %arg7[%dma_wait3A_244, %dma_wait3A_245] : memref<10000x128xf32, #tpu.memory_space<vmem_shared>> -> memref<16x128xf32, #tpu.memory_space<vmem_shared>>
        %dma_wait3A_247 = arith.constant 0 : i32
        %dma_wait3A_248 = arith.constant 0 : i32
        %dma_wait3A_249 = tpu.memref_slice %arg16[%dma_wait3A_247, %dma_wait3A_248] : memref<100x128xf32, #tpu.memory_space<vmem>> -> memref<16x128xf32, #tpu.memory_space<vmem>>
        %dma_wait3A_250 = arith.constant 9984 : i32
        %dma_wait3A_251 = arith.constant 0 : i32
        %dma_wait3A_252 = tpu.memref_slice %arg7[%dma_wait3A_250, %dma_wait3A_251] : memref<10000x128xf32, #tpu.memory_space<vmem_shared>> -> memref<16x128xf32, #tpu.memory_space<vmem_shared>>
        tpu.wait_dma2 semaphore(%run_scoped3A_228 : memref<!tpu.dma_semaphore, #tpu.memory_space<semaphore_mem>>) src(%dma_wait3A_252 : memref<16x128xf32, #tpu.memory_space<vmem_shared>>) dst(%dma_wait3A_249 : memref<16x128xf32, #tpu.memory_space<vmem>>)
        tpu.yield
      }) : () -> ()
      "tpu.region"() ({
        %run_scoped3A_228 = tpu.sem_alloc : memref<!tpu.dma_semaphore, #tpu.memory_space<semaphore_mem>>
        %dma_start3A_229 = arith.constant 0 : i32
        %dma_start3A_230 = arith.constant 0 : i32
        %dma_start3A_231 = tpu.memref_slice %arg16[%dma_start3A_229, %dma_start3A_230] : memref<100x128xf32, #tpu.memory_space<vmem>> -> memref<16x128xf32, #tpu.memory_space<vmem>>
        %dma_start3A_232 = arith.constant 9984 : i32
        %dma_start3A_233 = arith.constant 0 : i32
        %dma_start3A_234 = tpu.memref_slice %arg4[%arg0, %dma_start3A_232, %dma_start3A_233] : memref<2x10000x128xf32, #tpu.memory_space<hbm>> -> memref<1x16x128xf32, #tpu.memory_space<hbm>>
        %dma_start3A_235 = tpu.memref_squeeze %dma_start3A_234 : memref<1x16x128xf32, #tpu.memory_space<hbm>> -> memref<16x128xf32, #tpu.memory_space<hbm>>
        %dma_start3A_236 = arith.constant 9984 : i32
        %dma_start3A_237 = arith.constant 0 : i32
        %dma_start3A_238 = tpu.memref_slice %arg4[%arg0, %dma_start3A_236, %dma_start3A_237] : memref<2x10000x128xf32, #tpu.memory_space<hbm>> -> memref<1x16x128xf32, #tpu.memory_space<hbm>>
        %dma_start3A_239 = tpu.memref_squeeze %dma_start3A_238 : memref<1x16x128xf32, #tpu.memory_space<hbm>> -> memref<16x128xf32, #tpu.memory_space<hbm>>
        %dma_start3A_240 = arith.constant 0 : i32
        %dma_start3A_241 = arith.constant 0 : i32
        %dma_start3A_242 = tpu.memref_slice %arg16[%dma_start3A_240, %dma_start3A_241] : memref<100x128xf32, #tpu.memory_space<vmem>> -> memref<16x128xf32, #tpu.memory_space<vmem>>
        tpu.enqueue_dma source(%dma_start3A_242 : memref<16x128xf32, #tpu.memory_space<vmem>>) target(%dma_start3A_239 : memref<16x128xf32, #tpu.memory_space<hbm>>) target_semaphore(%run_scoped3A_228 : memref<!tpu.dma_semaphore, #tpu.memory_space<semaphore_mem>>)
        %dma_wait3A_243 = arith.constant 0 : i32
        %dma_wait3A_244 = arith.constant 0 : i32
        %dma_wait3A_245 = tpu.memref_slice %arg16[%dma_wait3A_243, %dma_wait3A_244] : memref<100x128xf32, #tpu.memory_space<vmem>> -> memref<16x128xf32, #tpu.memory_space<vmem>>
        %dma_wait3A_246 = arith.constant 9984 : i32
        %dma_wait3A_247 = arith.constant 0 : i32
        %dma_wait3A_248 = tpu.memref_slice %arg4[%arg0, %dma_wait3A_246, %dma_wait3A_247] : memref<2x10000x128xf32, #tpu.memory_space<hbm>> -> memref<1x16x128xf32, #tpu.memory_space<hbm>>
        %dma_wait3A_249 = tpu.memref_squeeze %dma_wait3A_248 : memref<1x16x128xf32, #tpu.memory_space<hbm>> -> memref<16x128xf32, #tpu.memory_space<hbm>>
        %dma_wait3A_250 = arith.constant 9984 : i32
        %dma_wait3A_251 = arith.constant 0 : i32
        %dma_wait3A_252 = tpu.memref_slice %arg4[%arg0, %dma_wait3A_250, %dma_wait3A_251] : memref<2x10000x128xf32, #tpu.memory_space<hbm>> -> memref<1x16x128xf32, #tpu.memory_space<hbm>>
        %dma_wait3A_253 = tpu.memref_squeeze %dma_wait3A_252 : memref<1x16x128xf32, #tpu.memory_space<hbm>> -> memref<16x128xf32, #tpu.memory_space<hbm>>
        %dma_wait3A_254 = arith.constant 0 : i32
        %dma_wait3A_255 = arith.constant 0 : i32
        %dma_wait3A_256 = tpu.memref_slice %arg16[%dma_wait3A_254, %dma_wait3A_255] : memref<100x128xf32, #tpu.memory_space<vmem>> -> memref<16x128xf32, #tpu.memory_space<vmem>>
        tpu.wait_dma2 semaphore(%run_scoped3A_228 : memref<!tpu.dma_semaphore, #tpu.memory_space<semaphore_mem>>) src(%dma_wait3A_256 : memref<16x128xf32, #tpu.memory_space<vmem>>) dst(%dma_wait3A_253 : memref<16x128xf32, #tpu.memory_space<hbm>>)
        tpu.yield
      }) : () -> ()
    } else {
    }
    %eq3A_213 = arith.constant 0 : i32
    %eq3A_214 = arith.cmpi eq, %arg1, %eq3A_213 : i32
    %eq3A_215 = arith.constant 0 : i32
    %eq3A_216 = arith.cmpi eq, %arg0, %eq3A_215 : i32
    %and3A = arith.andi %eq3A_214, %eq3A_216 : i1
    %convert_element_type3A_217 = arith.extui %and3A : i1 to i32
    %cond3A_218 = arith.constant 0 : i32
    %cond3A_219 = arith.cmpi ne, %convert_element_type3A_217, %cond3A_218 : i32
    scf.if %cond3A_219 {
      "tpu.region"() ({
        %run_scoped3A_228 = tpu.sem_alloc : memref<!tpu.dma_semaphore, #tpu.memory_space<semaphore_mem>>
        %dma_start3A_229 = arith.constant 0 : i32
        %dma_start3A_230 = tpu.memref_slice %arg8[%dma_start3A_229] : memref<10000xf32, #tpu.memory_space<vmem_shared>> -> memref<2000xf32, #tpu.memory_space<vmem_shared>>
        %dma_start3A_231 = arith.constant 0 : i32
        %dma_start3A_232 = tpu.memref_slice %arg8[%dma_start3A_231] : memref<10000xf32, #tpu.memory_space<vmem_shared>> -> memref<2000xf32, #tpu.memory_space<vmem_shared>>
        tpu.enqueue_dma source(%dma_start3A_232 : memref<2000xf32, #tpu.memory_space<vmem_shared>>) target(%arg19 : memref<2000xf32, #tpu.memory_space<vmem>>) target_semaphore(%run_scoped3A_228 : memref<!tpu.dma_semaphore, #tpu.memory_space<semaphore_mem>>)
        %dma_wait3A_233 = arith.constant 0 : i32
        %dma_wait3A_234 = tpu.memref_slice %arg8[%dma_wait3A_233] : memref<10000xf32, #tpu.memory_space<vmem_shared>> -> memref<2000xf32, #tpu.memory_space<vmem_shared>>
        %dma_wait3A_235 = arith.constant 0 : i32
        %dma_wait3A_236 = tpu.memref_slice %arg8[%dma_wait3A_235] : memref<10000xf32, #tpu.memory_space<vmem_shared>> -> memref<2000xf32, #tpu.memory_space<vmem_shared>>
        tpu.wait_dma2 semaphore(%run_scoped3A_228 : memref<!tpu.dma_semaphore, #tpu.memory_space<semaphore_mem>>) src(%dma_wait3A_236 : memref<2000xf32, #tpu.memory_space<vmem_shared>>) dst(%arg19 : memref<2000xf32, #tpu.memory_space<vmem>>)
        tpu.yield
      }) : () -> ()
      "tpu.region"() ({
        %run_scoped3A_228 = tpu.sem_alloc : memref<!tpu.dma_semaphore, #tpu.memory_space<semaphore_mem>>
        %dma_start3A_229 = arith.constant 0 : i32
        %dma_start3A_230 = tpu.memref_slice %arg5[%dma_start3A_229] : memref<10000xf32, #tpu.memory_space<hbm>> -> memref<2000xf32, #tpu.memory_space<hbm>>
        %dma_start3A_231 = arith.constant 0 : i32
        %dma_start3A_232 = tpu.memref_slice %arg5[%dma_start3A_231] : memref<10000xf32, #tpu.memory_space<hbm>> -> memref<2000xf32, #tpu.memory_space<hbm>>
        tpu.enqueue_dma source(%arg19 : memref<2000xf32, #tpu.memory_space<vmem>>) target(%dma_start3A_232 : memref<2000xf32, #tpu.memory_space<hbm>>) target_semaphore(%run_scoped3A_228 : memref<!tpu.dma_semaphore, #tpu.memory_space<semaphore_mem>>)
        %dma_wait3A_233 = arith.constant 0 : i32
        %dma_wait3A_234 = tpu.memref_slice %arg5[%dma_wait3A_233] : memref<10000xf32, #tpu.memory_space<hbm>> -> memref<2000xf32, #tpu.memory_space<hbm>>
        %dma_wait3A_235 = arith.constant 0 : i32
        %dma_wait3A_236 = tpu.memref_slice %arg5[%dma_wait3A_235] : memref<10000xf32, #tpu.memory_space<hbm>> -> memref<2000xf32, #tpu.memory_space<hbm>>
        tpu.wait_dma2 semaphore(%run_scoped3A_228 : memref<!tpu.dma_semaphore, #tpu.memory_space<semaphore_mem>>) src(%arg19 : memref<2000xf32, #tpu.memory_space<vmem>>) dst(%dma_wait3A_236 : memref<2000xf32, #tpu.memory_space<hbm>>)
        tpu.yield
      }) : () -> ()
      "tpu.region"() ({
        %run_scoped3A_228 = tpu.sem_alloc : memref<!tpu.dma_semaphore, #tpu.memory_space<semaphore_mem>>
        %dma_start3A_229 = arith.constant 2000 : i32
        %dma_start3A_230 = tpu.memref_slice %arg8[%dma_start3A_229] : memref<10000xf32, #tpu.memory_space<vmem_shared>> -> memref<2000xf32, #tpu.memory_space<vmem_shared>>
        %dma_start3A_231 = arith.constant 2000 : i32
        %dma_start3A_232 = tpu.memref_slice %arg8[%dma_start3A_231] : memref<10000xf32, #tpu.memory_space<vmem_shared>> -> memref<2000xf32, #tpu.memory_space<vmem_shared>>
        tpu.enqueue_dma source(%dma_start3A_232 : memref<2000xf32, #tpu.memory_space<vmem_shared>>) target(%arg19 : memref<2000xf32, #tpu.memory_space<vmem>>) target_semaphore(%run_scoped3A_228 : memref<!tpu.dma_semaphore, #tpu.memory_space<semaphore_mem>>)
        %dma_wait3A_233 = arith.constant 2000 : i32
        %dma_wait3A_234 = tpu.memref_slice %arg8[%dma_wait3A_233] : memref<10000xf32, #tpu.memory_space<vmem_shared>> -> memref<2000xf32, #tpu.memory_space<vmem_shared>>
        %dma_wait3A_235 = arith.constant 2000 : i32
        %dma_wait3A_236 = tpu.memref_slice %arg8[%dma_wait3A_235] : memref<10000xf32, #tpu.memory_space<vmem_shared>> -> memref<2000xf32, #tpu.memory_space<vmem_shared>>
        tpu.wait_dma2 semaphore(%run_scoped3A_228 : memref<!tpu.dma_semaphore, #tpu.memory_space<semaphore_mem>>) src(%dma_wait3A_236 : memref<2000xf32, #tpu.memory_space<vmem_shared>>) dst(%arg19 : memref<2000xf32, #tpu.memory_space<vmem>>)
        tpu.yield
      }) : () -> ()
      "tpu.region"() ({
        %run_scoped3A_228 = tpu.sem_alloc : memref<!tpu.dma_semaphore, #tpu.memory_space<semaphore_mem>>
        %dma_start3A_229 = arith.constant 2000 : i32
        %dma_start3A_230 = tpu.memref_slice %arg5[%dma_start3A_229] : memref<10000xf32, #tpu.memory_space<hbm>> -> memref<2000xf32, #tpu.memory_space<hbm>>
        %dma_start3A_231 = arith.constant 2000 : i32
        %dma_start3A_232 = tpu.memref_slice %arg5[%dma_start3A_231] : memref<10000xf32, #tpu.memory_space<hbm>> -> memref<2000xf32, #tpu.memory_space<hbm>>
        tpu.enqueue_dma source(%arg19 : memref<2000xf32, #tpu.memory_space<vmem>>) target(%dma_start3A_232 : memref<2000xf32, #tpu.memory_space<hbm>>) target_semaphore(%run_scoped3A_228 : memref<!tpu.dma_semaphore, #tpu.memory_space<semaphore_mem>>)
        %dma_wait3A_233 = arith.constant 2000 : i32
        %dma_wait3A_234 = tpu.memref_slice %arg5[%dma_wait3A_233] : memref<10000xf32, #tpu.memory_space<hbm>> -> memref<2000xf32, #tpu.memory_space<hbm>>
        %dma_wait3A_235 = arith.constant 2000 : i32
        %dma_wait3A_236 = tpu.memref_slice %arg5[%dma_wait3A_235] : memref<10000xf32, #tpu.memory_space<hbm>> -> memref<2000xf32, #tpu.memory_space<hbm>>
        tpu.wait_dma2 semaphore(%run_scoped3A_228 : memref<!tpu.dma_semaphore, #tpu.memory_space<semaphore_mem>>) src(%arg19 : memref<2000xf32, #tpu.memory_space<vmem>>) dst(%dma_wait3A_236 : memref<2000xf32, #tpu.memory_space<hbm>>)
        tpu.yield
      }) : () -> ()
      "tpu.region"() ({
        %run_scoped3A_228 = tpu.sem_alloc : memref<!tpu.dma_semaphore, #tpu.memory_space<semaphore_mem>>
        %dma_start3A_229 = arith.constant 4000 : i32
        %dma_start3A_230 = tpu.memref_slice %arg8[%dma_start3A_229] : memref<10000xf32, #tpu.memory_space<vmem_shared>> -> memref<2000xf32, #tpu.memory_space<vmem_shared>>
        %dma_start3A_231 = arith.constant 4000 : i32
        %dma_start3A_232 = tpu.memref_slice %arg8[%dma_start3A_231] : memref<10000xf32, #tpu.memory_space<vmem_shared>> -> memref<2000xf32, #tpu.memory_space<vmem_shared>>
        tpu.enqueue_dma source(%dma_start3A_232 : memref<2000xf32, #tpu.memory_space<vmem_shared>>) target(%arg19 : memref<2000xf32, #tpu.memory_space<vmem>>) target_semaphore(%run_scoped3A_228 : memref<!tpu.dma_semaphore, #tpu.memory_space<semaphore_mem>>)
        %dma_wait3A_233 = arith.constant 4000 : i32
        %dma_wait3A_234 = tpu.memref_slice %arg8[%dma_wait3A_233] : memref<10000xf32, #tpu.memory_space<vmem_shared>> -> memref<2000xf32, #tpu.memory_space<vmem_shared>>
        %dma_wait3A_235 = arith.constant 4000 : i32
        %dma_wait3A_236 = tpu.memref_slice %arg8[%dma_wait3A_235] : memref<10000xf32, #tpu.memory_space<vmem_shared>> -> memref<2000xf32, #tpu.memory_space<vmem_shared>>
        tpu.wait_dma2 semaphore(%run_scoped3A_228 : memref<!tpu.dma_semaphore, #tpu.memory_space<semaphore_mem>>) src(%dma_wait3A_236 : memref<2000xf32, #tpu.memory_space<vmem_shared>>) dst(%arg19 : memref<2000xf32, #tpu.memory_space<vmem>>)
        tpu.yield
      }) : () -> ()
      "tpu.region"() ({
        %run_scoped3A_228 = tpu.sem_alloc : memref<!tpu.dma_semaphore, #tpu.memory_space<semaphore_mem>>
        %dma_start3A_229 = arith.constant 4000 : i32
        %dma_start3A_230 = tpu.memref_slice %arg5[%dma_start3A_229] : memref<10000xf32, #tpu.memory_space<hbm>> -> memref<2000xf32, #tpu.memory_space<hbm>>
        %dma_start3A_231 = arith.constant 4000 : i32
        %dma_start3A_232 = tpu.memref_slice %arg5[%dma_start3A_231] : memref<10000xf32, #tpu.memory_space<hbm>> -> memref<2000xf32, #tpu.memory_space<hbm>>
        tpu.enqueue_dma source(%arg19 : memref<2000xf32, #tpu.memory_space<vmem>>) target(%dma_start3A_232 : memref<2000xf32, #tpu.memory_space<hbm>>) target_semaphore(%run_scoped3A_228 : memref<!tpu.dma_semaphore, #tpu.memory_space<semaphore_mem>>)
        %dma_wait3A_233 = arith.constant 4000 : i32
        %dma_wait3A_234 = tpu.memref_slice %arg5[%dma_wait3A_233] : memref<10000xf32, #tpu.memory_space<hbm>> -> memref<2000xf32, #tpu.memory_space<hbm>>
        %dma_wait3A_235 = arith.constant 4000 : i32
        %dma_wait3A_236 = tpu.memref_slice %arg5[%dma_wait3A_235] : memref<10000xf32, #tpu.memory_space<hbm>> -> memref<2000xf32, #tpu.memory_space<hbm>>
        tpu.wait_dma2 semaphore(%run_scoped3A_228 : memref<!tpu.dma_semaphore, #tpu.memory_space<semaphore_mem>>) src(%arg19 : memref<2000xf32, #tpu.memory_space<vmem>>) dst(%dma_wait3A_236 : memref<2000xf32, #tpu.memory_space<hbm>>)
        tpu.yield
      }) : () -> ()
      "tpu.region"() ({
        %run_scoped3A_228 = tpu.sem_alloc : memref<!tpu.dma_semaphore, #tpu.memory_space<semaphore_mem>>
        %dma_start3A_229 = arith.constant 6000 : i32
        %dma_start3A_230 = tpu.memref_slice %arg8[%dma_start3A_229] : memref<10000xf32, #tpu.memory_space<vmem_shared>> -> memref<2000xf32, #tpu.memory_space<vmem_shared>>
        %dma_start3A_231 = arith.constant 6000 : i32
        %dma_start3A_232 = tpu.memref_slice %arg8[%dma_start3A_231] : memref<10000xf32, #tpu.memory_space<vmem_shared>> -> memref<2000xf32, #tpu.memory_space<vmem_shared>>
        tpu.enqueue_dma source(%dma_start3A_232 : memref<2000xf32, #tpu.memory_space<vmem_shared>>) target(%arg19 : memref<2000xf32, #tpu.memory_space<vmem>>) target_semaphore(%run_scoped3A_228 : memref<!tpu.dma_semaphore, #tpu.memory_space<semaphore_mem>>)
        %dma_wait3A_233 = arith.constant 6000 : i32
        %dma_wait3A_234 = tpu.memref_slice %arg8[%dma_wait3A_233] : memref<10000xf32, #tpu.memory_space<vmem_shared>> -> memref<2000xf32, #tpu.memory_space<vmem_shared>>
        %dma_wait3A_235 = arith.constant 6000 : i32
        %dma_wait3A_236 = tpu.memref_slice %arg8[%dma_wait3A_235] : memref<10000xf32, #tpu.memory_space<vmem_shared>> -> memref<2000xf32, #tpu.memory_space<vmem_shared>>
        tpu.wait_dma2 semaphore(%run_scoped3A_228 : memref<!tpu.dma_semaphore, #tpu.memory_space<semaphore_mem>>) src(%dma_wait3A_236 : memref<2000xf32, #tpu.memory_space<vmem_shared>>) dst(%arg19 : memref<2000xf32, #tpu.memory_space<vmem>>)
        tpu.yield
      }) : () -> ()
      "tpu.region"() ({
        %run_scoped3A_228 = tpu.sem_alloc : memref<!tpu.dma_semaphore, #tpu.memory_space<semaphore_mem>>
        %dma_start3A_229 = arith.constant 6000 : i32
        %dma_start3A_230 = tpu.memref_slice %arg5[%dma_start3A_229] : memref<10000xf32, #tpu.memory_space<hbm>> -> memref<2000xf32, #tpu.memory_space<hbm>>
        %dma_start3A_231 = arith.constant 6000 : i32
        %dma_start3A_232 = tpu.memref_slice %arg5[%dma_start3A_231] : memref<10000xf32, #tpu.memory_space<hbm>> -> memref<2000xf32, #tpu.memory_space<hbm>>
        tpu.enqueue_dma source(%arg19 : memref<2000xf32, #tpu.memory_space<vmem>>) target(%dma_start3A_232 : memref<2000xf32, #tpu.memory_space<hbm>>) target_semaphore(%run_scoped3A_228 : memref<!tpu.dma_semaphore, #tpu.memory_space<semaphore_mem>>)
        %dma_wait3A_233 = arith.constant 6000 : i32
        %dma_wait3A_234 = tpu.memref_slice %arg5[%dma_wait3A_233] : memref<10000xf32, #tpu.memory_space<hbm>> -> memref<2000xf32, #tpu.memory_space<hbm>>
        %dma_wait3A_235 = arith.constant 6000 : i32
        %dma_wait3A_236 = tpu.memref_slice %arg5[%dma_wait3A_235] : memref<10000xf32, #tpu.memory_space<hbm>> -> memref<2000xf32, #tpu.memory_space<hbm>>
        tpu.wait_dma2 semaphore(%run_scoped3A_228 : memref<!tpu.dma_semaphore, #tpu.memory_space<semaphore_mem>>) src(%arg19 : memref<2000xf32, #tpu.memory_space<vmem>>) dst(%dma_wait3A_236 : memref<2000xf32, #tpu.memory_space<hbm>>)
        tpu.yield
      }) : () -> ()
      "tpu.region"() ({
        %run_scoped3A_228 = tpu.sem_alloc : memref<!tpu.dma_semaphore, #tpu.memory_space<semaphore_mem>>
        %dma_start3A_229 = arith.constant 8000 : i32
        %dma_start3A_230 = tpu.memref_slice %arg8[%dma_start3A_229] : memref<10000xf32, #tpu.memory_space<vmem_shared>> -> memref<2000xf32, #tpu.memory_space<vmem_shared>>
        %dma_start3A_231 = arith.constant 8000 : i32
        %dma_start3A_232 = tpu.memref_slice %arg8[%dma_start3A_231] : memref<10000xf32, #tpu.memory_space<vmem_shared>> -> memref<2000xf32, #tpu.memory_space<vmem_shared>>
        tpu.enqueue_dma source(%dma_start3A_232 : memref<2000xf32, #tpu.memory_space<vmem_shared>>) target(%arg19 : memref<2000xf32, #tpu.memory_space<vmem>>) target_semaphore(%run_scoped3A_228 : memref<!tpu.dma_semaphore, #tpu.memory_space<semaphore_mem>>)
        %dma_wait3A_233 = arith.constant 8000 : i32
        %dma_wait3A_234 = tpu.memref_slice %arg8[%dma_wait3A_233] : memref<10000xf32, #tpu.memory_space<vmem_shared>> -> memref<2000xf32, #tpu.memory_space<vmem_shared>>
        %dma_wait3A_235 = arith.constant 8000 : i32
        %dma_wait3A_236 = tpu.memref_slice %arg8[%dma_wait3A_235] : memref<10000xf32, #tpu.memory_space<vmem_shared>> -> memref<2000xf32, #tpu.memory_space<vmem_shared>>
        tpu.wait_dma2 semaphore(%run_scoped3A_228 : memref<!tpu.dma_semaphore, #tpu.memory_space<semaphore_mem>>) src(%dma_wait3A_236 : memref<2000xf32, #tpu.memory_space<vmem_shared>>) dst(%arg19 : memref<2000xf32, #tpu.memory_space<vmem>>)
        tpu.yield
      }) : () -> ()
      "tpu.region"() ({
        %run_scoped3A_228 = tpu.sem_alloc : memref<!tpu.dma_semaphore, #tpu.memory_space<semaphore_mem>>
        %dma_start3A_229 = arith.constant 8000 : i32
        %dma_start3A_230 = tpu.memref_slice %arg5[%dma_start3A_229] : memref<10000xf32, #tpu.memory_space<hbm>> -> memref<2000xf32, #tpu.memory_space<hbm>>
        %dma_start3A_231 = arith.constant 8000 : i32
        %dma_start3A_232 = tpu.memref_slice %arg5[%dma_start3A_231] : memref<10000xf32, #tpu.memory_space<hbm>> -> memref<2000xf32, #tpu.memory_space<hbm>>
        tpu.enqueue_dma source(%arg19 : memref<2000xf32, #tpu.memory_space<vmem>>) target(%dma_start3A_232 : memref<2000xf32, #tpu.memory_space<hbm>>) target_semaphore(%run_scoped3A_228 : memref<!tpu.dma_semaphore, #tpu.memory_space<semaphore_mem>>)
        %dma_wait3A_233 = arith.constant 8000 : i32
        %dma_wait3A_234 = tpu.memref_slice %arg5[%dma_wait3A_233] : memref<10000xf32, #tpu.memory_space<hbm>> -> memref<2000xf32, #tpu.memory_space<hbm>>
        %dma_wait3A_235 = arith.constant 8000 : i32
        %dma_wait3A_236 = tpu.memref_slice %arg5[%dma_wait3A_235] : memref<10000xf32, #tpu.memory_space<hbm>> -> memref<2000xf32, #tpu.memory_space<hbm>>
        tpu.wait_dma2 semaphore(%run_scoped3A_228 : memref<!tpu.dma_semaphore, #tpu.memory_space<semaphore_mem>>) src(%arg19 : memref<2000xf32, #tpu.memory_space<vmem>>) dst(%dma_wait3A_236 : memref<2000xf32, #tpu.memory_space<hbm>>)
        tpu.yield
      }) : () -> ()
    } else {
    }
    %eq3A_220 = arith.constant 0 : i32
    %eq3A_221 = arith.cmpi eq, %arg1, %eq3A_220 : i32
    %eq3A_222 = arith.constant 1 : i32
    %eq3A_223 = arith.cmpi eq, %arg0, %eq3A_222 : i32
    %and3A_224 = arith.andi %eq3A_221, %eq3A_223 : i1
    %convert_element_type3A_225 = arith.extui %and3A_224 : i1 to i32
    %cond3A_226 = arith.constant 0 : i32
    %cond3A_227 = arith.cmpi ne, %convert_element_type3A_225, %cond3A_226 : i32
    scf.if %cond3A_227 {
      "tpu.region"() ({
        %run_scoped3A_228 = tpu.sem_alloc : memref<!tpu.dma_semaphore, #tpu.memory_space<semaphore_mem>>
        %dma_start3A_229 = arith.constant 0 : i32
        %dma_start3A_230 = tpu.memref_slice %arg8[%dma_start3A_229] : memref<10000xf32, #tpu.memory_space<vmem_shared>> -> memref<2000xf32, #tpu.memory_space<vmem_shared>>
        %dma_start3A_231 = arith.constant 0 : i32
        %dma_start3A_232 = tpu.memref_slice %arg8[%dma_start3A_231] : memref<10000xf32, #tpu.memory_space<vmem_shared>> -> memref<2000xf32, #tpu.memory_space<vmem_shared>>
        tpu.enqueue_dma source(%dma_start3A_232 : memref<2000xf32, #tpu.memory_space<vmem_shared>>) target(%arg19 : memref<2000xf32, #tpu.memory_space<vmem>>) target_semaphore(%run_scoped3A_228 : memref<!tpu.dma_semaphore, #tpu.memory_space<semaphore_mem>>)
        %dma_wait3A_233 = arith.constant 0 : i32
        %dma_wait3A_234 = tpu.memref_slice %arg8[%dma_wait3A_233] : memref<10000xf32, #tpu.memory_space<vmem_shared>> -> memref<2000xf32, #tpu.memory_space<vmem_shared>>
        %dma_wait3A_235 = arith.constant 0 : i32
        %dma_wait3A_236 = tpu.memref_slice %arg8[%dma_wait3A_235] : memref<10000xf32, #tpu.memory_space<vmem_shared>> -> memref<2000xf32, #tpu.memory_space<vmem_shared>>
        tpu.wait_dma2 semaphore(%run_scoped3A_228 : memref<!tpu.dma_semaphore, #tpu.memory_space<semaphore_mem>>) src(%dma_wait3A_236 : memref<2000xf32, #tpu.memory_space<vmem_shared>>) dst(%arg19 : memref<2000xf32, #tpu.memory_space<vmem>>)
        tpu.yield
      }) : () -> ()
      "tpu.region"() ({
        %run_scoped3A_228 = tpu.sem_alloc : memref<!tpu.dma_semaphore, #tpu.memory_space<semaphore_mem>>
        %dma_start3A_229 = arith.constant 0 : i32
        %dma_start3A_230 = tpu.memref_slice %arg6[%dma_start3A_229] : memref<10000xf32, #tpu.memory_space<hbm>> -> memref<2000xf32, #tpu.memory_space<hbm>>
        %dma_start3A_231 = arith.constant 0 : i32
        %dma_start3A_232 = tpu.memref_slice %arg6[%dma_start3A_231] : memref<10000xf32, #tpu.memory_space<hbm>> -> memref<2000xf32, #tpu.memory_space<hbm>>
        tpu.enqueue_dma source(%arg19 : memref<2000xf32, #tpu.memory_space<vmem>>) target(%dma_start3A_232 : memref<2000xf32, #tpu.memory_space<hbm>>) target_semaphore(%run_scoped3A_228 : memref<!tpu.dma_semaphore, #tpu.memory_space<semaphore_mem>>)
        %dma_wait3A_233 = arith.constant 0 : i32
        %dma_wait3A_234 = tpu.memref_slice %arg6[%dma_wait3A_233] : memref<10000xf32, #tpu.memory_space<hbm>> -> memref<2000xf32, #tpu.memory_space<hbm>>
        %dma_wait3A_235 = arith.constant 0 : i32
        %dma_wait3A_236 = tpu.memref_slice %arg6[%dma_wait3A_235] : memref<10000xf32, #tpu.memory_space<hbm>> -> memref<2000xf32, #tpu.memory_space<hbm>>
        tpu.wait_dma2 semaphore(%run_scoped3A_228 : memref<!tpu.dma_semaphore, #tpu.memory_space<semaphore_mem>>) src(%arg19 : memref<2000xf32, #tpu.memory_space<vmem>>) dst(%dma_wait3A_236 : memref<2000xf32, #tpu.memory_space<hbm>>)
        tpu.yield
      }) : () -> ()
      "tpu.region"() ({
        %run_scoped3A_228 = tpu.sem_alloc : memref<!tpu.dma_semaphore, #tpu.memory_space<semaphore_mem>>
        %dma_start3A_229 = arith.constant 2000 : i32
        %dma_start3A_230 = tpu.memref_slice %arg8[%dma_start3A_229] : memref<10000xf32, #tpu.memory_space<vmem_shared>> -> memref<2000xf32, #tpu.memory_space<vmem_shared>>
        %dma_start3A_231 = arith.constant 2000 : i32
        %dma_start3A_232 = tpu.memref_slice %arg8[%dma_start3A_231] : memref<10000xf32, #tpu.memory_space<vmem_shared>> -> memref<2000xf32, #tpu.memory_space<vmem_shared>>
        tpu.enqueue_dma source(%dma_start3A_232 : memref<2000xf32, #tpu.memory_space<vmem_shared>>) target(%arg19 : memref<2000xf32, #tpu.memory_space<vmem>>) target_semaphore(%run_scoped3A_228 : memref<!tpu.dma_semaphore, #tpu.memory_space<semaphore_mem>>)
        %dma_wait3A_233 = arith.constant 2000 : i32
        %dma_wait3A_234 = tpu.memref_slice %arg8[%dma_wait3A_233] : memref<10000xf32, #tpu.memory_space<vmem_shared>> -> memref<2000xf32, #tpu.memory_space<vmem_shared>>
        %dma_wait3A_235 = arith.constant 2000 : i32
        %dma_wait3A_236 = tpu.memref_slice %arg8[%dma_wait3A_235] : memref<10000xf32, #tpu.memory_space<vmem_shared>> -> memref<2000xf32, #tpu.memory_space<vmem_shared>>
        tpu.wait_dma2 semaphore(%run_scoped3A_228 : memref<!tpu.dma_semaphore, #tpu.memory_space<semaphore_mem>>) src(%dma_wait3A_236 : memref<2000xf32, #tpu.memory_space<vmem_shared>>) dst(%arg19 : memref<2000xf32, #tpu.memory_space<vmem>>)
        tpu.yield
      }) : () -> ()
      "tpu.region"() ({
        %run_scoped3A_228 = tpu.sem_alloc : memref<!tpu.dma_semaphore, #tpu.memory_space<semaphore_mem>>
        %dma_start3A_229 = arith.constant 2000 : i32
        %dma_start3A_230 = tpu.memref_slice %arg6[%dma_start3A_229] : memref<10000xf32, #tpu.memory_space<hbm>> -> memref<2000xf32, #tpu.memory_space<hbm>>
        %dma_start3A_231 = arith.constant 2000 : i32
        %dma_start3A_232 = tpu.memref_slice %arg6[%dma_start3A_231] : memref<10000xf32, #tpu.memory_space<hbm>> -> memref<2000xf32, #tpu.memory_space<hbm>>
        tpu.enqueue_dma source(%arg19 : memref<2000xf32, #tpu.memory_space<vmem>>) target(%dma_start3A_232 : memref<2000xf32, #tpu.memory_space<hbm>>) target_semaphore(%run_scoped3A_228 : memref<!tpu.dma_semaphore, #tpu.memory_space<semaphore_mem>>)
        %dma_wait3A_233 = arith.constant 2000 : i32
        %dma_wait3A_234 = tpu.memref_slice %arg6[%dma_wait3A_233] : memref<10000xf32, #tpu.memory_space<hbm>> -> memref<2000xf32, #tpu.memory_space<hbm>>
        %dma_wait3A_235 = arith.constant 2000 : i32
        %dma_wait3A_236 = tpu.memref_slice %arg6[%dma_wait3A_235] : memref<10000xf32, #tpu.memory_space<hbm>> -> memref<2000xf32, #tpu.memory_space<hbm>>
        tpu.wait_dma2 semaphore(%run_scoped3A_228 : memref<!tpu.dma_semaphore, #tpu.memory_space<semaphore_mem>>) src(%arg19 : memref<2000xf32, #tpu.memory_space<vmem>>) dst(%dma_wait3A_236 : memref<2000xf32, #tpu.memory_space<hbm>>)
        tpu.yield
      }) : () -> ()
      "tpu.region"() ({
        %run_scoped3A_228 = tpu.sem_alloc : memref<!tpu.dma_semaphore, #tpu.memory_space<semaphore_mem>>
        %dma_start3A_229 = arith.constant 4000 : i32
        %dma_start3A_230 = tpu.memref_slice %arg8[%dma_start3A_229] : memref<10000xf32, #tpu.memory_space<vmem_shared>> -> memref<2000xf32, #tpu.memory_space<vmem_shared>>
        %dma_start3A_231 = arith.constant 4000 : i32
        %dma_start3A_232 = tpu.memref_slice %arg8[%dma_start3A_231] : memref<10000xf32, #tpu.memory_space<vmem_shared>> -> memref<2000xf32, #tpu.memory_space<vmem_shared>>
        tpu.enqueue_dma source(%dma_start3A_232 : memref<2000xf32, #tpu.memory_space<vmem_shared>>) target(%arg19 : memref<2000xf32, #tpu.memory_space<vmem>>) target_semaphore(%run_scoped3A_228 : memref<!tpu.dma_semaphore, #tpu.memory_space<semaphore_mem>>)
        %dma_wait3A_233 = arith.constant 4000 : i32
        %dma_wait3A_234 = tpu.memref_slice %arg8[%dma_wait3A_233] : memref<10000xf32, #tpu.memory_space<vmem_shared>> -> memref<2000xf32, #tpu.memory_space<vmem_shared>>
        %dma_wait3A_235 = arith.constant 4000 : i32
        %dma_wait3A_236 = tpu.memref_slice %arg8[%dma_wait3A_235] : memref<10000xf32, #tpu.memory_space<vmem_shared>> -> memref<2000xf32, #tpu.memory_space<vmem_shared>>
        tpu.wait_dma2 semaphore(%run_scoped3A_228 : memref<!tpu.dma_semaphore, #tpu.memory_space<semaphore_mem>>) src(%dma_wait3A_236 : memref<2000xf32, #tpu.memory_space<vmem_shared>>) dst(%arg19 : memref<2000xf32, #tpu.memory_space<vmem>>)
        tpu.yield
      }) : () -> ()
      "tpu.region"() ({
        %run_scoped3A_228 = tpu.sem_alloc : memref<!tpu.dma_semaphore, #tpu.memory_space<semaphore_mem>>
        %dma_start3A_229 = arith.constant 4000 : i32
        %dma_start3A_230 = tpu.memref_slice %arg6[%dma_start3A_229] : memref<10000xf32, #tpu.memory_space<hbm>> -> memref<2000xf32, #tpu.memory_space<hbm>>
        %dma_start3A_231 = arith.constant 4000 : i32
        %dma_start3A_232 = tpu.memref_slice %arg6[%dma_start3A_231] : memref<10000xf32, #tpu.memory_space<hbm>> -> memref<2000xf32, #tpu.memory_space<hbm>>
        tpu.enqueue_dma source(%arg19 : memref<2000xf32, #tpu.memory_space<vmem>>) target(%dma_start3A_232 : memref<2000xf32, #tpu.memory_space<hbm>>) target_semaphore(%run_scoped3A_228 : memref<!tpu.dma_semaphore, #tpu.memory_space<semaphore_mem>>)
        %dma_wait3A_233 = arith.constant 4000 : i32
        %dma_wait3A_234 = tpu.memref_slice %arg6[%dma_wait3A_233] : memref<10000xf32, #tpu.memory_space<hbm>> -> memref<2000xf32, #tpu.memory_space<hbm>>
        %dma_wait3A_235 = arith.constant 4000 : i32
        %dma_wait3A_236 = tpu.memref_slice %arg6[%dma_wait3A_235] : memref<10000xf32, #tpu.memory_space<hbm>> -> memref<2000xf32, #tpu.memory_space<hbm>>
        tpu.wait_dma2 semaphore(%run_scoped3A_228 : memref<!tpu.dma_semaphore, #tpu.memory_space<semaphore_mem>>) src(%arg19 : memref<2000xf32, #tpu.memory_space<vmem>>) dst(%dma_wait3A_236 : memref<2000xf32, #tpu.memory_space<hbm>>)
        tpu.yield
      }) : () -> ()
      "tpu.region"() ({
        %run_scoped3A_228 = tpu.sem_alloc : memref<!tpu.dma_semaphore, #tpu.memory_space<semaphore_mem>>
        %dma_start3A_229 = arith.constant 6000 : i32
        %dma_start3A_230 = tpu.memref_slice %arg8[%dma_start3A_229] : memref<10000xf32, #tpu.memory_space<vmem_shared>> -> memref<2000xf32, #tpu.memory_space<vmem_shared>>
        %dma_start3A_231 = arith.constant 6000 : i32
        %dma_start3A_232 = tpu.memref_slice %arg8[%dma_start3A_231] : memref<10000xf32, #tpu.memory_space<vmem_shared>> -> memref<2000xf32, #tpu.memory_space<vmem_shared>>
        tpu.enqueue_dma source(%dma_start3A_232 : memref<2000xf32, #tpu.memory_space<vmem_shared>>) target(%arg19 : memref<2000xf32, #tpu.memory_space<vmem>>) target_semaphore(%run_scoped3A_228 : memref<!tpu.dma_semaphore, #tpu.memory_space<semaphore_mem>>)
        %dma_wait3A_233 = arith.constant 6000 : i32
        %dma_wait3A_234 = tpu.memref_slice %arg8[%dma_wait3A_233] : memref<10000xf32, #tpu.memory_space<vmem_shared>> -> memref<2000xf32, #tpu.memory_space<vmem_shared>>
        %dma_wait3A_235 = arith.constant 6000 : i32
        %dma_wait3A_236 = tpu.memref_slice %arg8[%dma_wait3A_235] : memref<10000xf32, #tpu.memory_space<vmem_shared>> -> memref<2000xf32, #tpu.memory_space<vmem_shared>>
        tpu.wait_dma2 semaphore(%run_scoped3A_228 : memref<!tpu.dma_semaphore, #tpu.memory_space<semaphore_mem>>) src(%dma_wait3A_236 : memref<2000xf32, #tpu.memory_space<vmem_shared>>) dst(%arg19 : memref<2000xf32, #tpu.memory_space<vmem>>)
        tpu.yield
      }) : () -> ()
      "tpu.region"() ({
        %run_scoped3A_228 = tpu.sem_alloc : memref<!tpu.dma_semaphore, #tpu.memory_space<semaphore_mem>>
        %dma_start3A_229 = arith.constant 6000 : i32
        %dma_start3A_230 = tpu.memref_slice %arg6[%dma_start3A_229] : memref<10000xf32, #tpu.memory_space<hbm>> -> memref<2000xf32, #tpu.memory_space<hbm>>
        %dma_start3A_231 = arith.constant 6000 : i32
        %dma_start3A_232 = tpu.memref_slice %arg6[%dma_start3A_231] : memref<10000xf32, #tpu.memory_space<hbm>> -> memref<2000xf32, #tpu.memory_space<hbm>>
        tpu.enqueue_dma source(%arg19 : memref<2000xf32, #tpu.memory_space<vmem>>) target(%dma_start3A_232 : memref<2000xf32, #tpu.memory_space<hbm>>) target_semaphore(%run_scoped3A_228 : memref<!tpu.dma_semaphore, #tpu.memory_space<semaphore_mem>>)
        %dma_wait3A_233 = arith.constant 6000 : i32
        %dma_wait3A_234 = tpu.memref_slice %arg6[%dma_wait3A_233] : memref<10000xf32, #tpu.memory_space<hbm>> -> memref<2000xf32, #tpu.memory_space<hbm>>
        %dma_wait3A_235 = arith.constant 6000 : i32
        %dma_wait3A_236 = tpu.memref_slice %arg6[%dma_wait3A_235] : memref<10000xf32, #tpu.memory_space<hbm>> -> memref<2000xf32, #tpu.memory_space<hbm>>
        tpu.wait_dma2 semaphore(%run_scoped3A_228 : memref<!tpu.dma_semaphore, #tpu.memory_space<semaphore_mem>>) src(%arg19 : memref<2000xf32, #tpu.memory_space<vmem>>) dst(%dma_wait3A_236 : memref<2000xf32, #tpu.memory_space<hbm>>)
        tpu.yield
      }) : () -> ()
      "tpu.region"() ({
        %run_scoped3A_228 = tpu.sem_alloc : memref<!tpu.dma_semaphore, #tpu.memory_space<semaphore_mem>>
        %dma_start3A_229 = arith.constant 8000 : i32
        %dma_start3A_230 = tpu.memref_slice %arg8[%dma_start3A_229] : memref<10000xf32, #tpu.memory_space<vmem_shared>> -> memref<2000xf32, #tpu.memory_space<vmem_shared>>
        %dma_start3A_231 = arith.constant 8000 : i32
        %dma_start3A_232 = tpu.memref_slice %arg8[%dma_start3A_231] : memref<10000xf32, #tpu.memory_space<vmem_shared>> -> memref<2000xf32, #tpu.memory_space<vmem_shared>>
        tpu.enqueue_dma source(%dma_start3A_232 : memref<2000xf32, #tpu.memory_space<vmem_shared>>) target(%arg19 : memref<2000xf32, #tpu.memory_space<vmem>>) target_semaphore(%run_scoped3A_228 : memref<!tpu.dma_semaphore, #tpu.memory_space<semaphore_mem>>)
        %dma_wait3A_233 = arith.constant 8000 : i32
        %dma_wait3A_234 = tpu.memref_slice %arg8[%dma_wait3A_233] : memref<10000xf32, #tpu.memory_space<vmem_shared>> -> memref<2000xf32, #tpu.memory_space<vmem_shared>>
        %dma_wait3A_235 = arith.constant 8000 : i32
        %dma_wait3A_236 = tpu.memref_slice %arg8[%dma_wait3A_235] : memref<10000xf32, #tpu.memory_space<vmem_shared>> -> memref<2000xf32, #tpu.memory_space<vmem_shared>>
        tpu.wait_dma2 semaphore(%run_scoped3A_228 : memref<!tpu.dma_semaphore, #tpu.memory_space<semaphore_mem>>) src(%dma_wait3A_236 : memref<2000xf32, #tpu.memory_space<vmem_shared>>) dst(%arg19 : memref<2000xf32, #tpu.memory_space<vmem>>)
        tpu.yield
      }) : () -> ()
      "tpu.region"() ({
        %run_scoped3A_228 = tpu.sem_alloc : memref<!tpu.dma_semaphore, #tpu.memory_space<semaphore_mem>>
        %dma_start3A_229 = arith.constant 8000 : i32
        %dma_start3A_230 = tpu.memref_slice %arg6[%dma_start3A_229] : memref<10000xf32, #tpu.memory_space<hbm>> -> memref<2000xf32, #tpu.memory_space<hbm>>
        %dma_start3A_231 = arith.constant 8000 : i32
        %dma_start3A_232 = tpu.memref_slice %arg6[%dma_start3A_231] : memref<10000xf32, #tpu.memory_space<hbm>> -> memref<2000xf32, #tpu.memory_space<hbm>>
        tpu.enqueue_dma source(%arg19 : memref<2000xf32, #tpu.memory_space<vmem>>) target(%dma_start3A_232 : memref<2000xf32, #tpu.memory_space<hbm>>) target_semaphore(%run_scoped3A_228 : memref<!tpu.dma_semaphore, #tpu.memory_space<semaphore_mem>>)
        %dma_wait3A_233 = arith.constant 8000 : i32
        %dma_wait3A_234 = tpu.memref_slice %arg6[%dma_wait3A_233] : memref<10000xf32, #tpu.memory_space<hbm>> -> memref<2000xf32, #tpu.memory_space<hbm>>
        %dma_wait3A_235 = arith.constant 8000 : i32
        %dma_wait3A_236 = tpu.memref_slice %arg6[%dma_wait3A_235] : memref<10000xf32, #tpu.memory_space<hbm>> -> memref<2000xf32, #tpu.memory_space<hbm>>
        tpu.wait_dma2 semaphore(%run_scoped3A_228 : memref<!tpu.dma_semaphore, #tpu.memory_space<semaphore_mem>>) src(%arg19 : memref<2000xf32, #tpu.memory_space<vmem>>) dst(%dma_wait3A_236 : memref<2000xf32, #tpu.memory_space<hbm>>)
        tpu.yield
      }) : () -> ()
    } else {
    }
    return
  }
}

module attributes {stable_mosaic.version = 14 : i64} {
  func.func @_tc_body(%arg0: i32, %arg1: memref<2x5000x128xf32, #tpu.memory_space<vmem>>, %arg2: memref<5000x1xf32, #tpu.memory_space<vmem>>, %arg3: memref<5000x1xf32, #tpu.memory_space<vmem>>, %arg4: memref<5000x128xf32, #tpu.memory_space<vmem>>, %arg5: memref<128x128xf32, #tpu.memory_space<vmem>>, %arg6: memref<1x128xf32, #tpu.memory_space<vmem>>, %arg7: memref<128x128xf32, #tpu.memory_space<vmem>>, %arg8: memref<5000x128xf32, #tpu.memory_space<vmem>>) attributes {dimension_semantics = [#tpu.dimension_semantics<arbitrary>], iteration_bounds = array<i64: 2>, scalar_prefetch = 0 : i64, scratch_operands = 0 : i64, tpu.core_type = #tpu.core_type<tc>, window_params = [{transform_indices = @transform_0, window_bounds = array<i64: 2, 5000, 128>}, {transform_indices = @transform_1, window_bounds = array<i64: 5000, 1>}, {transform_indices = @transform_2, window_bounds = array<i64: 5000, 1>}, {transform_indices = @transform_3, window_bounds = array<i64: 5000, 128>}, {pipeline_mode = #tpu.pipeline_mode<synchronous>, transform_indices = @transform_4, window_bounds = array<i64: 128, 128>}, {pipeline_mode = #tpu.pipeline_mode<synchronous>, transform_indices = @transform_5, window_bounds = array<i64: 1, 128>}, {pipeline_mode = #tpu.pipeline_mode<synchronous>, transform_indices = @transform_6, window_bounds = array<i64: 128, 128>}, {transform_indices = @transform_7, window_bounds = array<i64: 5000, 128>}]} {
    %get3A = arith.constant 0 : index
    %get3A_0 = arith.constant 0 : index
    %get3A_1 = arith.constant 0 : index
    %get3A_2 = vector.load %arg1[%get3A, %get3A_0, %get3A_1] : memref<2x5000x128xf32, #tpu.memory_space<vmem>>, vector<1x5000x128xf32>
    %get3A_3 = vector.shape_cast %get3A_2 : vector<1x5000x128xf32> to vector<5000x128xf32>
    %get3A_4 = arith.constant 1 : index
    %get3A_5 = arith.constant 0 : index
    %get3A_6 = arith.constant 0 : index
    %get3A_7 = vector.load %arg1[%get3A_4, %get3A_5, %get3A_6] : memref<2x5000x128xf32, #tpu.memory_space<vmem>>, vector<1x5000x128xf32>
    %get3A_8 = vector.shape_cast %get3A_7 : vector<1x5000x128xf32> to vector<5000x128xf32>
    %add3A = arith.addf %get3A_3, %get3A_8 : vector<5000x128xf32>
    %get3A_9 = arith.constant 0 : index
    %get3A_10 = arith.constant 0 : index
    %get3A_11 = vector.load %arg2[%get3A_9, %get3A_10] : memref<5000x1xf32, #tpu.memory_space<vmem>>, vector<5000x1xf32>
    %get3A_12 = arith.constant 0 : index
    %get3A_13 = arith.constant 0 : index
    %get3A_14 = vector.load %arg3[%get3A_12, %get3A_13] : memref<5000x1xf32, #tpu.memory_space<vmem>>, vector<5000x1xf32>
    %add3A_15 = arith.addf %get3A_11, %get3A_14 : vector<5000x1xf32>
    %max3A = arith.constant 1.000000e+00 : f32
    %max3A_16 = vector.broadcast %max3A : f32 to vector<5000x1xf32>
    %max3A_17 = arith.maximumf %add3A_15, %max3A_16 : vector<5000x1xf32>
    %div3A = arith.constant 1.000000e+00 : f32
    %div3A_18 = vector.broadcast %div3A : f32 to vector<5000x1xf32>
    %div3A_19 = arith.divf %div3A_18, %max3A_17 : vector<5000x1xf32>
    %mul3A = vector.broadcast %div3A_19 : vector<5000x1xf32> to vector<5000x128xf32>
    %mul3A_20 = arith.mulf %add3A, %mul3A : vector<5000x128xf32>
    %get3A_21 = arith.constant 0 : index
    %get3A_22 = arith.constant 0 : index
    %get3A_23 = vector.load %arg5[%get3A_21, %get3A_22] : memref<128x128xf32, #tpu.memory_space<vmem>>, vector<128x128xf32>
    %dot_general3A = arith.constant dense<0.000000e+00> : vector<5000x128xf32>
    %dot_general3A_24 = tpu.matmul %mul3A_20, %get3A_23, %dot_general3A {dimension_numbers = #tpu.dot_dimension_numbers<[1], [0], [0], [1], [0, 0, 1, 1], [], []>, transpose_lhs_hint = false} : vector<5000x128xf32>, vector<128x128xf32>, vector<5000x128xf32> -> vector<5000x128xf32>
    %get3A_25 = arith.constant 0 : index
    %get3A_26 = arith.constant 0 : index
    %get3A_27 = vector.load %arg4[%get3A_25, %get3A_26] : memref<5000x128xf32, #tpu.memory_space<vmem>>, vector<5000x128xf32>
    %get3A_28 = arith.constant 0 : index
    %get3A_29 = arith.constant 0 : index
    %get3A_30 = vector.load %arg7[%get3A_28, %get3A_29] : memref<128x128xf32, #tpu.memory_space<vmem>>, vector<128x128xf32>
    %dot_general3A_31 = arith.constant dense<0.000000e+00> : vector<5000x128xf32>
    %dot_general3A_32 = tpu.matmul %get3A_27, %get3A_30, %dot_general3A_31 {dimension_numbers = #tpu.dot_dimension_numbers<[1], [0], [0], [1], [0, 0, 1, 1], [], []>, transpose_lhs_hint = false} : vector<5000x128xf32>, vector<128x128xf32>, vector<5000x128xf32> -> vector<5000x128xf32>
    %add3A_33 = arith.addf %dot_general3A_24, %dot_general3A_32 : vector<5000x128xf32>
    %get3A_34 = arith.constant 0 : index
    %get3A_35 = arith.constant 0 : index
    %get3A_36 = vector.load %arg6[%get3A_34, %get3A_35] : memref<1x128xf32, #tpu.memory_space<vmem>>, vector<1x128xf32>
    %add3A_37 = vector.broadcast %get3A_36 : vector<1x128xf32> to vector<5000x128xf32>
    %add3A_38 = arith.addf %add3A_33, %add3A_37 : vector<5000x128xf32>
    %swap3A = arith.constant 0 : index
    %swap3A_39 = arith.constant 0 : index
    %swap3A_40 = vector.load %arg8[%swap3A, %swap3A_39] : memref<5000x128xf32, #tpu.memory_space<vmem>>, vector<5000x128xf32>
    tpu.vector_store %arg8[%swap3A, %swap3A_39], %add3A_38 {strides = array<i32>} : memref<5000x128xf32, #tpu.memory_space<vmem>>, vector<5000x128xf32>,
    return
  }
  func.func @transform_0(%arg0: i32) -> (i32, i32, i32) {
    %c0_i32 = arith.constant 0 : i32
    %c0_i32_0 = arith.constant 0 : i32
    %c0_i32_1 = arith.constant 0 : i32
    return %c0_i32, %arg0, %c0_i32_0 : i32, i32, i32
  }
  func.func @transform_1(%arg0: i32) -> (i32, i32) {
    %c0_i32 = arith.constant 0 : i32
    %c0_i32_0 = arith.constant 0 : i32
    return %arg0, %c0_i32 : i32, i32
  }
  func.func @transform_2(%arg0: i32) -> (i32, i32) {
    %c0_i32 = arith.constant 0 : i32
    %c0_i32_0 = arith.constant 0 : i32
    return %arg0, %c0_i32 : i32, i32
  }
  func.func @transform_3(%arg0: i32) -> (i32, i32) {
    %c0_i32 = arith.constant 0 : i32
    %c0_i32_0 = arith.constant 0 : i32
    return %arg0, %c0_i32 : i32, i32
  }
  func.func @transform_4(%arg0: i32) -> (i32, i32) {
    %c0_i32 = arith.constant 0 : i32
    %c0_i32_0 = arith.constant 0 : i32
    %c0_i32_1 = arith.constant 0 : i32
    return %c0_i32, %c0_i32_0 : i32, i32
  }
  func.func @transform_5(%arg0: i32) -> (i32, i32) {
    %c0_i32 = arith.constant 0 : i32
    %c0_i32_0 = arith.constant 0 : i32
    %c0_i32_1 = arith.constant 0 : i32
    return %c0_i32, %c0_i32_0 : i32, i32
  }
  func.func @transform_6(%arg0: i32) -> (i32, i32) {
    %c0_i32 = arith.constant 0 : i32
    %c0_i32_0 = arith.constant 0 : i32
    %c0_i32_1 = arith.constant 0 : i32
    return %c0_i32, %c0_i32_0 : i32, i32
  }
  func.func @transform_7(%arg0: i32) -> (i32, i32) {
    %c0_i32 = arith.constant 0 : i32
    %c0_i32_0 = arith.constant 0 : i32
    return %arg0, %c0_i32 : i32, i32
  }
}

</mosaic_0001>

<sc_bundles>
// kernel: kernel.4.cloned.1.call-start
scs
__scs_entry_jumppad:
0x0: {  	(pc) =	sbr.rel $0x88, $3  }
0x1: {  	(tag) =	ssettag $0x0;
	lr =	simm.s32 $0x1  }
0x2: {  	[smem:$0x3F9C] =	sst lr;
	_ =	strace $0xD0000000  }
0x3: {  	_ = 	snop  }
0x4: {  	_ = 	snop  }
0x5: {  	_ = 	snop  }
0x6: {  	_ = 	snop  }
0x7: {  	_ = 	snop  }
__scs_overlays_trampoline_lowered:
0x8: {  	[smem:$0x3FAB] =	sst s0  }
0x9: {  	[smem:$0x3FAC] =	sst s1  }
0xa: {  	[smem:$0x3FAD] =	sst s2  }
0xb: {  	[smem:$0x3FAE] =	sst s3  }
0xc: {  	[smem:$0x3FAF] =	sst s4  }
0xd: {  	[smem:$0x3FB0] =	sst s5  }
0xe: {  	[smem:$0x3FB1] =	sst s6  }
0xf: {  	[smem:$0x3FB2] =	sst s7  }
0x10: {  	[smem:$0x3FB3] =	sst s8  }
0x11: {  	[smem:$0x3FB4] =	sst s9;
	s0 =	simm.s32 @!p0 $0x0  }
0x12: {  	s1 =	sld [smem:$0x3F9A];
	s0 =	simm.s32 @p0 $0x1  }
0x13: {  	[smem:$0x3FB5] =	sst s0;
	s0 =	simm.s32 @!p1 $0x0  }
0x14: {  	s2 =	sld [smem:$0x3F99];
	s0 =	simm.s32 @p1 $0x1  }
0x15: {  	[smem:$0x3FB6] =	sst s0;
	s0 =	simm.s32 @!p2 $0x0  }
0x16: {  	s3 =	sld [smem:$0x3FDB];
	s0 =	simm.s32 @p2 $0x1  }
0x17: {  	s4 =	simm.s32 $0x1BF5;
	[smem:$0x3FB8] =	sst s0  }
0x18: {  	s0 =	sld [smem:$0x3F9B];
	_ =	swait.ge [sflag:s4], $0x0  }
0x19: {  	s7 =	sld [smem:$0x3F9C]  }
0x1a: {  	s8 =	sadd.s32 $0xFFFFE003, lr  }
0x1b: {  	s9 =	sadd.s32 $0xFFFFFEF7, lr;
	s5 =	simm.s32 $0xFFFFFFFF;
	p2 =	slt.u32 s8, $0xFFFFF086  }
0x1c: {  	p1 =	slt.u32 s9, $0xF7A;
	s5 =	simm.s32 @!p2 $0x0  }
0x1d: {  	s5 =	simm.s32 @p1 $0x1;
	p0 =	seq.s32 s7, s2  }
0x1e: {  	s7 =	smul.u32 @!p0 $0xF7A, s2;
	p2 =	seq.s32 @!p0 s5, $0x0  }
0x1f: {  	s9 =	smul.u32 $0xF7A, s1;
	s8 =	simm.s32 @!p0 $0x1BF5;
	p2 =	por !p2, p0  }
0x20: {  	[sflag:s8] =	ssyncset.s32 @!p0 $0xFFFFF086;
	s6 =	sadd.s32 @!p0 s3, s7;
	s7 =	simm.s32 @!p0 $0x108  }
0x21: {  	s3 =	sadd.s32 s3, s9;
	s6 =	sadd.s32 @!p0 $0x88, s6;
	s7 =	simm.s32 @p2 $0x1082  }
0x22: {  	[simem:s7], [sflag:s8] =	dma.local @!p0 [hbm:s6], $0xF7A  }
0x23: {  	s9 =	sor.u32 $0xD0000000, s2;
	s6 =	simm.s32 $0x108;
	_ =	swait.ge @!p0 [sflag:s8], $0x0  }
0x24: {  	s3 =	sadd.s32 $0x88, s3;
	s6 =	simm.s32 @!p1 $0x1082;
	[sflag:s4] =	ssyncset.s32 $0xFFFFF086  }
0x25: {  	[simem:s6], [sflag:s4] =	dma.local [hbm:s3], $0xF7A  }
0x26: {  	[smem:$0x3F9C] =	sst s1;
	(tag) =	ssettag s2;
	_ =	strace s9  }
0x27: {  	s1 =	sld [smem:$0x3FAC]  }
0x28: {  	s2 =	sld [smem:$0x3FAD]  }
0x29: {  	s4 =	sld [smem:$0x3FAF]  }
0x2a: {  	p0 =	seq.s32 s5, $0x0;
	s5 =	sld [smem:$0x3FB0]  }
0x2b: {  	s6 =	sld [smem:$0x3FB1]  }
0x2c: {  	s7 =	sld [smem:$0x3FB2]  }
0x2d: {  	s3 =	simm.s32 $0x108;
	s8 =	sld [smem:$0x3FB3]  }
0x2e: {  	s3 =	simm.s32 @!p0 $0x1082;
	s9 =	sld [smem:$0x3FB4]  }
0x2f: {  	lr =	sadd.s32 s0, s3;
	s0 =	sld [smem:$0x3FAB]  }
0x30: {  	s3 =	sld [smem:$0x3FAE]  }
0x31: {  	[smem:$0x3FB7] =	sst s10  }
0x32: {  	s10 =	sld [smem:$0x3FB5];
	_ =	sdelay $0x3  }
0x33: {  	p0 =	seq.s32 s10, $0x1;
	s10 =	sld [smem:$0x3FB7];
	_ =	sdelay $0x3  }
0x34: {  	[smem:$0x3FB7] =	sst s10  }
0x35: {  	s10 =	sld [smem:$0x3FB6];
	_ =	sdelay $0x3  }
0x36: {  	p1 =	seq.s32 s10, $0x1;
	s10 =	sld [smem:$0x3FB7];
	_ =	sdelay $0x3  }
0x37: {  	[smem:$0x3FB7] =	sst s10  }
0x38: {  	s10 =	sld [smem:$0x3FB8]  }
0x39: {  	_ = 	snop;
	(pc) =	sbr.ind lr, $3  }
0x3a: {  	_ = 	snop  }
0x3b: {  	_ = 	snop  }
0x3c: {  	p2 =	seq.s32 s10, $0x1;
	s10 =	sld [smem:$0x3FB7]  }
0x3d: {  	_ =	shalt  }
0x3e: {  	_ =	shalt  }
0x3f: {  	_ =	shalt  }
0x40: {  	_ =	shalt  }
0x41: {  	_ =	shalt  }
0x42: {  	_ =	shalt  }
0x43: {  	_ =	shalt  }
0x44: {  	_ =	shalt  }
0x45: {  	_ =	shalt  }
0x46: {  	_ =	shalt  }
0x47: {  	_ =	shalt  }
0x48: {  	_ =	shalt  }
0x49: {  	_ =	shalt  }
0x4a: {  	_ =	shalt  }
0x4b: {  	_ =	shalt  }
0x4c: {  	_ =	shalt  }
0x4d: {  	_ =	shalt  }
0x4e: {  	_ =	shalt  }
0x4f: {  	_ =	shalt  }
0x50: {  	_ =	shalt  }
0x51: {  	_ =	shalt  }
0x52: {  	_ =	shalt  }
0x53: {  	_ =	shalt  }
0x54: {  	_ =	shalt  }
0x55: {  	_ =	shalt  }
0x56: {  	_ =	shalt  }
0x57: {  	_ =	shalt  }
0x58: {  	_ =	shalt  }
0x59: {  	_ =	shalt  }
0x5a: {  	_ =	shalt  }
0x5b: {  	_ =	shalt  }
0x5c: {  	_ =	shalt  }
0x5d: {  	_ =	shalt  }
0x5e: {  	_ =	shalt  }
0x5f: {  	_ =	shalt  }
0x60: {  	_ =	shalt  }
0x61: {  	_ =	shalt  }
0x62: {  	_ =	shalt  }
0x63: {  	_ =	shalt  }
0x64: {  	_ =	shalt  }
0x65: {  	_ =	shalt  }
0x66: {  	_ =	shalt  }
0x67: {  	_ =	shalt  }
0x68: {  	_ =	shalt  }
0x69: {  	_ =	shalt  }
0x6a: {  	_ =	shalt  }
0x6b: {  	_ =	shalt  }
0x6c: {  	_ =	shalt  }
0x6d: {  	_ =	shalt  }
0x6e: {  	_ =	shalt  }
0x6f: {  	_ =	shalt  }
0x70: {  	_ =	shalt  }
0x71: {  	_ =	shalt  }
0x72: {  	_ =	shalt  }
0x73: {  	_ =	shalt  }
0x74: {  	_ =	shalt  }
0x75: {  	_ =	shalt  }
0x76: {  	_ =	shalt  }
0x77: {  	_ =	shalt  }
0x78: {  	_ =	shalt  }
0x79: {  	_ =	shalt  }
0x7a: {  	_ =	shalt  }
0x7b: {  	_ =	shalt  }
0x7c: {  	_ =	shalt  }
0x7d: {  	_ =	shalt  }
0x7e: {  	_ =	shalt  }
0x7f: {  	_ =	shalt  }
0x80: {  	_ =	shalt  }
0x81: {  	_ =	shalt  }
0x82: {  	_ =	shalt  }
0x83: {  	_ =	shalt  }
0x84: {  	_ =	shalt  }
0x85: {  	_ =	shalt  }
0x86: {  	_ =	shalt  }
0x87: {  	_ =	shalt  }
.Lfunc_end0:
.L_simem_size_0:
called_computation_lowered:
.L_overlay_start_0:
0x88: {  	s2 =	sld [smem:$0x3FD9]  }
0x89: {  	s3 =	sld [smem:$0x3FFE];
	_ =	sdelay $0x1  }
0x8a: {  	s1 =	srdreg.scid  }
0x8b: {  	s0 =	sand.u32 $0x1, s1  }
0x8c: {  	s17 =	sshll.u32 s0, $0xA;
	s2 =	sadd.s32 s3, s2  }
0x8d: {  	s2 =	sadd.s32 s2, s17  }
0x8e: {  	[smem:$0x3FC3] =	sst s2  }
0x8f: {  	_ = 	snop  }
0x90: {  	s2 =	sld [smem:$0x3FC9]  }
0x91: {  	s18 =	sld [smem:$0x3FD0];
	(tm) =	ssettm $0x1  }
0x92: {  	s4 =	sld [smem:$0x3FFB];
	_ =	sdelay $0x3  }
0x93: {  	_ =	strace s4  }
0x94: {  	s4 =	sld [smem:$0x3FFC];
	_ =	sdelay $0x3  }
0x95: {  	_ =	strace s4  }
0x96: {  	s4 =	sld [smem:$0x3FFD];
	_ =	sdelay $0x3  }
0x97: {  	_ =	strace s4  }
0x98: {  	_ =	strace $0x8FFFFFFF  }
0x99: {  	s19 =	sld [smem:$0x3FDB];
	_ =	sdelay $0x1  }
0x9a: {  	s5 =	simm.s32 $_scs_section_size  }
0x9b: {  	s6 =	simm.s32 $_size__tile_overlayer_lowered;
	s7 =	simm.s32 $_tile_overlayer_lowered  }
0x9c: {  	s22 =	simm.s32 $0x1BFF;
	s21 =	sshll.u32 s7, $0x1;
	s4 =	sadd.s32 s5, s19  }
0x9d: {  	s8 =	simm.s32 $0x0;
	s20 =	sshll.u32 s6, $0x1;
	s6 =	sadd.s32 s21, s4  }
0x9e: {  	[timem:s8], [sflag:s22] =	dma.local [hbm:s6], s20  }
0x9f: {  	_ =	swait.ge [sflag:s22], s20  }
0xa0: {  	s5 =	ssub.s32 $0x0, s20;
	[sflag:s22] =	ssyncset.done $0x0  }
0xa1: {  	[sflag:s22] =	ssyncadd.s32 s5;
	_ =	sdelay $0x1  }
0xa2: {  	s23 =	simm.s32 $0x1B8B  }
0xa3: {  	_ =	swait.ge [sflag:s23], $0x1  }
0xa4: {  	[sflag:s23] =	ssyncset.done $0x0  }
0xa5: {  	s25 =	simm.s32 $0x1B8E;
	s24 =	sld [smem:$0x3FFE];
	[sflag:s23] =	ssyncadd.s32 $0xFFFFFFFF  }
0xa6: {  	s26 =	simm.s32 $execute0_lowered;
	[smem:$0x3FD2] =	sst s25  }
0xa7: {  	s6 =	sshll.u32 s26, $0x1;
	_ =	strace $0x80000046;
	[dreg:$0x1] =	wrdreg $0xFFFFFFFF  }
0xa8: {  	s28 =	simm.s32 $_size_execute0_lowered;
	s4 =	sadd.s32 s4, s6;
	[dreg:$0x0] =	wrdreg $0x0  }
0xa9: {  	s6 =	sshll.u32 s28, $0x1;
	[dreg:$0x2] =	wrdreg s4  }
0xaa: {  	[dreg:$0x3] =	wrdreg s6  }
0xab: {  	[dreg:$0x4] =	wrdreg $0xC0  }
0xac: {  	_ =	task [dreg:s8], $0x5FFFF  }
0xad: {  	[dreg:$0x1] =	wrdreg $0xFFFFFFFF  }
0xae: {  	[dreg:$0x0] =	wrdreg $0x60  }
0xaf: {  	[dreg:$0x2] =	wrdreg s18  }
0xb0: {  	[dreg:$0x3] =	wrdreg s2  }
0xb1: {  	[dreg:$0x4] =	wrdreg s24  }
0xb2: {  	[dreg:$0x5] =	wrdreg $0x0  }
0xb3: {  	[dreg:$0x6] =	wrdreg $0x138800  }
0xb4: {  	[dreg:$0x7] =	wrdreg $0x9  }
0xb5: {  	_ =	task.clear_ibuf [dreg:s8], $0x8FFFF;
	_ =	strace $0x90000046  }
0xb6: {  	s29 =	simm.s32 $0x9;
	_ =	strace $0x80000048  }
0xb7: {  	_ =	swait.ge [sflag:s29], $0x1  }
0xb8: {  	[sflag:s29] =	ssyncadd.s32 $0xFFFFFFFF  }
0xb9: {  	_ =	strace $0x90000048  }
0xba: {  	_ =	sfence  }
0xbb: {  	s30 =	sld [smem:$0x0];
	_ =	sdelay $0x2  }
0xbc: {  	s31 =	sshll.u32 s1, $0xD;
	s1 =	sshrl.u32 s1, $0x2  }
0xbd: {  	s3 =	sand.u32 $0x4000, s31;
	s1 =	sadd.s32 s1, s30  }
0xbe: {  	s0 =	sor.u32 s3, s0;
	s1 =	sshll.u32 s1, $0x11  }
0xbf: {  	s0 =	sor.u32 s1, s0  }
0xc0: {  	s0 =	sadd.s32 $0x8F2B, s0  }
0xc1: {  	[sflag:s0] =	ssyncadd.remote.s32 $0x1  }
0xc2: {  	_ =	sfence.sel $0xFFFF  }
0xc3: {  	[dreg:$0x0] =	wrdreg $0xFFFFFFFF;
	(pc) =	sbr.abs _section_cstart, $3  }
0xc4: {  	[dreg:$0x1] =	wrdreg $0xFFFFFFFF  }
0xc5: {  	_ =	task.clear_ibuf [dreg:s8], $0x2FFFF;
	_ =	strace $0x9FFFFFFF  }
0xc6: {  	(tm) =	ssettm $0x7FFFFFFF  }
0xc7: {  	_ =	shalt  }
tec
execute0_lowered:
.L_overlay_start_1:
0x0: {  	(tag) =	ssettag $0x1  }
0x1: {  	s0 =	srdreg.scid  }
0x2: {  	s4 =	rddreg [dreg:$0x0];
	s22 =	stileid.u32  }
0x3: {  	s1 =	simm.s32 $0x0;
	s3 =	sand.u32 $0x1, s0;
	s0 =	rddreg [dreg:$0x2]  }
0x4: {  	[smem:$0x7FF] =	sst s1;
	s12 =	smul.u32 $0x13800, s22  }
0x5: {  	p2 =	seq.s32 s22, $0x0;
	p3 =	sne.s32 s22, $0xF;
	s2 =	sshll.u32 s3, $0x4  }
0x6: {  	s5 =	ssub.s32 $0x2, s3;
	s11 =	sadd.s32 $0x2400, s0;
	s14 =	smul.u32 $0x138800, s3  }
0x7: {  	p0 =	seq.s32 s3, $0x1;
	s2 =	sor.u32 s22, s2;
	s20 =	sshrl.u32 s5, $0x1  }
0x8: {  	s7 =	sadd.s32 $0x7800, s12;
	s8 =	sadd.s32 $0xA000, s12;
	s9 =	sadd.s32 $0xC800, s12  }
0x9: {  	s10 =	sadd.s32 $0xF000, s12;
	s17 =	sadd.s32 $0x11800, s12;
	s6 =	smul.u32 $0x3200, s2  }
0xa: {  	s2 =	ssub.s32 s5, s20;
	s5 =	sadd.s32 $0x2800, s12;
	s15 =	sadd.s32 s12, s14  }
0xb: {  	s25 =	sadd.s32 s14, s7;
	s26 =	sadd.s32 s14, s8;
	s20 =	sadd.s32 s14, s9  }
0xc: {  	s15 =	sshrl.u32 s15, $0x3;
	s16 =	sadd.s32 s14, s5;
	s19 =	sshrl.u32 s26, $0x3  }
0xd: {  	s13 =	sshrl.u32 s6, $0x3;
	s6 =	sadd.s32 $0x5000, s12;
	s21 =	sadd.s32 s11, s15  }
0xe: {  	s23 =	sshrl.u32 s16, $0x3;
	s15 =	sshrl.u32 s25, $0x3;
	s25 =	sadd.s32 s14, s17  }
0xf: {  	[dreg:$0x6] =	wrdreg s21;
	s12 =	sadd.s32 s11, s23;
	s24 =	sadd.s32 s14, s6  }
0x10: {  	s18 =	sadd.s32 s11, s15;
	s21 =	smul.u32 $0x32000, s3;
	s23 =	sadd.s32 s14, s10  }
0x11: {  	s26 =	sshrl.u32 s25, $0x3;
	s14 =	sshrl.u32 s14, $0x3;
	[dreg:$0x7] =	wrdreg s12  }
0x12: {  	s3 =	sor.u32 s3, s22;
	s12 =	sshrl.u32 s24, $0x3;
	[dreg:$0x9] =	wrdreg s18  }
0x13: {  	s18 =	smul.u32 $0x3200, s22;
	s24 =	sshrl.u32 s23, $0x3;
	s12 =	sadd.s32 s11, s12  }
0x14: {  	s23 =	sadd.s32 s4, s13;
	[dreg:$0x8] =	wrdreg s12;
	s12 =	sadd.s32 s11, s19  }
0x15: {  	s15 =	sadd.s32 s18, s21;
	s21 =	sadd.s32 s11, s14;
	[dreg:$0xa] =	wrdreg s12  }
0x16: {  	s12 =	sshrl.u32 s20, $0x3;
	s16 =	sadd.s32 $0x64280, s15;
	s19 =	sadd.s32 $0x280, s15  }
0x17: {  	s20 =	sadd.s32 $0x64200, s15;
	s25 =	sadd.s32 $0x64180, s15;
	s12 =	sadd.s32 s11, s12  }
0x18: {  	s18 =	sshrl.u32 s16, $0x3;
	s13 =	sshrl.u32 s20, $0x3;
	s16 =	sshrl.u32 s25, $0x3  }
0x19: {  	s20 =	smul.u32 $0x4E000, s22;
	[dreg:$0xb] =	wrdreg s12;
	s12 =	sadd.s32 s11, s24  }
0x1a: {  	s24 =	sadd.s32 $0x200, s15;
	[dreg:$0xc] =	wrdreg s12;
	s12 =	sadd.s32 s11, s26  }
0x1b: {  	s11 =	sadd.s32 s18, s4;
	s18 =	sor.u32 $0x180, s15;
	s15 =	rddreg [dreg:$0x1]  }
0x1c: {  	s13 =	sadd.s32 s13, s4;
	s26 =	sshrl.u32 s20, $0x2;
	s20 =	rddreg [dreg:$0x4]  }
0x1d: {  	s16 =	sadd.s32 s16, s4;
	s14 =	sshrl.u32 s24, $0x3;
	[dreg:$0xd] =	wrdreg s12  }
0x1e: {  	s12 =	sshrl.u32 s19, $0x3;
	s19 =	sshrl.u32 s18, $0x3;
	s18 =	rddreg [dreg:$0x3]  }
0x1f: {  	s22 =	sadd.s32 $0x7D0, s20;
	_ =	strace $0x80000047;
	[dreg:$0xe] =	wrdreg s23  }
0x20: {  	s14 =	sadd.s32 s14, s4;
	s5 =	sadd.s32 s5, s18;
	[smem:$0x7F9] =	sst s22  }
0x21: {  	s12 =	sadd.s32 s12, s4;
	s24 =	sadd.s32 s6, s18;
	[dreg:$0x10] =	wrdreg s5  }
0x22: {  	s19 =	sadd.s32 s19, s4;
	s25 =	sadd.s32 s7, s18;
	[dreg:$0x11] =	wrdreg s24  }
0x23: {  	s4 =	sadd.s32 s26, s18;
	s26 =	sadd.s32 s8, s18;
	[dreg:$0x12] =	wrdreg s25  }
0x24: {  	s6 =	sadd.s32 s10, s18;
	[dreg:$0x13] =	wrdreg s26  }
0x25: {  	s7 =	sadd.s32 s17, s18;
	[dreg:$0x15] =	wrdreg s6  }
0x26: {  	s8 =	sadd.s32 $0x27000, s21;
	[dreg:$0x16] =	wrdreg s7  }
0x27: {  	s10 =	sadd.s32 $0x1E00, s0;
	[dreg:$0x17] =	wrdreg s8  }
0x28: {  	s17 =	sadd.s32 $0x18FA, s0;
	[dreg:$0x19] =	wrdreg s10  }
0x29: {  	s21 =	sadd.s32 $0x19F4, s0;
	[dreg:$0x1a] =	wrdreg s17  }
0x2a: {  	[dreg:$0x1b] =	wrdreg s21  }
0x2b: {  	s5 =	sadd.s32 s9, s18;
	[dreg:$0xf] =	wrdreg s4  }
0x2c: {  	s9 =	sadd.s32 $0x1800, s0;
	[dreg:$0x14] =	wrdreg s5  }
0x2d: {  	s24 =	sadd.s32 $0x1AEE, s0;
	[dreg:$0x18] =	wrdreg s9  }
0x2e: {  	s25 =	sadd.s32 $0x1BE8, s0;
	[dreg:$0x1c] =	wrdreg s24  }
0x2f: {  	s26 =	sadd.s32 $0x1EFA, s0;
	[dreg:$0x1d] =	wrdreg s25  }
0x30: {  	s6 =	sadd.s32 $0x20EE, s0;
	[dreg:$0x1e] =	wrdreg s26  }
0x31: {  	s31 =	simm.s32 $0x13CF8;
	s7 =	smax.u32 s2, $0x1;
	[smem:$0x7F1] =	sst s6  }
0x32: {  	s28 =	simm.s32 $0x1A5F8;
	s8 =	sadd.s32 $0xC800, s23;
	[smem:$0x7F3] =	sst s7  }
0x33: {  	s29 =	simm.s32 $0x5;
	s10 =	sadd.s32 $0xC810, s23;
	[smem:$0x7F4] =	sst s8  }
0x34: {  	s30 =	simm.s32 $0x0;
	s17 =	sadd.s32 $0x20, s23;
	[smem:$0x7F6] =	sst s10  }
0x35: {  	p1 =	sne.s32 s3, $0x0;
	s21 =	sadd.s32 $0xC820, s23;
	[smem:$0x7F7] =	sst s17  }
0x36: {  	s3 =	simm.s32 $0x6;
	s5 =	sadd.s32 $0x1FF4, s0;
	[smem:$0x7F8] =	sst s21  }
0x37: {  	s22 =	simm.s32 $0x2;
	s0 =	sadd.s32 $0x21E8, s0;
	[dreg:$0x1f] =	wrdreg s5  }
0x38: {  	s2 =	simm.s32 $0x13DF8;
	s9 =	sadd.s32 $0x10, s23;
	[smem:$0x7F2] =	sst s0  }
0x39: {  	s23 =	sadd.s32 $0xFA0, s20;
	s24 =	sadd.s32 $0x1770, s20;
	[smem:$0x7F5] =	sst s9  }
0x3a: {  	s25 =	sadd.s32 $0x1F40, s20;
	s26 =	sadd.s32 $0x138000, s18;
	[smem:$0x7FA] =	sst s23  }
.Ltmp0:
0x3b: {  	s8 =	simm.s32 $0x13AF8;
	[smem:$0x7FB] =	sst s24;
	(pc) =	sbr.rel .LBB2_1-.Ltmp0, $4  }
0x3c: {  	s17 =	simm.s32 $0x13BF8;
	s10 =	simm.s32 $0x7;
	[smem:$0x7FC] =	sst s25  }
0x3d: {  	s7 =	simm.s32 $0x1;
	s21 =	simm.s32 $0x64;
	[smem:$0x7FD] =	sst s26  }
0x3e: {  	s9 =	simm.s32 $0x13C78;
	s0 =	simm.s32 $0x13D78;
	s23 =	simm.s32 $0x171F8  }
0x3f: {  	v0 =	vimm.f32 $0.0e+00;
	v1 =	vimm.f32 $1.000000000e+00;
	s24 =	simm.s32 $0x4;
	s25 =	simm.s32 $0x1D9F8;
	s26 =	simm.s32 $0x3  }
.LBB2_11:
0x40: {  	_ =	swait.ge [sflag:s24], $0x3200  }
0x41: {  	[sflag:s24] =	ssyncset.done $0x0  }
0x42: {  	[sflag:s24] =	ssyncadd.s32 $0xFFFFCE00  }
0x43: {  	[spmem:s18] =	stream.indirect.scatter.add.f32 [tilespmem:s2], [sflag:$0x7], $0x80, s9, s21, $0xb8;
	[tilespmem:$0x1E278] =	vst v63  }
0x44: {  	_ =	swait.ge [sflag:s10], $0x3200  }
0x45: {  	[sflag:s10] =	ssyncset.done $0x0  }
0x46: {  	[sflag:s10] =	ssyncadd.s32 $0xFFFFCE00  }
0x47: {  	[spmem:s20] =	stream.indirect.scatter.add.f32 [tilespmem:s25], [sflag:$0x7], $0x1, s9, s21, $0xb8;
	[tilespmem:$0x1E278] =	vst v63  }
0x48: {  	_ =	swait.ge [sflag:s10], $0x64  }
0x49: {  	[sflag:s10] =	ssyncset.done $0x0  }
0x4a: {  	[sflag:s10] =	ssyncadd.s32 $0xFFFFFF9C  }
0x4b: {  	[bflag:$0x0] =	sbarrier.arrive $0xFFFF  }
0x4c: {  	s4 =	rddreg [dreg:$0xf]  }
0x4d: {  	[tilespmem:s2], [sflag:$0x7] =	stream.linear.gather [spmem:s4], $0x2800, $0x38;
	[tilespmem:$0x1E278] =	vst v63  }
0x4e: {  	_ =	swait.ge [sflag:s10], $0x2800  }
0x4f: {  	[sflag:s10] =	ssyncset.done $0x0  }
0x50: {  	s5 =	rddreg [dreg:$0x6];
	[sflag:s10] =	ssyncadd.s32 $0xFFFFD800  }
0x51: {  	[hbm4b:s5+s1] =	stream.linear.scatter [tilespmem:s2], [sflag:$0x7], $0x2800, $0x38;
	[tilespmem:$0x1E278] =	vst v63  }
0x52: {  	_ =	swait.ge [sflag:s10], $0x2800  }
0x53: {  	[sflag:s10] =	ssyncset.done $0x0  }
0x54: {  	s6 =	rddreg [dreg:$0x10];
	[sflag:s10] =	ssyncadd.s32 $0xFFFFD800  }
0x55: {  	[tilespmem:s2], [sflag:$0x7] =	stream.linear.gather [spmem:s6], $0x2800, $0x38;
	[tilespmem:$0x1E278] =	vst v63  }
0x56: {  	_ =	swait.ge [sflag:s10], $0x2800  }
0x57: {  	[sflag:s10] =	ssyncset.done $0x0  }
0x58: {  	s5 =	rddreg [dreg:$0x7];
	[sflag:s10] =	ssyncadd.s32 $0xFFFFD800  }
0x59: {  	[hbm4b:s5+s1] =	stream.linear.scatter [tilespmem:s2], [sflag:$0x7], $0x2800, $0x38;
	[tilespmem:$0x1E278] =	vst v63  }
0x5a: {  	_ =	swait.ge [sflag:s10], $0x2800  }
0x5b: {  	[sflag:s10] =	ssyncset.done $0x0  }
0x5c: {  	s6 =	rddreg [dreg:$0x11];
	[sflag:s10] =	ssyncadd.s32 $0xFFFFD800  }
0x5d: {  	[tilespmem:s2], [sflag:$0x7] =	stream.linear.gather [spmem:s6], $0x2800, $0x38;
	[tilespmem:$0x1E278] =	vst v63  }
0x5e: {  	_ =	swait.ge [sflag:s10], $0x2800  }
0x5f: {  	[sflag:s10] =	ssyncset.done $0x0  }
0x60: {  	s5 =	rddreg [dreg:$0x8];
	[sflag:s10] =	ssyncadd.s32 $0xFFFFD800  }
0x61: {  	[hbm4b:s5+s1] =	stream.linear.scatter [tilespmem:s2], [sflag:$0x7], $0x2800, $0x38;
	[tilespmem:$0x1E278] =	vst v63  }
0x62: {  	_ =	swait.ge [sflag:s10], $0x2800  }
0x63: {  	[sflag:s10] =	ssyncset.done $0x0  }
0x64: {  	s6 =	rddreg [dreg:$0x12];
	[sflag:s10] =	ssyncadd.s32 $0xFFFFD800  }
0x65: {  	[tilespmem:s2], [sflag:$0x7] =	stream.linear.gather [spmem:s6], $0x2800, $0x38;
	[tilespmem:$0x1E278] =	vst v63  }
0x66: {  	_ =	swait.ge [sflag:s10], $0x2800  }
0x67: {  	[sflag:s10] =	ssyncset.done $0x0  }
0x68: {  	s5 =	rddreg [dreg:$0x9];
	[sflag:s10] =	ssyncadd.s32 $0xFFFFD800  }
0x69: {  	[hbm4b:s5+s1] =	stream.linear.scatter [tilespmem:s2], [sflag:$0x7], $0x2800, $0x38;
	[tilespmem:$0x1E278] =	vst v63  }
0x6a: {  	_ =	swait.ge [sflag:s10], $0x2800  }
0x6b: {  	[sflag:s10] =	ssyncset.done $0x0  }
0x6c: {  	s6 =	rddreg [dreg:$0x13];
	[sflag:s10] =	ssyncadd.s32 $0xFFFFD800  }
0x6d: {  	[tilespmem:s2], [sflag:$0x7] =	stream.linear.gather [spmem:s6], $0x2800, $0x38;
	[tilespmem:$0x1E278] =	vst v63  }
0x6e: {  	_ =	swait.ge [sflag:s10], $0x2800  }
0x6f: {  	[sflag:s10] =	ssyncset.done $0x0  }
0x70: {  	s5 =	rddreg [dreg:$0xa];
	[sflag:s10] =	ssyncadd.s32 $0xFFFFD800  }
0x71: {  	[hbm4b:s5+s1] =	stream.linear.scatter [tilespmem:s2], [sflag:$0x7], $0x2800, $0x38;
	[tilespmem:$0x1E278] =	vst v63  }
0x72: {  	_ =	swait.ge [sflag:s10], $0x2800  }
0x73: {  	[sflag:s10] =	ssyncset.done $0x0  }
0x74: {  	s6 =	rddreg [dreg:$0x14];
	[sflag:s10] =	ssyncadd.s32 $0xFFFFD800  }
0x75: {  	[tilespmem:s2], [sflag:$0x7] =	stream.linear.gather [spmem:s6], $0x2800, $0x38;
	[tilespmem:$0x1E278] =	vst v63  }
0x76: {  	_ =	swait.ge [sflag:s10], $0x2800  }
0x77: {  	[sflag:s10] =	ssyncset.done $0x0  }
0x78: {  	s5 =	rddreg [dreg:$0xb];
	[sflag:s10] =	ssyncadd.s32 $0xFFFFD800  }
0x79: {  	[hbm4b:s5+s1] =	stream.linear.scatter [tilespmem:s2], [sflag:$0x7], $0x2800, $0x38;
	[tilespmem:$0x1E278] =	vst v63  }
0x7a: {  	_ =	swait.ge [sflag:s10], $0x2800  }
0x7b: {  	[sflag:s10] =	ssyncset.done $0x0  }
0x7c: {  	s6 =	rddreg [dreg:$0x15];
	[sflag:s10] =	ssyncadd.s32 $0xFFFFD800  }
0x7d: {  	[tilespmem:s2], [sflag:$0x7] =	stream.linear.gather [spmem:s6], $0x2800, $0x38;
	[tilespmem:$0x1E278] =	vst v63  }
0x7e: {  	_ =	swait.ge [sflag:s10], $0x2800  }
0x7f: {  	[sflag:s10] =	ssyncset.done $0x0  }
0x80: {  	s5 =	rddreg [dreg:$0xc];
	[sflag:s10] =	ssyncadd.s32 $0xFFFFD800  }
0x81: {  	[hbm4b:s5+s1] =	stream.linear.scatter [tilespmem:s2], [sflag:$0x7], $0x2800, $0x38;
	[tilespmem:$0x1E278] =	vst v63  }
0x82: {  	_ =	swait.ge [sflag:s10], $0x2800  }
0x83: {  	[sflag:s10] =	ssyncset.done $0x0  }
0x84: {  	s6 =	rddreg [dreg:$0x16];
	[sflag:s10] =	ssyncadd.s32 $0xFFFFD800  }
0x85: {  	[tilespmem:s2], [sflag:$0x7] =	stream.linear.gather [spmem:s6], $0x2000, $0x38;
	[tilespmem:$0x1E278] =	vst v63  }
0x86: {  	_ =	swait.ge [sflag:s10], $0x2000  }
0x87: {  	[sflag:s10] =	ssyncset.done $0x0  }
0x88: {  	s5 =	rddreg [dreg:$0xd];
	[sflag:s10] =	ssyncadd.s32 $0xFFFFE000  }
0x89: {  	[hbm4b:s5+s1] =	stream.linear.scatter [tilespmem:s2], [sflag:$0x7], $0x2000, $0x38;
	[tilespmem:$0x1E278] =	vst v63  }
0x8a: {  	_ =	swait.ge [sflag:s10], $0x2000  }
0x8b: {  	s5 =	sld [smem:$0x7FD]  }
0x8c: {  	[sflag:s10] =	ssyncset.done $0x0  }
0x8d: {  	s4 =	simm.s32 @!p3 $0x171F8;
	[sflag:s10] =	ssyncadd.s32 $0xFFFFE000  }
0x8e: {  	[tilespmem:s4], [sflag:$0x7] =	stream.linear.gather @!p3 [spmem:s5], $0x800, $0x38;
	[tilespmem:$0x1E278] =	vst v63  }
0x8f: {  	s5 =	simm.s32 @!p3 $0x7  }
0x90: {  	_ =	swait.ge @!p3 [sflag:s5], $0x800  }
0x91: {  	[sflag:s5] =	ssyncset.done @!p3 $0x0  }
0x92: {  	s6 =	simm.s32 @!p3 $0x0;
	s30 =	rddreg [dreg:$0x17];
	[sflag:s5] =	ssyncadd.s32 @!p3 $0xFFFFF800  }
0x93: {  	[hbm4b:s30+s6] =	stream.linear.scatter @!p3 [tilespmem:s4], [sflag:$0x7], $0x800, $0x38;
	[tilespmem:$0x1E278] =	vst v63  }
0x94: {  	_ =	swait.ge @!p3 [sflag:s5], $0x800  }
0x95: {  	[sflag:s5] =	ssyncset.done @!p3 $0x0  }
0x96: {  	s4 =	simm.s32 @!p1 $0x1DA78;
	[sflag:s5] =	ssyncadd.s32 @!p3 $0xFFFFF800;
	s5 =	simm.s32 @!p1 $0x7  }
0x97: {  	[tilespmem:s4], [sflag:$0x7] =	stream.linear.gather @!p1 [spmem:s20], $0x7D0, $0x38;
	[tilespmem:$0x1E278] =	vst v63  }
0x98: {  	_ =	swait.ge @!p1 [sflag:s5], $0x7D0  }
0x99: {  	[sflag:s5] =	ssyncset.done @!p1 $0x0  }
0x9a: {  	s6 =	simm.s32 @!p1 $0x0;
	s30 =	rddreg [dreg:$0x18];
	[sflag:s5] =	ssyncadd.s32 @!p1 $0xFFFFF830  }
0x9b: {  	[hbm4b:s30+s6] =	stream.linear.scatter @!p1 [tilespmem:s4], [sflag:$0x7], $0x7D0, $0x38;
	[tilespmem:$0x1E278] =	vst v63  }
0x9c: {  	_ =	swait.ge @!p1 [sflag:s5], $0x7D0  }
0x9d: {  	s30 =	sld [smem:$0x7F9]  }
0x9e: {  	[sflag:s5] =	ssyncset.done @!p1 $0x0  }
0x9f: {  	[sflag:s5] =	ssyncadd.s32 @!p1 $0xFFFFF830  }
0xa0: {  	[tilespmem:s4], [sflag:$0x7] =	stream.linear.gather @!p1 [spmem:s30], $0x7D0, $0x38;
	[tilespmem:$0x1E278] =	vst v63  }
0xa1: {  	_ =	swait.ge @!p1 [sflag:s5], $0x7D0  }
0xa2: {  	[sflag:s5] =	ssyncset.done @!p1 $0x0  }
0xa3: {  	s30 =	rddreg [dreg:$0x1a];
	[sflag:s5] =	ssyncadd.s32 @!p1 $0xFFFFF830  }
0xa4: {  	[hbm4b:s30+s6] =	stream.linear.scatter @!p1 [tilespmem:s4], [sflag:$0x7], $0x7D0, $0x38;
	[tilespmem:$0x1E278] =	vst v63  }
0xa5: {  	_ =	swait.ge @!p1 [sflag:s5], $0x7D0  }
0xa6: {  	s30 =	sld [smem:$0x7FA]  }
0xa7: {  	[sflag:s5] =	ssyncset.done @!p1 $0x0  }
0xa8: {  	[sflag:s5] =	ssyncadd.s32 @!p1 $0xFFFFF830  }
0xa9: {  	[tilespmem:s4], [sflag:$0x7] =	stream.linear.gather @!p1 [spmem:s30], $0x7D0, $0x38;
	[tilespmem:$0x1E278] =	vst v63  }
0xaa: {  	_ =	swait.ge @!p1 [sflag:s5], $0x7D0  }
0xab: {  	[sflag:s5] =	ssyncset.done @!p1 $0x0  }
0xac: {  	s30 =	rddreg [dreg:$0x1b];
	[sflag:s5] =	ssyncadd.s32 @!p1 $0xFFFFF830  }
0xad: {  	[hbm4b:s30+s6] =	stream.linear.scatter @!p1 [tilespmem:s4], [sflag:$0x7], $0x7D0, $0x38;
	[tilespmem:$0x1E278] =	vst v63  }
0xae: {  	_ =	swait.ge @!p1 [sflag:s5], $0x7D0  }
0xaf: {  	s30 =	sld [smem:$0x7FB]  }
0xb0: {  	[sflag:s5] =	ssyncset.done @!p1 $0x0  }
0xb1: {  	[sflag:s5] =	ssyncadd.s32 @!p1 $0xFFFFF830  }
0xb2: {  	[tilespmem:s4], [sflag:$0x7] =	stream.linear.gather @!p1 [spmem:s30], $0x7D0, $0x38;
	[tilespmem:$0x1E278] =	vst v63  }
0xb3: {  	_ =	swait.ge @!p1 [sflag:s5], $0x7D0  }
0xb4: {  	[sflag:s5] =	ssyncset.done @!p1 $0x0  }
0xb5: {  	s30 =	rddreg [dreg:$0x1c];
	[sflag:s5] =	ssyncadd.s32 @!p1 $0xFFFFF830  }
0xb6: {  	[hbm4b:s30+s6] =	stream.linear.scatter @!p1 [tilespmem:s4], [sflag:$0x7], $0x7D0, $0x38;
	[tilespmem:$0x1E278] =	vst v63  }
0xb7: {  	_ =	swait.ge @!p1 [sflag:s5], $0x7D0  }
0xb8: {  	s30 =	sld [smem:$0x7FC]  }
0xb9: {  	[sflag:s5] =	ssyncset.done @!p1 $0x0  }
0xba: {  	[sflag:s5] =	ssyncadd.s32 @!p1 $0xFFFFF830  }
0xbb: {  	[tilespmem:s4], [sflag:$0x7] =	stream.linear.gather @!p1 [spmem:s30], $0x7D0, $0x38;
	[tilespmem:$0x1E278] =	vst v63  }
0xbc: {  	_ =	swait.ge @!p1 [sflag:s5], $0x7D0  }
0xbd: {  	[sflag:s5] =	ssyncset.done @!p1 $0x0  }
0xbe: {  	s30 =	rddreg [dreg:$0x1d];
	[sflag:s5] =	ssyncadd.s32 @!p1 $0xFFFFF830  }
0xbf: {  	[hbm4b:s30+s6] =	stream.linear.scatter @!p1 [tilespmem:s4], [sflag:$0x7], $0x7D0, $0x38;
	[tilespmem:$0x1E278] =	vst v63  }
0xc0: {  	_ =	swait.ge @!p1 [sflag:s5], $0x7D0  }
0xc1: {  	[sflag:s5] =	ssyncset.done @!p1 $0x0  }
0xc2: {  	s4 =	simm.s32 @p4 $0x1DA78;
	[sflag:s5] =	ssyncadd.s32 @!p1 $0xFFFFF830;
	s5 =	simm.s32 @p4 $0x7  }
0xc3: {  	[tilespmem:s4], [sflag:$0x7] =	stream.linear.gather @p4 [spmem:s20], $0x7D0, $0x38;
	[tilespmem:$0x1E278] =	vst v63  }
0xc4: {  	_ =	swait.ge @p4 [sflag:s5], $0x7D0  }
0xc5: {  	[sflag:s5] =	ssyncset.done @p4 $0x0  }
0xc6: {  	s6 =	simm.s32 @p4 $0x0;
	s30 =	rddreg [dreg:$0x19];
	[sflag:s5] =	ssyncadd.s32 @p4 $0xFFFFF830  }
0xc7: {  	[hbm4b:s30+s6] =	stream.linear.scatter @p4 [tilespmem:s4], [sflag:$0x7], $0x7D0, $0x38;
	[tilespmem:$0x1E278] =	vst v63  }
0xc8: {  	_ =	swait.ge @p4 [sflag:s5], $0x7D0  }
0xc9: {  	s30 =	sld [smem:$0x7F9]  }
0xca: {  	[sflag:s5] =	ssyncset.done @p4 $0x0  }
0xcb: {  	[sflag:s5] =	ssyncadd.s32 @p4 $0xFFFFF830  }
0xcc: {  	[tilespmem:s4], [sflag:$0x7] =	stream.linear.gather @p4 [spmem:s30], $0x7D0, $0x38;
	[tilespmem:$0x1E278] =	vst v63  }
0xcd: {  	_ =	swait.ge @p4 [sflag:s5], $0x7D0  }
0xce: {  	[sflag:s5] =	ssyncset.done @p4 $0x0  }
0xcf: {  	s30 =	rddreg [dreg:$0x1e];
	[sflag:s5] =	ssyncadd.s32 @p4 $0xFFFFF830  }
0xd0: {  	[hbm4b:s30+s6] =	stream.linear.scatter @p4 [tilespmem:s4], [sflag:$0x7], $0x7D0, $0x38;
	[tilespmem:$0x1E278] =	vst v63  }
0xd1: {  	_ =	swait.ge @p4 [sflag:s5], $0x7D0  }
0xd2: {  	s30 =	sld [smem:$0x7FA]  }
0xd3: {  	[sflag:s5] =	ssyncset.done @p4 $0x0  }
0xd4: {  	[sflag:s5] =	ssyncadd.s32 @p4 $0xFFFFF830  }
0xd5: {  	[tilespmem:s4], [sflag:$0x7] =	stream.linear.gather @p4 [spmem:s30], $0x7D0, $0x38;
	[tilespmem:$0x1E278] =	vst v63  }
0xd6: {  	_ =	swait.ge @p4 [sflag:s5], $0x7D0  }
0xd7: {  	[sflag:s5] =	ssyncset.done @p4 $0x0  }
0xd8: {  	s30 =	rddreg [dreg:$0x1f];
	[sflag:s5] =	ssyncadd.s32 @p4 $0xFFFFF830  }
0xd9: {  	[hbm4b:s30+s6] =	stream.linear.scatter @p4 [tilespmem:s4], [sflag:$0x7], $0x7D0, $0x38;
	[tilespmem:$0x1E278] =	vst v63  }
0xda: {  	_ =	swait.ge @p4 [sflag:s5], $0x7D0  }
0xdb: {  	s30 =	sld [smem:$0x7FB]  }
0xdc: {  	[sflag:s5] =	ssyncset.done @p4 $0x0  }
0xdd: {  	[sflag:s5] =	ssyncadd.s32 @p4 $0xFFFFF830  }
0xde: {  	[tilespmem:s4], [sflag:$0x7] =	stream.linear.gather @p4 [spmem:s30], $0x7D0, $0x38;
	[tilespmem:$0x1E278] =	vst v63  }
0xdf: {  	_ =	swait.ge @p4 [sflag:s5], $0x7D0  }
0xe0: {  	s30 =	sld [smem:$0x7F1]  }
0xe1: {  	[sflag:s5] =	ssyncset.done @p4 $0x0  }
0xe2: {  	[sflag:s5] =	ssyncadd.s32 @p4 $0xFFFFF830  }
0xe3: {  	[hbm4b:s30+s6] =	stream.linear.scatter @p4 [tilespmem:s4], [sflag:$0x7], $0x7D0, $0x38;
	[tilespmem:$0x1E278] =	vst v63  }
0xe4: {  	_ =	swait.ge @p4 [sflag:s5], $0x7D0  }
0xe5: {  	s30 =	sld [smem:$0x7FC]  }
0xe6: {  	[sflag:s5] =	ssyncset.done @p4 $0x0  }
0xe7: {  	[sflag:s5] =	ssyncadd.s32 @p4 $0xFFFFF830  }
0xe8: {  	[tilespmem:s4], [sflag:$0x7] =	stream.linear.gather @p4 [spmem:s30], $0x7D0, $0x38;
	[tilespmem:$0x1E278] =	vst v63  }
0xe9: {  	_ =	swait.ge @p4 [sflag:s5], $0x7D0  }
0xea: {  	s30 =	sld [smem:$0x7F2]  }
0xeb: {  	[sflag:s5] =	ssyncset.done @p4 $0x0  }
0xec: {  	[sflag:s5] =	ssyncadd.s32 @p4 $0xFFFFF830  }
0xed: {  	[hbm4b:s30+s6] =	stream.linear.scatter @p4 [tilespmem:s4], [sflag:$0x7], $0x7D0, $0x38;
	[tilespmem:$0x1E278] =	vst v63  }
0xee: {  	_ =	swait.ge @p4 [sflag:s5], $0x7D0  }
0xef: {  	s30 =	sld [smem:$0x7F0]  }
0xf0: {  	s6 =	sld [smem:$0x7F3];
	_ =	sdelay $0x1  }
0xf1: {  	s30 =	sadd.s32 $0x1, s30  }
0xf2: {  	p5 =	sne.s32 s30, s6  }
.Ltmp1:
0xf3: {  	_ = 	snop;
	(pc) =	sbr.rel @!p5 .LBB2_12-.Ltmp1, $3  }
0xf4: {  	_ =	sdelay $0x1  }
0xf5: {  	[sflag:s5] =	ssyncset.done @p4 $0x0  }
0xf6: {  	[sflag:s5] =	ssyncadd.s32 @p4 $0xFFFFF830  }
.LBB2_1:
0xf7: {  	s4 =	rddreg [dreg:$0xe]  }
0xf8: {  	s5 =	sld [smem:$0x7F4]  }
0xf9: {  	[tilespmem:s8], [sflag:$0x1] =	stream.linear.gather [hbm4b:s4+s1], $0x80, $0x38;
	[tilespmem:$0x1E278] =	vst v63  }
0xfa: {  	s6 =	sld [smem:$0x7F5]  }
0xfb: {  	[tilespmem:s9], [sflag:$0x1] =	stream.linear.gather [hbm4b:s5+s1], $0x80, $0x38;
	[tilespmem:$0x1E278] =	vst v63  }
0xfc: {  	s5 =	simm.s32 $0x13B78  }
0xfd: {  	[tilespmem:s5], [sflag:$0x2] =	stream.linear.gather [hbm4b:s6+s1], $0x80, $0x38;
	[tilespmem:$0x1E278] =	vst v63  }
0xfe: {  	s6 =	sld [smem:$0x7F6];
	_ =	sdelay $0x1  }
0xff: {  	s5 =	sld [smem:$0x7F7]  }
0x100: {  	[tilespmem:s31], [sflag:$0x2] =	stream.linear.gather [hbm4b:s6+s1], $0x80, $0x38;
	[tilespmem:$0x1E278] =	vst v63  }
0x101: {  	s6 =	sld [smem:$0x7F8]  }
0x102: {  	[tilespmem:s17], [sflag:$0x3] =	stream.linear.gather [hbm4b:s5+s1], $0x80, $0x38;
	[tilespmem:$0x1E278] =	vst v63  }
0x103: {  	_ = 	snop  }
0x104: {  	[tilespmem:s0], [sflag:$0x3] =	stream.linear.gather [hbm4b:s6+s1], $0x80, $0x38;
	[tilespmem:$0x1E278] =	vst v63  }
0x105: {  	s5 =	simm.s32 $0x0;
	s6 =	simm.s32 $0x200  }
.LBB2_2:
0x106: {  	p4 =	sne.s32 s6, $0x9E00;
	[tilespmem:s5+$0x13E68] =	vst v0  }
0x107: {  	[tilespmem:s5+$0x13DF8] =	vst v0  }
0x108: {  	[tilespmem:s5+$0x13E08] =	vst v0  }
.Ltmp2:
0x109: {  	[tilespmem:s5+$0x13E18] =	vst v0;
	(pc) =	sbr.rel @p4 .LBB2_2-.Ltmp2, $4  }
0x10a: {  	[tilespmem:s5+$0x13E28] =	vst v0  }
0x10b: {  	[tilespmem:s5+$0x13E38] =	vst v0  }
0x10c: {  	[tilespmem:s5+$0x13E48] =	vst v0  }
0x10d: {  	[tilespmem:s5+$0x13E58] =	vst v0;
	s5 =	sshra.s32 s6, $0x2;
	s6 =	sadd.s32 $0x200, s6  }
0x10e: {  	[tilespmem:s5+$0x13E68] =	vst v0  }
0x10f: {  	[tilespmem:s5+$0x13DF8] =	vst v0  }
0x110: {  	[tilespmem:s5+$0x13E08] =	vst v0  }
0x111: {  	[tilespmem:s5+$0x13E18] =	vst v0  }
0x112: {  	[tilespmem:s5+$0x13E28] =	vst v0  }
0x113: {  	[tilespmem:s5+$0x13E38] =	vst v0  }
0x114: {  	[tilespmem:s5+$0x13E48] =	vst v0  }
0x115: {  	[tilespmem:s5+$0x13E58] =	vst v0  }
0x116: {  	[tilespmem:$0x1D9F8] =	vst v1  }
0x117: {  	[tilespmem:$0x1DA08] =	vst v1  }
0x118: {  	[tilespmem:$0x1DA18] =	vst v1  }
0x119: {  	[tilespmem:$0x1DA28] =	vst v1  }
0x11a: {  	[tilespmem:$0x1DA38] =	vst v1  }
0x11b: {  	[tilespmem:$0x1DA48] =	vst v1  }
0x11c: {  	[tilespmem:$0x1DA58] =	vst v1  }
0x11d: {  	s4 =	rddreg [dreg:$0xf];
	[tilespmem:$0x1DA68] =	vst v1  }
0x11e: {  	[spmem:s4] =	stream.linear.scatter [tilespmem:s2], [sflag:$0x7], $0x2800, $0x38;
	[tilespmem:$0x1E278] =	vst v63  }
0x11f: {  	_ =	swait.ge [sflag:s10], $0x2800  }
0x120: {  	[sflag:s10] =	ssyncset.done $0x0  }
0x121: {  	s6 =	rddreg [dreg:$0x10];
	[sflag:s10] =	ssyncadd.s32 $0xFFFFD800  }
0x122: {  	[spmem:s6] =	stream.linear.scatter [tilespmem:s2], [sflag:$0x7], $0x2800, $0x38;
	[tilespmem:$0x1E278] =	vst v63  }
0x123: {  	_ =	swait.ge [sflag:s10], $0x2800  }
0x124: {  	[sflag:s10] =	ssyncset.done $0x0  }
0x125: {  	s5 =	rddreg [dreg:$0x11];
	[sflag:s10] =	ssyncadd.s32 $0xFFFFD800  }
0x126: {  	[spmem:s5] =	stream.linear.scatter [tilespmem:s2], [sflag:$0x7], $0x2800, $0x38;
	[tilespmem:$0x1E278] =	vst v63  }
0x127: {  	_ =	swait.ge [sflag:s10], $0x2800  }
0x128: {  	[sflag:s10] =	ssyncset.done $0x0  }
0x129: {  	s6 =	rddreg [dreg:$0x12];
	[sflag:s10] =	ssyncadd.s32 $0xFFFFD800  }
0x12a: {  	[spmem:s6] =	stream.linear.scatter [tilespmem:s2], [sflag:$0x7], $0x2800, $0x38;
	[tilespmem:$0x1E278] =	vst v63  }
0x12b: {  	_ =	swait.ge [sflag:s10], $0x2800  }
0x12c: {  	[sflag:s10] =	ssyncset.done $0x0  }
0x12d: {  	s5 =	rddreg [dreg:$0x13];
	[sflag:s10] =	ssyncadd.s32 $0xFFFFD800  }
0x12e: {  	[spmem:s5] =	stream.linear.scatter [tilespmem:s2], [sflag:$0x7], $0x2800, $0x38;
	[tilespmem:$0x1E278] =	vst v63  }
0x12f: {  	_ =	swait.ge [sflag:s10], $0x2800  }
0x130: {  	[sflag:s10] =	ssyncset.done $0x0  }
0x131: {  	s6 =	rddreg [dreg:$0x14];
	[sflag:s10] =	ssyncadd.s32 $0xFFFFD800  }
0x132: {  	[spmem:s6] =	stream.linear.scatter [tilespmem:s2], [sflag:$0x7], $0x2800, $0x38;
	[tilespmem:$0x1E278] =	vst v63  }
0x133: {  	_ =	swait.ge [sflag:s10], $0x2800  }
0x134: {  	[sflag:s10] =	ssyncset.done $0x0  }
0x135: {  	s5 =	rddreg [dreg:$0x15];
	[sflag:s10] =	ssyncadd.s32 $0xFFFFD800  }
0x136: {  	[spmem:s5] =	stream.linear.scatter [tilespmem:s2], [sflag:$0x7], $0x2800, $0x38;
	[tilespmem:$0x1E278] =	vst v63  }
0x137: {  	_ =	swait.ge [sflag:s10], $0x2800  }
0x138: {  	[sflag:s10] =	ssyncset.done $0x0  }
.Ltmp3:
0x139: {  	s6 =	rddreg [dreg:$0x16];
	[sflag:s10] =	ssyncadd.s32 $0xFFFFD800;
	(pc) =	sbr.rel @p2 .LBB2_5-.Ltmp3, $4  }
0x13a: {  	[spmem:s6] =	stream.linear.scatter [tilespmem:s2], [sflag:$0x7], $0x2000, $0x38;
	[tilespmem:$0x1E278] =	vst v63  }
0x13b: {  	_ =	swait.ge [sflag:s10], $0x2000  }
0x13c: {  	[sflag:s10] =	ssyncset.done $0x0  }
0x13d: {  	[smem:$0x7F0] =	sst s30;
	[sflag:s10] =	ssyncadd.s32 $0xFFFFE000  }
0x13e: {  	s4 =	sld [smem:$0x7FD];
	_ =	sdelay $0x1  }
0x13f: {  	s5 =	simm.s32 @!p3 $0x13DF8  }
0x140: {  	[spmem:s4] =	stream.linear.scatter @!p3 [tilespmem:s5], [sflag:$0x7], $0x800, $0x38;
	[tilespmem:$0x1E278] =	vst v63  }
.Ltmp4:
0x141: {  	_ = 	snop;
	(pc) =	sbr.rel .LBB2_8-.Ltmp4, $4  }
0x142: {  	s5 =	simm.s32 @!p3 $0x7  }
0x143: {  	_ =	swait.ge @!p3 [sflag:s5], $0x800  }
0x144: {  	p5 =	por @!p3 $0x0, $0x0;
	p4 =	por $0x0, $0x0;
	[sflag:s5] =	ssyncset.done @!p3 $0x0  }
0x145: {  	p4 =	por @!p3 p5, p5;
	[sflag:s5] =	ssyncadd.s32 @!p3 $0xFFFFF800  }
.LBB2_5:
0x146: {  	s5 =	simm.s32 $0x40;
	s6 =	simm.s32 $0x0  }
.LBB2_6:
0x147: {  	p4 =	sne.s32 s5, $0x1F00;
	[tilespmem:s6+$0x1DA78] =	vst v0;
	s6 =	smov.u32 s5;
	s5 =	sadd.s32 $0x40, s5  }
.Ltmp5:
0x148: {  	(pc) =	sbr.rel @p4 .LBB2_6-.Ltmp5, $2  }
0x149: {  	_ =	sdelay $0x2  }
0x14a: {  	s6 =	sshra.s32 s6, $0x2  }
0x14b: {  	[tilespmem:s6+$0x1DA78] =	vst v0;
	s5 =	simm.s32 $0x1DA78  }
0x14c: {  	[spmem:s20] =	stream.linear.scatter [tilespmem:s5], [sflag:$0x7], $0x7D0, $0x38;
	[tilespmem:$0x1E278] =	vst v63  }
0x14d: {  	_ =	swait.ge [sflag:s10], $0x7D0  }
0x14e: {  	s4 =	sld [smem:$0x7F9]  }
0x14f: {  	[sflag:s10] =	ssyncset.done $0x0  }
0x150: {  	[sflag:s10] =	ssyncadd.s32 $0xFFFFF830  }
0x151: {  	[spmem:s4] =	stream.linear.scatter [tilespmem:s5], [sflag:$0x7], $0x7D0, $0x38;
	[tilespmem:$0x1E278] =	vst v63  }
0x152: {  	_ =	swait.ge [sflag:s10], $0x7D0  }
0x153: {  	s30 =	sld [smem:$0x7FA]  }
0x154: {  	[sflag:s10] =	ssyncset.done $0x0  }
0x155: {  	[sflag:s10] =	ssyncadd.s32 $0xFFFFF830  }
0x156: {  	[spmem:s30] =	stream.linear.scatter [tilespmem:s5], [sflag:$0x7], $0x7D0, $0x38;
	[tilespmem:$0x1E278] =	vst v63  }
0x157: {  	_ =	swait.ge [sflag:s10], $0x7D0  }
0x158: {  	s6 =	sld [smem:$0x7FB]  }
0x159: {  	[sflag:s10] =	ssyncset.done $0x0  }
0x15a: {  	[sflag:s10] =	ssyncadd.s32 $0xFFFFF830  }
0x15b: {  	[spmem:s6] =	stream.linear.scatter [tilespmem:s5], [sflag:$0x7], $0x7D0, $0x38;
	[tilespmem:$0x1E278] =	vst v63  }
0x15c: {  	_ =	swait.ge [sflag:s10], $0x7D0  }
0x15d: {  	s30 =	sld [smem:$0x7FC]  }
0x15e: {  	[sflag:s10] =	ssyncset.done $0x0  }
0x15f: {  	[sflag:s10] =	ssyncadd.s32 $0xFFFFF830  }
0x160: {  	[spmem:s30] =	stream.linear.scatter [tilespmem:s5], [sflag:$0x7], $0x7D0, $0x38;
	[tilespmem:$0x1E278] =	vst v63  }
0x161: {  	_ =	swait.ge [sflag:s10], $0x7D0  }
0x162: {  	[sflag:s10] =	ssyncset.done $0x0  }
0x163: {  	p4 =	por p0, p0;
	[sflag:s10] =	ssyncadd.s32 $0xFFFFF830  }
.LBB2_8:
0x164: {  	[bflag:$0x0] =	sbarrier.arrive $0xFFFF  }
0x165: {  	_ =	swait.ge [sflag:s7], $0x80  }
0x166: {  	[sflag:s7] =	ssyncset.done $0x0  }
0x167: {  	[sflag:s7] =	ssyncadd.s32 $0xFFFFFF80  }
0x168: {  	_ =	swait.ge [sflag:s7], $0x80  }
0x169: {  	[sflag:s7] =	ssyncset.done $0x0  }
0x16a: {  	[sflag:s7] =	ssyncadd.s32 $0xFFFFFF80  }
0x16b: {  	[tilespmem:s2], [sflag:$0x4] =	stream.indirect.gather [hbm4b:s15+s21], $0x80, s8, s21, $0xb8;
	[tilespmem:$0x1E278] =	vst v63  }
0x16c: {  	_ =	swait.ge [sflag:s22], $0x80  }
0x16d: {  	[sflag:s22] =	ssyncset.done $0x0  }
0x16e: {  	[sflag:s22] =	ssyncadd.s32 $0xFFFFFF80  }
0x16f: {  	_ =	swait.ge [sflag:s22], $0x80  }
0x170: {  	[sflag:s22] =	ssyncset.done $0x0  }
0x171: {  	s4 =	simm.s32 $0x13B78;
	s5 =	simm.s32 $0x0;
	[sflag:s22] =	ssyncadd.s32 $0xFFFFFF80  }
0x172: {  	[tilespmem:s23], [sflag:$0x5] =	stream.indirect.gather [hbm4b:s15+s21], $0x80, s4, s21, $0xb8;
	[tilespmem:$0x1E278] =	vst v63  }
.LBB2_9:
0x173: {  	_ =	swait.ge [sflag:s24], $0x3200  }
0x174: {  	[sflag:s24] =	ssyncset.done $0x0  }
0x175: {  	[sflag:s24] =	ssyncadd.s32 $0xFFFFCE00  }
0x176: {  	[spmem:s18] =	stream.indirect.scatter.add.f32 [tilespmem:s2], [sflag:$0x7], $0x80, s9, s21, $0xb8;
	[tilespmem:$0x1E278] =	vst v63  }
0x177: {  	_ =	swait.ge [sflag:s10], $0x3200  }
0x178: {  	[sflag:s10] =	ssyncset.done $0x0  }
0x179: {  	[sflag:s10] =	ssyncadd.s32 $0xFFFFCE00  }
0x17a: {  	[spmem:s20] =	stream.indirect.scatter.add.f32 [tilespmem:s25], [sflag:$0x7], $0x1, s9, s21, $0xb8;
	[tilespmem:$0x1E278] =	vst v63  }
0x17b: {  	_ =	swait.ge [sflag:s10], $0x64  }
0x17c: {  	[sflag:s10] =	ssyncset.done $0x0  }
0x17d: {  	s6 =	sadd.s32 s5, s19;
	[sflag:s10] =	ssyncadd.s32 $0xFFFFFF9C  }
0x17e: {  	[tilespmem:s8], [sflag:$0x1] =	stream.linear.gather [hbm4b:s6+s1], $0x80, $0x38;
	[tilespmem:$0x1E278] =	vst v63  }
0x17f: {  	s30 =	sadd.s32 s5, s16  }
0x180: {  	[tilespmem:s9], [sflag:$0x1] =	stream.linear.gather [hbm4b:s30+s1], $0x80, $0x38;
	[tilespmem:$0x1E278] =	vst v63  }
0x181: {  	_ =	swait.ge [sflag:s26], $0x80  }
0x182: {  	[sflag:s26] =	ssyncset.done $0x0  }
0x183: {  	[sflag:s26] =	ssyncadd.s32 $0xFFFFFF80  }
0x184: {  	_ =	swait.ge [sflag:s26], $0x80  }
0x185: {  	[sflag:s26] =	ssyncset.done $0x0  }
0x186: {  	[sflag:s26] =	ssyncadd.s32 $0xFFFFFF80  }
0x187: {  	[tilespmem:s28], [sflag:$0x6] =	stream.indirect.gather [hbm4b:s15+s21], $0x80, s17, s21, $0xb8;
	[tilespmem:$0x1E278] =	vst v63  }
0x188: {  	_ =	swait.ge [sflag:s29], $0x3200  }
0x189: {  	[sflag:s29] =	ssyncset.done $0x0  }
0x18a: {  	[sflag:s29] =	ssyncadd.s32 $0xFFFFCE00  }
0x18b: {  	[spmem:s18] =	stream.indirect.scatter.add.f32 [tilespmem:s23], [sflag:$0x7], $0x80, s31, s21, $0xb8;
	[tilespmem:$0x1E278] =	vst v63  }
0x18c: {  	_ =	swait.ge [sflag:s10], $0x3200  }
0x18d: {  	[sflag:s10] =	ssyncset.done $0x0  }
0x18e: {  	[sflag:s10] =	ssyncadd.s32 $0xFFFFCE00  }
0x18f: {  	[spmem:s20] =	stream.indirect.scatter.add.f32 [tilespmem:s25], [sflag:$0x7], $0x1, s31, s21, $0xb8;
	[tilespmem:$0x1E278] =	vst v63  }
0x190: {  	p5 =	seq.s32 s5, $0x600;
	_ =	swait.ge [sflag:s10], $0x64  }
0x191: {  	s4 =	simm.s32 @!p5 $0x0;
	[sflag:s10] =	ssyncset.done $0x0  }
0x192: {  	s6 =	sadd.s32 @!p5 s5, s14;
	s30 =	simm.s32 @!p5 $0x13B78;
	[sflag:s10] =	ssyncadd.s32 $0xFFFFFF9C  }
0x193: {  	[tilespmem:s30], [sflag:$0x2] =	stream.linear.gather @!p5 [hbm4b:s6+s4], $0x80, $0x38;
	[tilespmem:$0x1E278] =	vst v63  }
0x194: {  	s6 =	sadd.s32 @!p5 s5, s13;
	s30 =	simm.s32 @!p5 $0x13CF8  }
0x195: {  	[tilespmem:s30], [sflag:$0x2] =	stream.linear.gather @!p5 [hbm4b:s6+s4], $0x80, $0x38;
	[tilespmem:$0x1E278] =	vst v63  }
0x196: {  	_ =	swait.ge [sflag:s7], $0x80  }
0x197: {  	[sflag:s7] =	ssyncset.done $0x0  }
0x198: {  	[sflag:s7] =	ssyncadd.s32 $0xFFFFFF80  }
0x199: {  	_ =	swait.ge [sflag:s7], $0x80  }
0x19a: {  	[sflag:s7] =	ssyncset.done $0x0  }
0x19b: {  	[sflag:s7] =	ssyncadd.s32 $0xFFFFFF80  }
0x19c: {  	[tilespmem:s2], [sflag:$0x4] =	stream.indirect.gather [hbm4b:s15+s21], $0x80, s8, s21, $0xb8;
	[tilespmem:$0x1E278] =	vst v63  }
0x19d: {  	_ =	swait.ge [sflag:s3], $0x3200  }
0x19e: {  	[sflag:s3] =	ssyncset.done $0x0  }
0x19f: {  	[sflag:s3] =	ssyncadd.s32 $0xFFFFCE00  }
0x1a0: {  	[spmem:s18] =	stream.indirect.scatter.add.f32 [tilespmem:s28], [sflag:$0x7], $0x80, s0, s21, $0xb8;
	[tilespmem:$0x1E278] =	vst v63  }
0x1a1: {  	_ =	swait.ge [sflag:s10], $0x3200  }
0x1a2: {  	[sflag:s10] =	ssyncset.done $0x0  }
.Ltmp6:
0x1a3: {  	[sflag:s10] =	ssyncadd.s32 $0xFFFFCE00;
	(pc) =	sbr.rel @p5 .LBB2_11-.Ltmp6, $4  }
0x1a4: {  	[spmem:s20] =	stream.indirect.scatter.add.f32 [tilespmem:s25], [sflag:$0x7], $0x1, s0, s21, $0xb8;
	[tilespmem:$0x1E278] =	vst v63  }
0x1a5: {  	_ =	swait.ge [sflag:s10], $0x64  }
0x1a6: {  	[sflag:s10] =	ssyncset.done $0x0  }
0x1a7: {  	[sflag:s10] =	ssyncadd.s32 $0xFFFFFF9C  }
0x1a8: {  	s4 =	sadd.s32 s5, s12  }
0x1a9: {  	[tilespmem:s17], [sflag:$0x3] =	stream.linear.gather [hbm4b:s4+s1], $0x80, $0x38;
	[tilespmem:$0x1E278] =	vst v63  }
0x1aa: {  	s6 =	sadd.s32 s5, s11  }
0x1ab: {  	[tilespmem:s0], [sflag:$0x3] =	stream.linear.gather [hbm4b:s6+s1], $0x80, $0x38;
	[tilespmem:$0x1E278] =	vst v63  }
0x1ac: {  	_ =	swait.ge [sflag:s22], $0x80  }
0x1ad: {  	[sflag:s22] =	ssyncset.done $0x0  }
.Ltmp7:
0x1ae: {  	[sflag:s22] =	ssyncadd.s32 $0xFFFFFF80;
	(pc) =	sbr.rel .LBB2_9-.Ltmp7, $4  }
0x1af: {  	_ =	swait.ge [sflag:s22], $0x80  }
0x1b0: {  	[sflag:s22] =	ssyncset.done $0x0  }
0x1b1: {  	s30 =	simm.s32 $0x13B78;
	s5 =	sadd.s32 $0x30, s5;
	[sflag:s22] =	ssyncadd.s32 $0xFFFFFF80  }
0x1b2: {  	[tilespmem:s23], [sflag:$0x5] =	stream.indirect.gather [hbm4b:s15+s21], $0x80, s30, s21, $0xb8;
	[tilespmem:$0x1E278] =	vst v63  }
.LBB2_12:
0x1b3: {  	_ =	sfence.sel $0x180000  }
0x1b4: {  	[bflag:$0x0] =	sbarrier.arrive $0xFFFF  }
0x1b5: {  	_ =	strace $0x90000047  }
0x1b6: {  	s0 =	stileid.u32;
	[bflag:$0x2] =	sbarrier.arrive $0xFFFF  }
0x1b7: {  	p0 =	sne.s32 s0, $0x0;
	s0 =	rddreg [dreg:$0x5]  }
0x1b8: {  	s0 =	sadd.s32 @!p0 $0x100000, s0  }
0x1b9: {  	[sflag:s0] =	ssyncadd.tile.s32 @!p0 $0x1;
	_ =	shalt  }
.Lfunc_end2:
_tile_overlayer_lowered:
.L_overlay_start_2:
0x1ba: {  	(tag) =	ssettag $0x2  }
0x1bb: {  	s0 =	rddreg [dreg:$0x0];
	s2 =	stileid.u32  }
0x1bc: {  	s1 =	rddreg [dreg:$0x1];
	p0 =	sne.s32 s2, $0x0  }
0x1bd: {  	s3 =	rddreg [dreg:$0x2];
	[bflag:$0x3] =	sbarrier.arrive $0xFFFF;
	s2 =	simm.s32 @!p0 $0x1C07  }
0x1be: {  	[timem:s3], [sflag:s2] =	dma.local @!p0 [hbm:s0], s1  }
0x1bf: {  	s0 =	simm.s32 @!p0 $0x7  }
0x1c0: {  	_ =	swait.ge @!p0 [sflag:s0], s1  }
0x1c1: {  	s1 =	ssub.s32 @!p0 $0x0, s1;
	[sflag:s0] =	ssyncset.done @!p0 $0x0  }
0x1c2: {  	[sflag:s0] =	ssyncadd.s32 @!p0 s1  }
0x1c3: {  	[bflag:$0x3] =	sbarrier.arrive $0xFFFF  }
0x1c4: {  	_ =	shalt  }

</sc_bundles>
